<compile_context>
chip_gen: v7x
topology: tpu7x:2x2x1
jax: 0.10.2.dev20260603
libtpu: 0.0.44.dev20260713+nightly
codegen_flags: <defaults>
</compile_context>

<pallas_src>
import jax
import jax.numpy as jnp
from jax import lax
from jax.experimental import pallas as pl
from jax.experimental.pallas import tpu as pltpu
from jax.experimental.pallas import tpu_sc as plsc

H, W = 2160, 3840
N = H * W
NC, NS, L = 2, 16, 16
NW = NC * NS
CROWS = 8
TOTCH = H // CROWS
BASECH = TOTCH // NW
EXTRA = TOTCH % NW
HWCOLS = W // 2
VPR = W // L
STEPS = CROWS * VPR
UNROLL = 8
BINS = 32
PCOLS = 128


def _sc_body(f1, f2, out1, out2, b1a, b1b, b2a, b2b,
             hist1, hist2, stage, s1a, s1b, s2a, s2b):
    wid = lax.axis_index("s") * NC + lax.axis_index("c")
    has_tail = wid < 2 * EXTRA
    lane = lax.iota(jnp.int32, L)
    zeros16 = jnp.zeros((L,), jnp.float32)
    ones16 = jnp.ones((L,), jnp.float32)

    for j in range(BINS):
        hist1[pl.ds(j * L, L)] = zeros16
        hist2[pl.ds(j * L, L)] = zeros16

    bufs1 = (b1a, b1b)
    bufs2 = (b2a, b2b)
    sems1 = (s1a, s1b)
    sems2 = (s2a, s2b)

    def issue(k, slot):
        rbase = (wid + NW * k) * CROWS
        pltpu.async_copy(f1.at[pl.ds(rbase, CROWS)], bufs1[slot], sems1[slot])
        pltpu.async_copy(f2.at[pl.ds(rbase, CROWS)], bufs2[slot], sems2[slot])

    def drain(slot):
        pltpu.make_async_copy(f1.at[pl.ds(0, CROWS)],
                              bufs1[slot], sems1[slot]).wait()
        pltpu.make_async_copy(f2.at[pl.ds(0, CROWS)],
                              bufs2[slot], sems2[slot]).wait()

    def issue_tail(slot):
        rbase = (BASECH * NW + wid // 2) * CROWS
        cbase = (wid % 2) * HWCOLS
        hsrc1 = f1.at[pl.ds(rbase, CROWS), pl.ds(cbase, HWCOLS)]
        hsrc2 = f2.at[pl.ds(rbase, CROWS), pl.ds(cbase, HWCOLS)]
        hdst1 = bufs1[slot].at[pl.ds(0, CROWS), pl.ds(0, HWCOLS)]
        hdst2 = bufs2[slot].at[pl.ds(0, CROWS), pl.ds(0, HWCOLS)]
        pltpu.async_copy(hsrc1, hdst1, sems1[slot])
        pltpu.async_copy(hsrc2, hdst2, sems2[slot])

    def drain_tail(slot):
        pltpu.make_async_copy(
            f1.at[pl.ds(0, CROWS), pl.ds(0, HWCOLS)],
            bufs1[slot].at[pl.ds(0, CROWS), pl.ds(0, HWCOLS)],
            sems1[slot]).wait()
        pltpu.make_async_copy(
            f2.at[pl.ds(0, CROWS), pl.ds(0, HWCOLS)],
            bufs2[slot].at[pl.ds(0, CROWS), pl.ds(0, HWCOLS)],
            sems2[slot]).wait()

    issue(0, 0)
    issue(1, 1)

    def tree_sum(vs):
        vs = list(vs)
        while len(vs) > 1:
            nxt = [vs[k] + vs[k + 1] for k in range(0, len(vs) - 1, 2)]
            if len(vs) % 2:
                nxt.append(vs[-1])
            vs = nxt
        return vs[0]

    def compute_chunk(buf1, buf2, carry, vpr=VPR):
        def step(i, carry2):
            sad, ab = carry2
            r = i // vpr
            cc = (i % vpr) * L
            v1s = [buf1[r, pl.ds(cc + u * L, L)] for u in range(UNROLL)]
            v2s = [buf2[r, pl.ds(cc + u * L, L)] for u in range(UNROLL)]
            idx1 = [(v * (BINS - 1.0)).astype(jnp.int32) * L + lane
                    for v in v1s]
            idx2 = [(v * (BINS - 1.0)).astype(jnp.int32) * L + lane
                    for v in v2s]
            sad = sad + tree_sum([jnp.abs(a - b) for a, b in zip(v1s, v2s)])
            ab = ab + tree_sum(v1s)
            for u in range(UNROLL):
                plsc.addupdate_scatter(hist1, [idx1[u]], ones16)
                plsc.addupdate_scatter(hist2, [idx2[u]], ones16)
            return (sad, ab)

        return plsc.parallel_loop(0, CROWS * vpr, step=UNROLL,
                                  carry=carry)(step)

    def pair_body(g, carry):
        kbase = g * 2
        for slot in (0, 1):
            k = kbase + slot
            drain(slot)
            carry = compute_chunk(bufs1[slot], bufs2[slot], carry)
            nxt = k + 2

            @pl.when(nxt < BASECH)
            def _():
                issue(nxt, slot)

            @pl.when((nxt == BASECH) & has_tail)
            def _():
                issue_tail(slot)

        return carry

    carry = lax.fori_loop(0, BASECH // 2, pair_body, (zeros16, zeros16))

    def tail_chunk(carry):
        drain_tail(0)
        return compute_chunk(bufs1[0], bufs2[0], carry, vpr=HWCOLS // L)

    sad_acc, abs_acc = lax.cond(has_tail, tail_chunk, lambda c: c, carry)

    for frame_i, (hist, out) in enumerate(((hist1, out1), (hist2, out2))):
        for j in range(PCOLS // L):
            stage[pl.ds(j * L, L)] = zeros16
        for bb in (0, L):
            idx0 = (lane + bb) * L
            acc = zeros16
            for l in range(L):
                acc = acc + plsc.load_gather(hist, [idx0 + l])
            stage[pl.ds(bb, L)] = acc
        if frame_i == 0:
            stage[pl.ds(64, L)] = sad_acc
            stage[pl.ds(80, L)] = abs_acc
        pltpu.sync_copy(stage, out.at[wid])


_sc_call = pl.kernel(
    _sc_body,
    out_type=(
        jax.ShapeDtypeStruct((NW, PCOLS), jnp.float32),
        jax.ShapeDtypeStruct((NW, PCOLS), jnp.float32),
    ),
    mesh=plsc.VectorSubcoreMesh(core_axis_name="c", subcore_axis_name="s"),
    compiler_params=pltpu.CompilerParams(needs_layout_passes=False),
    scratch_types=[
        pltpu.VMEM((CROWS, W), jnp.float32),
        pltpu.VMEM((CROWS, W), jnp.float32),
        pltpu.VMEM((CROWS, W), jnp.float32),
        pltpu.VMEM((CROWS, W), jnp.float32),
        pltpu.VMEM((BINS * L,), jnp.float32),
        pltpu.VMEM((BINS * L,), jnp.float32),
        pltpu.VMEM((PCOLS,), jnp.float32),
        pltpu.SemaphoreType.DMA,
        pltpu.SemaphoreType.DMA,
        pltpu.SemaphoreType.DMA,
        pltpu.SemaphoreType.DMA,
    ],
)


def _tc_epilogue(p1_ref, p2_ref, out_ref):
    s1 = jnp.sum(p1_ref[...], axis=0, keepdims=True)
    s2 = jnp.sum(p2_ref[...], axis=0, keepdims=True)
    col = lax.broadcasted_iota(jnp.int32, (1, PCOLS), 1)
    isbin = col < BINS
    h1 = jnp.where(isbin, s1, 0.0)
    h2 = jnp.where(isbin, s2, 0.0)
    h1n = h1 / jnp.sum(h1)
    h2n = h2 / jnp.sum(h2)
    chi = jnp.sum(jnp.where(isbin, (h1n - h2n) ** 2 / (h1n + h2n + 1e-10), 0.0)) * 0.5
    sad_sum = jnp.sum(jnp.where((col >= 64) & (col < 80), s1, 0.0))
    abs_sum = jnp.sum(jnp.where((col >= 80) & (col < 96), s1, 0.0))
    sad_score = (sad_sum / N) / jnp.maximum(abs_sum / N, 1e-6)
    flag = jnp.where((sad_score > 0.3) | (chi > 0.5), 1.0, 0.0)
    r = jnp.where(col == 0, flag, jnp.where(col == 1, sad_score,
                                            jnp.where(col == 2, chi, 0.0)))
    out_ref[...] = jnp.broadcast_to(r, (8, PCOLS))


def kernel(frame1, frame2):
    p1, p2 = _sc_call(frame1, frame2)
    out = pl.pallas_call(
        _tc_epilogue,
        out_shape=jax.ShapeDtypeStruct((8, PCOLS), jnp.float32),
    )(p1, p2)
    return (out[0, 0] > 0.5, out[0, 1], out[0, 2])

# --- scband reference (transcript-rebuilt; emitter-appended) ---
"""Pipeline reference for scband-model-15307263443703 (READ-ONLY COPY).

The authoritative reference and input builder live on the scoring server;
editing this copy changes nothing except your own understanding.
"""

import jax, jax.numpy as jnp
import numpy as np


def setup_inputs(seed: int = 0) -> dict:
    key = jax.random.key(seed)
    k1, k2 = jax.random.split(key)
    H, W = 2160, 3840
    frame1 = jax.random.uniform(k1, (H, W), dtype=jnp.float32)
    frame2 = jax.random.uniform(k2, (H, W), dtype=jnp.float32)
    return {"frame1": frame1, "frame2": frame2}


def reference(frame1, frame2):
    sad_threshold = 0.3
    hist_threshold = 0.5

    # SAD score
    sad = jnp.abs(frame1 - frame2).mean()
    sad_score = sad / jnp.maximum(jnp.abs(frame1).mean(), 1e-06)

    # Histogram chi-square difference
    bins = 32
    frame1_q = jnp.clip(frame1 * (bins - 1), 0, bins - 1).astype(jnp.int32).flatten()
    frame2_q = jnp.clip(frame2 * (bins - 1), 0, bins - 1).astype(jnp.int32).flatten()
    hist1 = jnp.bincount(frame1_q, minlength=bins, length=bins).astype(jnp.float32)
    hist2 = jnp.bincount(frame2_q, minlength=bins, length=bins).astype(jnp.float32)
    hist1 = hist1 / hist1.sum()
    hist2 = hist2 / hist2.sum()
    chi_sq = (((hist1 - hist2) ** 2) / (hist1 + hist2 + 1e-10)).sum() / 2

    # Sobel edge difference (computed in original forward; not part of decision)
    sobel_x = jnp.array([[-1.0, 0.0, 1.0], [-2.0, 0.0, 2.0], [-1.0, 0.0, 1.0]], dtype=jnp.float32)
    sobel_x = sobel_x.reshape(1, 1, 3, 3)
    f1 = frame1[None, None, :, :]
    f2 = frame2[None, None, :, :]
    edge1 = jnp.abs(jax.lax.conv_general_dilated(f1, sobel_x, window_strides=(1, 1), padding='SAME')).mean()
    edge2 = jnp.abs(jax.lax.conv_general_dilated(f2, sobel_x, window_strides=(1, 1), padding='SAME')).mean()
    edge_diff = jnp.abs(edge1 - edge2) / (edge1 + edge2 + 1e-10)

    is_scene_change = (sad_score > sad_threshold) | (chi_sq > hist_threshold)
    return (is_scene_change, sad_score, chi_sq)

if __name__ == "__main__":
    import jax
    _d = setup_inputs()
    print(jax.jit(kernel)(*tuple(_d.values())))

</pallas_src>

<mosaic_0001>
#map = affine_map<(d0, d1) -> (0, 0)>
module attributes {stable_mosaic.version = 14 : i64} {
  func.func @_sc_body(%arg0: i32, %arg1: i32, %arg2: memref<2160x3840xf32, #tpu.memory_space<hbm>>, %arg3: memref<2160x3840xf32, #tpu.memory_space<hbm>>, %arg4: memref<32x128xf32, #tpu.memory_space<hbm>>, %arg5: memref<32x128xf32, #tpu.memory_space<hbm>>, %arg6: memref<8x3840xf32, #tpu.memory_space<vmem>>, %arg7: memref<8x3840xf32, #tpu.memory_space<vmem>>, %arg8: memref<8x3840xf32, #tpu.memory_space<vmem>>, %arg9: memref<8x3840xf32, #tpu.memory_space<vmem>>, %arg10: memref<512xf32, #tpu.memory_space<vmem>>, %arg11: memref<512xf32, #tpu.memory_space<vmem>>, %arg12: memref<128xf32, #tpu.memory_space<vmem>>, %arg13: memref<!tpu.dma_semaphore, #tpu.memory_space<semaphore_mem>>, %arg14: memref<!tpu.dma_semaphore, #tpu.memory_space<semaphore_mem>>, %arg15: memref<!tpu.dma_semaphore, #tpu.memory_space<semaphore_mem>>, %arg16: memref<!tpu.dma_semaphore, #tpu.memory_space<semaphore_mem>>) attributes {dimension_semantics = [#tpu.dimension_semantics<core_parallel>, #tpu.dimension_semantics<subcore_parallel>], iteration_bounds = array<i64: 2, 16>, scalar_prefetch = 0 : i64, scratch_operands = 11 : i64, tpu.core_type = #tpu.core_type<sc_vector_subcore>, window_params = [{transform_indices = #map}, {transform_indices = #map}, {transform_indices = #map}, {transform_indices = #map}]} {
    %mul3A = arith.constant 2 : i32
    %mul3A_0 = arith.muli %arg1, %mul3A : i32
    %add3A = arith.addi %mul3A_0, %arg0 : i32
    %lt3A = arith.constant 28 : i32
    %lt3A_1 = arith.cmpi slt, %add3A, %lt3A : i32
    %iota3A = tpu.iota {dimensions = array<i32: 0>} : vector<16xi32>
    %broadcast_in_dim3A = arith.constant 0.000000e+00 : f32
    %broadcast_in_dim3A_2 = vector.broadcast %broadcast_in_dim3A : f32 to vector<16xf32>
    %broadcast_in_dim3A_3 = arith.constant 1.000000e+00 : f32
    %broadcast_in_dim3A_4 = vector.broadcast %broadcast_in_dim3A_3 : f32 to vector<16xf32>
    %swap3A = arith.constant 0 : index
    %swap3A_5 = tpu.vector_load %arg10[%swap3A] {strides = array<i32>} : memref<512xf32, #tpu.memory_space<vmem>>, vector<16xf32>,
    tpu.vector_store %arg10[%swap3A], %broadcast_in_dim3A_2 {strides = array<i32>} : memref<512xf32, #tpu.memory_space<vmem>>, vector<16xf32>,
    %swap3A_6 = arith.constant 0 : index
    %swap3A_7 = tpu.vector_load %arg11[%swap3A_6] {strides = array<i32>} : memref<512xf32, #tpu.memory_space<vmem>>, vector<16xf32>,
    tpu.vector_store %arg11[%swap3A_6], %broadcast_in_dim3A_2 {strides = array<i32>} : memref<512xf32, #tpu.memory_space<vmem>>, vector<16xf32>,
    %swap3A_8 = arith.constant 16 : index
    %swap3A_9 = tpu.vector_load %arg10[%swap3A_8] {strides = array<i32>} : memref<512xf32, #tpu.memory_space<vmem>>, vector<16xf32>,
    tpu.vector_store %arg10[%swap3A_8], %broadcast_in_dim3A_2 {strides = array<i32>} : memref<512xf32, #tpu.memory_space<vmem>>, vector<16xf32>,
    %swap3A_10 = arith.constant 16 : index
    %swap3A_11 = tpu.vector_load %arg11[%swap3A_10] {strides = array<i32>} : memref<512xf32, #tpu.memory_space<vmem>>, vector<16xf32>,
    tpu.vector_store %arg11[%swap3A_10], %broadcast_in_dim3A_2 {strides = array<i32>} : memref<512xf32, #tpu.memory_space<vmem>>, vector<16xf32>,
    %swap3A_12 = arith.constant 32 : index
    %swap3A_13 = tpu.vector_load %arg10[%swap3A_12] {strides = array<i32>} : memref<512xf32, #tpu.memory_space<vmem>>, vector<16xf32>,
    tpu.vector_store %arg10[%swap3A_12], %broadcast_in_dim3A_2 {strides = array<i32>} : memref<512xf32, #tpu.memory_space<vmem>>, vector<16xf32>,
    %swap3A_14 = arith.constant 32 : index
    %swap3A_15 = tpu.vector_load %arg11[%swap3A_14] {strides = array<i32>} : memref<512xf32, #tpu.memory_space<vmem>>, vector<16xf32>,
    tpu.vector_store %arg11[%swap3A_14], %broadcast_in_dim3A_2 {strides = array<i32>} : memref<512xf32, #tpu.memory_space<vmem>>, vector<16xf32>,
    %swap3A_16 = arith.constant 48 : index
    %swap3A_17 = tpu.vector_load %arg10[%swap3A_16] {strides = array<i32>} : memref<512xf32, #tpu.memory_space<vmem>>, vector<16xf32>,
    tpu.vector_store %arg10[%swap3A_16], %broadcast_in_dim3A_2 {strides = array<i32>} : memref<512xf32, #tpu.memory_space<vmem>>, vector<16xf32>,
    %swap3A_18 = arith.constant 48 : index
    %swap3A_19 = tpu.vector_load %arg11[%swap3A_18] {strides = array<i32>} : memref<512xf32, #tpu.memory_space<vmem>>, vector<16xf32>,
    tpu.vector_store %arg11[%swap3A_18], %broadcast_in_dim3A_2 {strides = array<i32>} : memref<512xf32, #tpu.memory_space<vmem>>, vector<16xf32>,
    %swap3A_20 = arith.constant 64 : index
    %swap3A_21 = tpu.vector_load %arg10[%swap3A_20] {strides = array<i32>} : memref<512xf32, #tpu.memory_space<vmem>>, vector<16xf32>,
    tpu.vector_store %arg10[%swap3A_20], %broadcast_in_dim3A_2 {strides = array<i32>} : memref<512xf32, #tpu.memory_space<vmem>>, vector<16xf32>,
    %swap3A_22 = arith.constant 64 : index
    %swap3A_23 = tpu.vector_load %arg11[%swap3A_22] {strides = array<i32>} : memref<512xf32, #tpu.memory_space<vmem>>, vector<16xf32>,
    tpu.vector_store %arg11[%swap3A_22], %broadcast_in_dim3A_2 {strides = array<i32>} : memref<512xf32, #tpu.memory_space<vmem>>, vector<16xf32>,
    %swap3A_24 = arith.constant 80 : index
    %swap3A_25 = tpu.vector_load %arg10[%swap3A_24] {strides = array<i32>} : memref<512xf32, #tpu.memory_space<vmem>>, vector<16xf32>,
    tpu.vector_store %arg10[%swap3A_24], %broadcast_in_dim3A_2 {strides = array<i32>} : memref<512xf32, #tpu.memory_space<vmem>>, vector<16xf32>,
    %swap3A_26 = arith.constant 80 : index
    %swap3A_27 = tpu.vector_load %arg11[%swap3A_26] {strides = array<i32>} : memref<512xf32, #tpu.memory_space<vmem>>, vector<16xf32>,
    tpu.vector_store %arg11[%swap3A_26], %broadcast_in_dim3A_2 {strides = array<i32>} : memref<512xf32, #tpu.memory_space<vmem>>, vector<16xf32>,
    %swap3A_28 = arith.constant 96 : index
    %swap3A_29 = tpu.vector_load %arg10[%swap3A_28] {strides = array<i32>} : memref<512xf32, #tpu.memory_space<vmem>>, vector<16xf32>,
    tpu.vector_store %arg10[%swap3A_28], %broadcast_in_dim3A_2 {strides = array<i32>} : memref<512xf32, #tpu.memory_space<vmem>>, vector<16xf32>,
    %swap3A_30 = arith.constant 96 : index
    %swap3A_31 = tpu.vector_load %arg11[%swap3A_30] {strides = array<i32>} : memref<512xf32, #tpu.memory_space<vmem>>, vector<16xf32>,
    tpu.vector_store %arg11[%swap3A_30], %broadcast_in_dim3A_2 {strides = array<i32>} : memref<512xf32, #tpu.memory_space<vmem>>, vector<16xf32>,
    %swap3A_32 = arith.constant 112 : index
    %swap3A_33 = tpu.vector_load %arg10[%swap3A_32] {strides = array<i32>} : memref<512xf32, #tpu.memory_space<vmem>>, vector<16xf32>,
    tpu.vector_store %arg10[%swap3A_32], %broadcast_in_dim3A_2 {strides = array<i32>} : memref<512xf32, #tpu.memory_space<vmem>>, vector<16xf32>,
    %swap3A_34 = arith.constant 112 : index
    %swap3A_35 = tpu.vector_load %arg11[%swap3A_34] {strides = array<i32>} : memref<512xf32, #tpu.memory_space<vmem>>, vector<16xf32>,
    tpu.vector_store %arg11[%swap3A_34], %broadcast_in_dim3A_2 {strides = array<i32>} : memref<512xf32, #tpu.memory_space<vmem>>, vector<16xf32>,
    %swap3A_36 = arith.constant 128 : index
    %swap3A_37 = tpu.vector_load %arg10[%swap3A_36] {strides = array<i32>} : memref<512xf32, #tpu.memory_space<vmem>>, vector<16xf32>,
    tpu.vector_store %arg10[%swap3A_36], %broadcast_in_dim3A_2 {strides = array<i32>} : memref<512xf32, #tpu.memory_space<vmem>>, vector<16xf32>,
    %swap3A_38 = arith.constant 128 : index
    %swap3A_39 = tpu.vector_load %arg11[%swap3A_38] {strides = array<i32>} : memref<512xf32, #tpu.memory_space<vmem>>, vector<16xf32>,
    tpu.vector_store %arg11[%swap3A_38], %broadcast_in_dim3A_2 {strides = array<i32>} : memref<512xf32, #tpu.memory_space<vmem>>, vector<16xf32>,
    %swap3A_40 = arith.constant 144 : index
    %swap3A_41 = tpu.vector_load %arg10[%swap3A_40] {strides = array<i32>} : memref<512xf32, #tpu.memory_space<vmem>>, vector<16xf32>,
    tpu.vector_store %arg10[%swap3A_40], %broadcast_in_dim3A_2 {strides = array<i32>} : memref<512xf32, #tpu.memory_space<vmem>>, vector<16xf32>,
    %swap3A_42 = arith.constant 144 : index
    %swap3A_43 = tpu.vector_load %arg11[%swap3A_42] {strides = array<i32>} : memref<512xf32, #tpu.memory_space<vmem>>, vector<16xf32>,
    tpu.vector_store %arg11[%swap3A_42], %broadcast_in_dim3A_2 {strides = array<i32>} : memref<512xf32, #tpu.memory_space<vmem>>, vector<16xf32>,
    %swap3A_44 = arith.constant 160 : index
    %swap3A_45 = tpu.vector_load %arg10[%swap3A_44] {strides = array<i32>} : memref<512xf32, #tpu.memory_space<vmem>>, vector<16xf32>,
    tpu.vector_store %arg10[%swap3A_44], %broadcast_in_dim3A_2 {strides = array<i32>} : memref<512xf32, #tpu.memory_space<vmem>>, vector<16xf32>,
    %swap3A_46 = arith.constant 160 : index
    %swap3A_47 = tpu.vector_load %arg11[%swap3A_46] {strides = array<i32>} : memref<512xf32, #tpu.memory_space<vmem>>, vector<16xf32>,
    tpu.vector_store %arg11[%swap3A_46], %broadcast_in_dim3A_2 {strides = array<i32>} : memref<512xf32, #tpu.memory_space<vmem>>, vector<16xf32>,
    %swap3A_48 = arith.constant 176 : index
    %swap3A_49 = tpu.vector_load %arg10[%swap3A_48] {strides = array<i32>} : memref<512xf32, #tpu.memory_space<vmem>>, vector<16xf32>,
    tpu.vector_store %arg10[%swap3A_48], %broadcast_in_dim3A_2 {strides = array<i32>} : memref<512xf32, #tpu.memory_space<vmem>>, vector<16xf32>,
    %swap3A_50 = arith.constant 176 : index
    %swap3A_51 = tpu.vector_load %arg11[%swap3A_50] {strides = array<i32>} : memref<512xf32, #tpu.memory_space<vmem>>, vector<16xf32>,
    tpu.vector_store %arg11[%swap3A_50], %broadcast_in_dim3A_2 {strides = array<i32>} : memref<512xf32, #tpu.memory_space<vmem>>, vector<16xf32>,
    %swap3A_52 = arith.constant 192 : index
    %swap3A_53 = tpu.vector_load %arg10[%swap3A_52] {strides = array<i32>} : memref<512xf32, #tpu.memory_space<vmem>>, vector<16xf32>,
    tpu.vector_store %arg10[%swap3A_52], %broadcast_in_dim3A_2 {strides = array<i32>} : memref<512xf32, #tpu.memory_space<vmem>>, vector<16xf32>,
    %swap3A_54 = arith.constant 192 : index
    %swap3A_55 = tpu.vector_load %arg11[%swap3A_54] {strides = array<i32>} : memref<512xf32, #tpu.memory_space<vmem>>, vector<16xf32>,
    tpu.vector_store %arg11[%swap3A_54], %broadcast_in_dim3A_2 {strides = array<i32>} : memref<512xf32, #tpu.memory_space<vmem>>, vector<16xf32>,
    %swap3A_56 = arith.constant 208 : index
    %swap3A_57 = tpu.vector_load %arg10[%swap3A_56] {strides = array<i32>} : memref<512xf32, #tpu.memory_space<vmem>>, vector<16xf32>,
    tpu.vector_store %arg10[%swap3A_56], %broadcast_in_dim3A_2 {strides = array<i32>} : memref<512xf32, #tpu.memory_space<vmem>>, vector<16xf32>,
    %swap3A_58 = arith.constant 208 : index
    %swap3A_59 = tpu.vector_load %arg11[%swap3A_58] {strides = array<i32>} : memref<512xf32, #tpu.memory_space<vmem>>, vector<16xf32>,
    tpu.vector_store %arg11[%swap3A_58], %broadcast_in_dim3A_2 {strides = array<i32>} : memref<512xf32, #tpu.memory_space<vmem>>, vector<16xf32>,
    %swap3A_60 = arith.constant 224 : index
    %swap3A_61 = tpu.vector_load %arg10[%swap3A_60] {strides = array<i32>} : memref<512xf32, #tpu.memory_space<vmem>>, vector<16xf32>,
    tpu.vector_store %arg10[%swap3A_60], %broadcast_in_dim3A_2 {strides = array<i32>} : memref<512xf32, #tpu.memory_space<vmem>>, vector<16xf32>,
    %swap3A_62 = arith.constant 224 : index
    %swap3A_63 = tpu.vector_load %arg11[%swap3A_62] {strides = array<i32>} : memref<512xf32, #tpu.memory_space<vmem>>, vector<16xf32>,
    tpu.vector_store %arg11[%swap3A_62], %broadcast_in_dim3A_2 {strides = array<i32>} : memref<512xf32, #tpu.memory_space<vmem>>, vector<16xf32>,
    %swap3A_64 = arith.constant 240 : index
    %swap3A_65 = tpu.vector_load %arg10[%swap3A_64] {strides = array<i32>} : memref<512xf32, #tpu.memory_space<vmem>>, vector<16xf32>,
    tpu.vector_store %arg10[%swap3A_64], %broadcast_in_dim3A_2 {strides = array<i32>} : memref<512xf32, #tpu.memory_space<vmem>>, vector<16xf32>,
    %swap3A_66 = arith.constant 240 : index
    %swap3A_67 = tpu.vector_load %arg11[%swap3A_66] {strides = array<i32>} : memref<512xf32, #tpu.memory_space<vmem>>, vector<16xf32>,
    tpu.vector_store %arg11[%swap3A_66], %broadcast_in_dim3A_2 {strides = array<i32>} : memref<512xf32, #tpu.memory_space<vmem>>, vector<16xf32>,
    %swap3A_68 = arith.constant 256 : index
    %swap3A_69 = tpu.vector_load %arg10[%swap3A_68] {strides = array<i32>} : memref<512xf32, #tpu.memory_space<vmem>>, vector<16xf32>,
    tpu.vector_store %arg10[%swap3A_68], %broadcast_in_dim3A_2 {strides = array<i32>} : memref<512xf32, #tpu.memory_space<vmem>>, vector<16xf32>,
    %swap3A_70 = arith.constant 256 : index
    %swap3A_71 = tpu.vector_load %arg11[%swap3A_70] {strides = array<i32>} : memref<512xf32, #tpu.memory_space<vmem>>, vector<16xf32>,
    tpu.vector_store %arg11[%swap3A_70], %broadcast_in_dim3A_2 {strides = array<i32>} : memref<512xf32, #tpu.memory_space<vmem>>, vector<16xf32>,
    %swap3A_72 = arith.constant 272 : index
    %swap3A_73 = tpu.vector_load %arg10[%swap3A_72] {strides = array<i32>} : memref<512xf32, #tpu.memory_space<vmem>>, vector<16xf32>,
    tpu.vector_store %arg10[%swap3A_72], %broadcast_in_dim3A_2 {strides = array<i32>} : memref<512xf32, #tpu.memory_space<vmem>>, vector<16xf32>,
    %swap3A_74 = arith.constant 272 : index
    %swap3A_75 = tpu.vector_load %arg11[%swap3A_74] {strides = array<i32>} : memref<512xf32, #tpu.memory_space<vmem>>, vector<16xf32>,
    tpu.vector_store %arg11[%swap3A_74], %broadcast_in_dim3A_2 {strides = array<i32>} : memref<512xf32, #tpu.memory_space<vmem>>, vector<16xf32>,
    %swap3A_76 = arith.constant 288 : index
    %swap3A_77 = tpu.vector_load %arg10[%swap3A_76] {strides = array<i32>} : memref<512xf32, #tpu.memory_space<vmem>>, vector<16xf32>,
    tpu.vector_store %arg10[%swap3A_76], %broadcast_in_dim3A_2 {strides = array<i32>} : memref<512xf32, #tpu.memory_space<vmem>>, vector<16xf32>,
    %swap3A_78 = arith.constant 288 : index
    %swap3A_79 = tpu.vector_load %arg11[%swap3A_78] {strides = array<i32>} : memref<512xf32, #tpu.memory_space<vmem>>, vector<16xf32>,
    tpu.vector_store %arg11[%swap3A_78], %broadcast_in_dim3A_2 {strides = array<i32>} : memref<512xf32, #tpu.memory_space<vmem>>, vector<16xf32>,
    %swap3A_80 = arith.constant 304 : index
    %swap3A_81 = tpu.vector_load %arg10[%swap3A_80] {strides = array<i32>} : memref<512xf32, #tpu.memory_space<vmem>>, vector<16xf32>,
    tpu.vector_store %arg10[%swap3A_80], %broadcast_in_dim3A_2 {strides = array<i32>} : memref<512xf32, #tpu.memory_space<vmem>>, vector<16xf32>,
    %swap3A_82 = arith.constant 304 : index
    %swap3A_83 = tpu.vector_load %arg11[%swap3A_82] {strides = array<i32>} : memref<512xf32, #tpu.memory_space<vmem>>, vector<16xf32>,
    tpu.vector_store %arg11[%swap3A_82], %broadcast_in_dim3A_2 {strides = array<i32>} : memref<512xf32, #tpu.memory_space<vmem>>, vector<16xf32>,
    %swap3A_84 = arith.constant 320 : index
    %swap3A_85 = tpu.vector_load %arg10[%swap3A_84] {strides = array<i32>} : memref<512xf32, #tpu.memory_space<vmem>>, vector<16xf32>,
    tpu.vector_store %arg10[%swap3A_84], %broadcast_in_dim3A_2 {strides = array<i32>} : memref<512xf32, #tpu.memory_space<vmem>>, vector<16xf32>,
    %swap3A_86 = arith.constant 320 : index
    %swap3A_87 = tpu.vector_load %arg11[%swap3A_86] {strides = array<i32>} : memref<512xf32, #tpu.memory_space<vmem>>, vector<16xf32>,
    tpu.vector_store %arg11[%swap3A_86], %broadcast_in_dim3A_2 {strides = array<i32>} : memref<512xf32, #tpu.memory_space<vmem>>, vector<16xf32>,
    %swap3A_88 = arith.constant 336 : index
    %swap3A_89 = tpu.vector_load %arg10[%swap3A_88] {strides = array<i32>} : memref<512xf32, #tpu.memory_space<vmem>>, vector<16xf32>,
    tpu.vector_store %arg10[%swap3A_88], %broadcast_in_dim3A_2 {strides = array<i32>} : memref<512xf32, #tpu.memory_space<vmem>>, vector<16xf32>,
    %swap3A_90 = arith.constant 336 : index
    %swap3A_91 = tpu.vector_load %arg11[%swap3A_90] {strides = array<i32>} : memref<512xf32, #tpu.memory_space<vmem>>, vector<16xf32>,
    tpu.vector_store %arg11[%swap3A_90], %broadcast_in_dim3A_2 {strides = array<i32>} : memref<512xf32, #tpu.memory_space<vmem>>, vector<16xf32>,
    %swap3A_92 = arith.constant 352 : index
    %swap3A_93 = tpu.vector_load %arg10[%swap3A_92] {strides = array<i32>} : memref<512xf32, #tpu.memory_space<vmem>>, vector<16xf32>,
    tpu.vector_store %arg10[%swap3A_92], %broadcast_in_dim3A_2 {strides = array<i32>} : memref<512xf32, #tpu.memory_space<vmem>>, vector<16xf32>,
    %swap3A_94 = arith.constant 352 : index
    %swap3A_95 = tpu.vector_load %arg11[%swap3A_94] {strides = array<i32>} : memref<512xf32, #tpu.memory_space<vmem>>, vector<16xf32>,
    tpu.vector_store %arg11[%swap3A_94], %broadcast_in_dim3A_2 {strides = array<i32>} : memref<512xf32, #tpu.memory_space<vmem>>, vector<16xf32>,
    %swap3A_96 = arith.constant 368 : index
    %swap3A_97 = tpu.vector_load %arg10[%swap3A_96] {strides = array<i32>} : memref<512xf32, #tpu.memory_space<vmem>>, vector<16xf32>,
    tpu.vector_store %arg10[%swap3A_96], %broadcast_in_dim3A_2 {strides = array<i32>} : memref<512xf32, #tpu.memory_space<vmem>>, vector<16xf32>,
    %swap3A_98 = arith.constant 368 : index
    %swap3A_99 = tpu.vector_load %arg11[%swap3A_98] {strides = array<i32>} : memref<512xf32, #tpu.memory_space<vmem>>, vector<16xf32>,
    tpu.vector_store %arg11[%swap3A_98], %broadcast_in_dim3A_2 {strides = array<i32>} : memref<512xf32, #tpu.memory_space<vmem>>, vector<16xf32>,
    %swap3A_100 = arith.constant 384 : index
    %swap3A_101 = tpu.vector_load %arg10[%swap3A_100] {strides = array<i32>} : memref<512xf32, #tpu.memory_space<vmem>>, vector<16xf32>,
    tpu.vector_store %arg10[%swap3A_100], %broadcast_in_dim3A_2 {strides = array<i32>} : memref<512xf32, #tpu.memory_space<vmem>>, vector<16xf32>,
    %swap3A_102 = arith.constant 384 : index
    %swap3A_103 = tpu.vector_load %arg11[%swap3A_102] {strides = array<i32>} : memref<512xf32, #tpu.memory_space<vmem>>, vector<16xf32>,
    tpu.vector_store %arg11[%swap3A_102], %broadcast_in_dim3A_2 {strides = array<i32>} : memref<512xf32, #tpu.memory_space<vmem>>, vector<16xf32>,
    %swap3A_104 = arith.constant 400 : index
    %swap3A_105 = tpu.vector_load %arg10[%swap3A_104] {strides = array<i32>} : memref<512xf32, #tpu.memory_space<vmem>>, vector<16xf32>,
    tpu.vector_store %arg10[%swap3A_104], %broadcast_in_dim3A_2 {strides = array<i32>} : memref<512xf32, #tpu.memory_space<vmem>>, vector<16xf32>,
    %swap3A_106 = arith.constant 400 : index
    %swap3A_107 = tpu.vector_load %arg11[%swap3A_106] {strides = array<i32>} : memref<512xf32, #tpu.memory_space<vmem>>, vector<16xf32>,
    tpu.vector_store %arg11[%swap3A_106], %broadcast_in_dim3A_2 {strides = array<i32>} : memref<512xf32, #tpu.memory_space<vmem>>, vector<16xf32>,
    %swap3A_108 = arith.constant 416 : index
    %swap3A_109 = tpu.vector_load %arg10[%swap3A_108] {strides = array<i32>} : memref<512xf32, #tpu.memory_space<vmem>>, vector<16xf32>,
    tpu.vector_store %arg10[%swap3A_108], %broadcast_in_dim3A_2 {strides = array<i32>} : memref<512xf32, #tpu.memory_space<vmem>>, vector<16xf32>,
    %swap3A_110 = arith.constant 416 : index
    %swap3A_111 = tpu.vector_load %arg11[%swap3A_110] {strides = array<i32>} : memref<512xf32, #tpu.memory_space<vmem>>, vector<16xf32>,
    tpu.vector_store %arg11[%swap3A_110], %broadcast_in_dim3A_2 {strides = array<i32>} : memref<512xf32, #tpu.memory_space<vmem>>, vector<16xf32>,
    %swap3A_112 = arith.constant 432 : index
    %swap3A_113 = tpu.vector_load %arg10[%swap3A_112] {strides = array<i32>} : memref<512xf32, #tpu.memory_space<vmem>>, vector<16xf32>,
    tpu.vector_store %arg10[%swap3A_112], %broadcast_in_dim3A_2 {strides = array<i32>} : memref<512xf32, #tpu.memory_space<vmem>>, vector<16xf32>,
    %swap3A_114 = arith.constant 432 : index
    %swap3A_115 = tpu.vector_load %arg11[%swap3A_114] {strides = array<i32>} : memref<512xf32, #tpu.memory_space<vmem>>, vector<16xf32>,
    tpu.vector_store %arg11[%swap3A_114], %broadcast_in_dim3A_2 {strides = array<i32>} : memref<512xf32, #tpu.memory_space<vmem>>, vector<16xf32>,
    %swap3A_116 = arith.constant 448 : index
    %swap3A_117 = tpu.vector_load %arg10[%swap3A_116] {strides = array<i32>} : memref<512xf32, #tpu.memory_space<vmem>>, vector<16xf32>,
    tpu.vector_store %arg10[%swap3A_116], %broadcast_in_dim3A_2 {strides = array<i32>} : memref<512xf32, #tpu.memory_space<vmem>>, vector<16xf32>,
    %swap3A_118 = arith.constant 448 : index
    %swap3A_119 = tpu.vector_load %arg11[%swap3A_118] {strides = array<i32>} : memref<512xf32, #tpu.memory_space<vmem>>, vector<16xf32>,
    tpu.vector_store %arg11[%swap3A_118], %broadcast_in_dim3A_2 {strides = array<i32>} : memref<512xf32, #tpu.memory_space<vmem>>, vector<16xf32>,
    %swap3A_120 = arith.constant 464 : index
    %swap3A_121 = tpu.vector_load %arg10[%swap3A_120] {strides = array<i32>} : memref<512xf32, #tpu.memory_space<vmem>>, vector<16xf32>,
    tpu.vector_store %arg10[%swap3A_120], %broadcast_in_dim3A_2 {strides = array<i32>} : memref<512xf32, #tpu.memory_space<vmem>>, vector<16xf32>,
    %swap3A_122 = arith.constant 464 : index
    %swap3A_123 = tpu.vector_load %arg11[%swap3A_122] {strides = array<i32>} : memref<512xf32, #tpu.memory_space<vmem>>, vector<16xf32>,
    tpu.vector_store %arg11[%swap3A_122], %broadcast_in_dim3A_2 {strides = array<i32>} : memref<512xf32, #tpu.memory_space<vmem>>, vector<16xf32>,
    %swap3A_124 = arith.constant 480 : index
    %swap3A_125 = tpu.vector_load %arg10[%swap3A_124] {strides = array<i32>} : memref<512xf32, #tpu.memory_space<vmem>>, vector<16xf32>,
    tpu.vector_store %arg10[%swap3A_124], %broadcast_in_dim3A_2 {strides = array<i32>} : memref<512xf32, #tpu.memory_space<vmem>>, vector<16xf32>,
    %swap3A_126 = arith.constant 480 : index
    %swap3A_127 = tpu.vector_load %arg11[%swap3A_126] {strides = array<i32>} : memref<512xf32, #tpu.memory_space<vmem>>, vector<16xf32>,
    tpu.vector_store %arg11[%swap3A_126], %broadcast_in_dim3A_2 {strides = array<i32>} : memref<512xf32, #tpu.memory_space<vmem>>, vector<16xf32>,
    %swap3A_128 = arith.constant 496 : index
    %swap3A_129 = tpu.vector_load %arg10[%swap3A_128] {strides = array<i32>} : memref<512xf32, #tpu.memory_space<vmem>>, vector<16xf32>,
    tpu.vector_store %arg10[%swap3A_128], %broadcast_in_dim3A_2 {strides = array<i32>} : memref<512xf32, #tpu.memory_space<vmem>>, vector<16xf32>,
    %swap3A_130 = arith.constant 496 : index
    %swap3A_131 = tpu.vector_load %arg11[%swap3A_130] {strides = array<i32>} : memref<512xf32, #tpu.memory_space<vmem>>, vector<16xf32>,
    tpu.vector_store %arg11[%swap3A_130], %broadcast_in_dim3A_2 {strides = array<i32>} : memref<512xf32, #tpu.memory_space<vmem>>, vector<16xf32>,
    %add3A_132 = arith.constant 0 : i32
    %add3A_133 = arith.addi %add3A, %add3A_132 : i32
    %mul3A_134 = arith.constant 8 : i32
    %mul3A_135 = arith.muli %add3A_133, %mul3A_134 : i32
    %dma_start3A = arith.constant 0 : i32
    %dma_start3A_136 = tpu.memref_slice %arg2[%mul3A_135, %dma_start3A] : memref<2160x3840xf32, #tpu.memory_space<hbm>> -> memref<8x3840xf32, #tpu.memory_space<hbm>>
    %dma_start3A_137 = arith.constant 0 : i32
    %dma_start3A_138 = tpu.memref_slice %arg2[%mul3A_135, %dma_start3A_137] : memref<2160x3840xf32, #tpu.memory_space<hbm>> -> memref<8x3840xf32, #tpu.memory_space<hbm>>
    tpu.enqueue_dma source(%dma_start3A_138 : memref<8x3840xf32, #tpu.memory_space<hbm>>) target(%arg6 : memref<8x3840xf32, #tpu.memory_space<vmem>>) target_semaphore(%arg13 : memref<!tpu.dma_semaphore, #tpu.memory_space<semaphore_mem>>)
    %dma_start3A_139 = arith.constant 0 : i32
    %dma_start3A_140 = tpu.memref_slice %arg3[%mul3A_135, %dma_start3A_139] : memref<2160x3840xf32, #tpu.memory_space<hbm>> -> memref<8x3840xf32, #tpu.memory_space<hbm>>
    %dma_start3A_141 = arith.constant 0 : i32
    %dma_start3A_142 = tpu.memref_slice %arg3[%mul3A_135, %dma_start3A_141] : memref<2160x3840xf32, #tpu.memory_space<hbm>> -> memref<8x3840xf32, #tpu.memory_space<hbm>>
    tpu.enqueue_dma source(%dma_start3A_142 : memref<8x3840xf32, #tpu.memory_space<hbm>>) target(%arg8 : memref<8x3840xf32, #tpu.memory_space<vmem>>) target_semaphore(%arg15 : memref<!tpu.dma_semaphore, #tpu.memory_space<semaphore_mem>>)
    %add3A_143 = arith.constant 32 : i32
    %add3A_144 = arith.addi %add3A, %add3A_143 : i32
    %mul3A_145 = arith.constant 8 : i32
    %mul3A_146 = arith.muli %add3A_144, %mul3A_145 : i32
    %dma_start3A_147 = arith.constant 0 : i32
    %dma_start3A_148 = tpu.memref_slice %arg2[%mul3A_146, %dma_start3A_147] : memref<2160x3840xf32, #tpu.memory_space<hbm>> -> memref<8x3840xf32, #tpu.memory_space<hbm>>
    %dma_start3A_149 = arith.constant 0 : i32
    %dma_start3A_150 = tpu.memref_slice %arg2[%mul3A_146, %dma_start3A_149] : memref<2160x3840xf32, #tpu.memory_space<hbm>> -> memref<8x3840xf32, #tpu.memory_space<hbm>>
    tpu.enqueue_dma source(%dma_start3A_150 : memref<8x3840xf32, #tpu.memory_space<hbm>>) target(%arg7 : memref<8x3840xf32, #tpu.memory_space<vmem>>) target_semaphore(%arg14 : memref<!tpu.dma_semaphore, #tpu.memory_space<semaphore_mem>>)
    %dma_start3A_151 = arith.constant 0 : i32
    %dma_start3A_152 = tpu.memref_slice %arg3[%mul3A_146, %dma_start3A_151] : memref<2160x3840xf32, #tpu.memory_space<hbm>> -> memref<8x3840xf32, #tpu.memory_space<hbm>>
    %dma_start3A_153 = arith.constant 0 : i32
    %dma_start3A_154 = tpu.memref_slice %arg3[%mul3A_146, %dma_start3A_153] : memref<2160x3840xf32, #tpu.memory_space<hbm>> -> memref<8x3840xf32, #tpu.memory_space<hbm>>
    tpu.enqueue_dma source(%dma_start3A_154 : memref<8x3840xf32, #tpu.memory_space<hbm>>) target(%arg9 : memref<8x3840xf32, #tpu.memory_space<vmem>>) target_semaphore(%arg16 : memref<!tpu.dma_semaphore, #tpu.memory_space<semaphore_mem>>)
    %scan3A = arith.constant 0 : i32
    %scan3A_155 = arith.constant 4 : i32
    %scan3A_156 = arith.addi %scan3A, %scan3A_155 : i32
    %scan3A_157 = arith.constant 1 : i32
    %scan3A_158:2 = scf.for %scan3A_549 = %scan3A to %scan3A_156 step %scan3A_157 iter_args(%scan3A_550 = %broadcast_in_dim3A_2, %scan3A_551 = %broadcast_in_dim3A_2) -> (vector<16xf32>, vector<16xf32>)  : i32 {
      %mul3A_552 = arith.constant 2 : i32
      %mul3A_553 = arith.muli %scan3A_549, %mul3A_552 : i32
      %add3A_554 = arith.constant 0 : i32
      %add3A_555 = arith.addi %mul3A_553, %add3A_554 : i32
      %dma_wait3A = arith.constant 0 : i32
      %dma_wait3A_556 = arith.constant 0 : i32
      %dma_wait3A_557 = tpu.memref_slice %arg2[%dma_wait3A, %dma_wait3A_556] : memref<2160x3840xf32, #tpu.memory_space<hbm>> -> memref<8x3840xf32, #tpu.memory_space<hbm>>
      %dma_wait3A_558 = arith.constant 0 : i32
      %dma_wait3A_559 = arith.constant 0 : i32
      %dma_wait3A_560 = tpu.memref_slice %arg2[%dma_wait3A_558, %dma_wait3A_559] : memref<2160x3840xf32, #tpu.memory_space<hbm>> -> memref<8x3840xf32, #tpu.memory_space<hbm>>
      tpu.wait_dma2 semaphore(%arg13 : memref<!tpu.dma_semaphore, #tpu.memory_space<semaphore_mem>>) src(%dma_wait3A_560 : memref<8x3840xf32, #tpu.memory_space<hbm>>) dst(%arg6 : memref<8x3840xf32, #tpu.memory_space<vmem>>)
      %dma_wait3A_561 = arith.constant 0 : i32
      %dma_wait3A_562 = arith.constant 0 : i32
      %dma_wait3A_563 = tpu.memref_slice %arg3[%dma_wait3A_561, %dma_wait3A_562] : memref<2160x3840xf32, #tpu.memory_space<hbm>> -> memref<8x3840xf32, #tpu.memory_space<hbm>>
      %dma_wait3A_564 = arith.constant 0 : i32
      %dma_wait3A_565 = arith.constant 0 : i32
      %dma_wait3A_566 = tpu.memref_slice %arg3[%dma_wait3A_564, %dma_wait3A_565] : memref<2160x3840xf32, #tpu.memory_space<hbm>> -> memref<8x3840xf32, #tpu.memory_space<hbm>>
      tpu.wait_dma2 semaphore(%arg15 : memref<!tpu.dma_semaphore, #tpu.memory_space<semaphore_mem>>) src(%dma_wait3A_566 : memref<8x3840xf32, #tpu.memory_space<hbm>>) dst(%arg8 : memref<8x3840xf32, #tpu.memory_space<vmem>>)
      %parallel_loop3A = arith.constant 0 : i32
      %parallel_loop3A_567 = arith.constant 1920 : i32
      %parallel_loop3A_568 = arith.constant 8 : i32
      %parallel_loop3A_569:2 = scf.for %parallel_loop3A_612 = %parallel_loop3A to %parallel_loop3A_567 step %parallel_loop3A_568 iter_args(%parallel_loop3A_613 = %scan3A_550, %parallel_loop3A_614 = %scan3A_551) -> (vector<16xf32>, vector<16xf32>)  : i32 {
        %parallel_loop3A_615 = arith.constant 240 : i32
        %parallel_loop3A_616 = arith.divsi %parallel_loop3A_612, %parallel_loop3A_615 : i32
        %parallel_loop3A_617 = arith.constant 0 : i32
        %parallel_loop3A_618 = arith.cmpi sgt, %parallel_loop3A_612, %parallel_loop3A_617 : i32
        %parallel_loop3A_619 = arith.extui %parallel_loop3A_618 : i1 to i32
        %parallel_loop3A_620 = arith.constant 0 : i32
        %parallel_loop3A_621 = arith.cmpi slt, %parallel_loop3A_612, %parallel_loop3A_620 : i32
        %parallel_loop3A_622 = arith.extui %parallel_loop3A_621 : i1 to i32
        %parallel_loop3A_623 = arith.subi %parallel_loop3A_619, %parallel_loop3A_622 : i32
        %parallel_loop3A_624 = arith.constant 0 : i32
        %parallel_loop3A_625 = arith.cmpi sgt, %parallel_loop3A_615, %parallel_loop3A_624 : i32
        %parallel_loop3A_626 = arith.extui %parallel_loop3A_625 : i1 to i32
        %parallel_loop3A_627 = arith.constant 0 : i32
        %parallel_loop3A_628 = arith.cmpi slt, %parallel_loop3A_615, %parallel_loop3A_627 : i32
        %parallel_loop3A_629 = arith.extui %parallel_loop3A_628 : i1 to i32
        %parallel_loop3A_630 = arith.subi %parallel_loop3A_626, %parallel_loop3A_629 : i32
        %parallel_loop3A_631 = arith.cmpi ne, %parallel_loop3A_623, %parallel_loop3A_630 : i32
        %parallel_loop3A_632 = arith.remsi %parallel_loop3A_612, %parallel_loop3A_615 : i32
        %parallel_loop3A_633 = arith.constant 0 : i32
        %parallel_loop3A_634 = arith.cmpi ne, %parallel_loop3A_632, %parallel_loop3A_633 : i32
        %parallel_loop3A_635 = arith.andi %parallel_loop3A_631, %parallel_loop3A_634 : i1
        %parallel_loop3A_636 = arith.constant 1 : i32
        %parallel_loop3A_637 = arith.subi %parallel_loop3A_616, %parallel_loop3A_636 : i32
        %parallel_loop3A_638 = arith.select %parallel_loop3A_635, %parallel_loop3A_637, %parallel_loop3A_616 : i32
        %parallel_loop3A_639 = arith.constant 240 : i32
        %parallel_loop3A_640 = arith.constant 0 : i32
        %parallel_loop3A_641 = arith.cmpi eq, %parallel_loop3A_639, %parallel_loop3A_640 : i32
        %parallel_loop3A_642 = arith.constant 1 : i32
        %parallel_loop3A_643 = arith.select %parallel_loop3A_641, %parallel_loop3A_642, %parallel_loop3A_639 : i32
        %parallel_loop3A_644 = arith.remsi %parallel_loop3A_612, %parallel_loop3A_643 : i32
        %parallel_loop3A_645 = arith.constant 0 : i32
        %parallel_loop3A_646 = arith.cmpi ne, %parallel_loop3A_644, %parallel_loop3A_645 : i32
        %parallel_loop3A_647 = arith.constant 0 : i32
        %parallel_loop3A_648 = arith.cmpi slt, %parallel_loop3A_644, %parallel_loop3A_647 : i32
        %parallel_loop3A_649 = arith.constant 0 : i32
        %parallel_loop3A_650 = arith.cmpi slt, %parallel_loop3A_643, %parallel_loop3A_649 : i32
        %parallel_loop3A_651 = arith.xori %parallel_loop3A_648, %parallel_loop3A_650 : i1
        %parallel_loop3A_652 = arith.andi %parallel_loop3A_651, %parallel_loop3A_646 : i1
        %parallel_loop3A_653 = arith.addi %parallel_loop3A_644, %parallel_loop3A_643 : i32
        %parallel_loop3A_654 = arith.select %parallel_loop3A_652, %parallel_loop3A_653, %parallel_loop3A_644 : i32
        %parallel_loop3A_655 = arith.constant 16 : i32
        %parallel_loop3A_656 = arith.muli %parallel_loop3A_654, %parallel_loop3A_655 : i32
        %parallel_loop3A_657 = arith.constant 0 : i32
        %parallel_loop3A_658 = arith.addi %parallel_loop3A_656, %parallel_loop3A_657 : i32
        %parallel_loop3A_659 = arith.index_cast %parallel_loop3A_638 : i32 to index
        %parallel_loop3A_660 = arith.index_cast %parallel_loop3A_658 : i32 to index
        %parallel_loop3A_661 = tpu.vector_load %arg6[%parallel_loop3A_659, %parallel_loop3A_660] {strides = array<i32>} : memref<8x3840xf32, #tpu.memory_space<vmem>>, vector<16xf32>,
        %parallel_loop3A_662 = arith.constant 16 : i32
        %parallel_loop3A_663 = arith.addi %parallel_loop3A_656, %parallel_loop3A_662 : i32
        %parallel_loop3A_664 = arith.index_cast %parallel_loop3A_638 : i32 to index
        %parallel_loop3A_665 = arith.index_cast %parallel_loop3A_663 : i32 to index
        %parallel_loop3A_666 = tpu.vector_load %arg6[%parallel_loop3A_664, %parallel_loop3A_665] {strides = array<i32>} : memref<8x3840xf32, #tpu.memory_space<vmem>>, vector<16xf32>,
        %parallel_loop3A_667 = arith.constant 32 : i32
        %parallel_loop3A_668 = arith.addi %parallel_loop3A_656, %parallel_loop3A_667 : i32
        %parallel_loop3A_669 = arith.index_cast %parallel_loop3A_638 : i32 to index
        %parallel_loop3A_670 = arith.index_cast %parallel_loop3A_668 : i32 to index
        %parallel_loop3A_671 = tpu.vector_load %arg6[%parallel_loop3A_669, %parallel_loop3A_670] {strides = array<i32>} : memref<8x3840xf32, #tpu.memory_space<vmem>>, vector<16xf32>,
        %parallel_loop3A_672 = arith.constant 48 : i32
        %parallel_loop3A_673 = arith.addi %parallel_loop3A_656, %parallel_loop3A_672 : i32
        %parallel_loop3A_674 = arith.index_cast %parallel_loop3A_638 : i32 to index
        %parallel_loop3A_675 = arith.index_cast %parallel_loop3A_673 : i32 to index
        %parallel_loop3A_676 = tpu.vector_load %arg6[%parallel_loop3A_674, %parallel_loop3A_675] {strides = array<i32>} : memref<8x3840xf32, #tpu.memory_space<vmem>>, vector<16xf32>,
        %parallel_loop3A_677 = arith.constant 64 : i32
        %parallel_loop3A_678 = arith.addi %parallel_loop3A_656, %parallel_loop3A_677 : i32
        %parallel_loop3A_679 = arith.index_cast %parallel_loop3A_638 : i32 to index
        %parallel_loop3A_680 = arith.index_cast %parallel_loop3A_678 : i32 to index
        %parallel_loop3A_681 = tpu.vector_load %arg6[%parallel_loop3A_679, %parallel_loop3A_680] {strides = array<i32>} : memref<8x3840xf32, #tpu.memory_space<vmem>>, vector<16xf32>,
        %parallel_loop3A_682 = arith.constant 80 : i32
        %parallel_loop3A_683 = arith.addi %parallel_loop3A_656, %parallel_loop3A_682 : i32
        %parallel_loop3A_684 = arith.index_cast %parallel_loop3A_638 : i32 to index
        %parallel_loop3A_685 = arith.index_cast %parallel_loop3A_683 : i32 to index
        %parallel_loop3A_686 = tpu.vector_load %arg6[%parallel_loop3A_684, %parallel_loop3A_685] {strides = array<i32>} : memref<8x3840xf32, #tpu.memory_space<vmem>>, vector<16xf32>,
        %parallel_loop3A_687 = arith.constant 96 : i32
        %parallel_loop3A_688 = arith.addi %parallel_loop3A_656, %parallel_loop3A_687 : i32
        %parallel_loop3A_689 = arith.index_cast %parallel_loop3A_638 : i32 to index
        %parallel_loop3A_690 = arith.index_cast %parallel_loop3A_688 : i32 to index
        %parallel_loop3A_691 = tpu.vector_load %arg6[%parallel_loop3A_689, %parallel_loop3A_690] {strides = array<i32>} : memref<8x3840xf32, #tpu.memory_space<vmem>>, vector<16xf32>,
        %parallel_loop3A_692 = arith.constant 112 : i32
        %parallel_loop3A_693 = arith.addi %parallel_loop3A_656, %parallel_loop3A_692 : i32
        %parallel_loop3A_694 = arith.index_cast %parallel_loop3A_638 : i32 to index
        %parallel_loop3A_695 = arith.index_cast %parallel_loop3A_693 : i32 to index
        %parallel_loop3A_696 = tpu.vector_load %arg6[%parallel_loop3A_694, %parallel_loop3A_695] {strides = array<i32>} : memref<8x3840xf32, #tpu.memory_space<vmem>>, vector<16xf32>,
        %parallel_loop3A_697 = arith.constant 0 : i32
        %parallel_loop3A_698 = arith.addi %parallel_loop3A_656, %parallel_loop3A_697 : i32
        %parallel_loop3A_699 = arith.index_cast %parallel_loop3A_638 : i32 to index
        %parallel_loop3A_700 = arith.index_cast %parallel_loop3A_698 : i32 to index
        %parallel_loop3A_701 = tpu.vector_load %arg8[%parallel_loop3A_699, %parallel_loop3A_700] {strides = array<i32>} : memref<8x3840xf32, #tpu.memory_space<vmem>>, vector<16xf32>,
        %parallel_loop3A_702 = arith.constant 16 : i32
        %parallel_loop3A_703 = arith.addi %parallel_loop3A_656, %parallel_loop3A_702 : i32
        %parallel_loop3A_704 = arith.index_cast %parallel_loop3A_638 : i32 to index
        %parallel_loop3A_705 = arith.index_cast %parallel_loop3A_703 : i32 to index
        %parallel_loop3A_706 = tpu.vector_load %arg8[%parallel_loop3A_704, %parallel_loop3A_705] {strides = array<i32>} : memref<8x3840xf32, #tpu.memory_space<vmem>>, vector<16xf32>,
        %parallel_loop3A_707 = arith.constant 32 : i32
        %parallel_loop3A_708 = arith.addi %parallel_loop3A_656, %parallel_loop3A_707 : i32
        %parallel_loop3A_709 = arith.index_cast %parallel_loop3A_638 : i32 to index
        %parallel_loop3A_710 = arith.index_cast %parallel_loop3A_708 : i32 to index
        %parallel_loop3A_711 = tpu.vector_load %arg8[%parallel_loop3A_709, %parallel_loop3A_710] {strides = array<i32>} : memref<8x3840xf32, #tpu.memory_space<vmem>>, vector<16xf32>,
        %parallel_loop3A_712 = arith.constant 48 : i32
        %parallel_loop3A_713 = arith.addi %parallel_loop3A_656, %parallel_loop3A_712 : i32
        %parallel_loop3A_714 = arith.index_cast %parallel_loop3A_638 : i32 to index
        %parallel_loop3A_715 = arith.index_cast %parallel_loop3A_713 : i32 to index
        %parallel_loop3A_716 = tpu.vector_load %arg8[%parallel_loop3A_714, %parallel_loop3A_715] {strides = array<i32>} : memref<8x3840xf32, #tpu.memory_space<vmem>>, vector<16xf32>,
        %parallel_loop3A_717 = arith.constant 64 : i32
        %parallel_loop3A_718 = arith.addi %parallel_loop3A_656, %parallel_loop3A_717 : i32
        %parallel_loop3A_719 = arith.index_cast %parallel_loop3A_638 : i32 to index
        %parallel_loop3A_720 = arith.index_cast %parallel_loop3A_718 : i32 to index
        %parallel_loop3A_721 = tpu.vector_load %arg8[%parallel_loop3A_719, %parallel_loop3A_720] {strides = array<i32>} : memref<8x3840xf32, #tpu.memory_space<vmem>>, vector<16xf32>,
        %parallel_loop3A_722 = arith.constant 80 : i32
        %parallel_loop3A_723 = arith.addi %parallel_loop3A_656, %parallel_loop3A_722 : i32
        %parallel_loop3A_724 = arith.index_cast %parallel_loop3A_638 : i32 to index
        %parallel_loop3A_725 = arith.index_cast %parallel_loop3A_723 : i32 to index
        %parallel_loop3A_726 = tpu.vector_load %arg8[%parallel_loop3A_724, %parallel_loop3A_725] {strides = array<i32>} : memref<8x3840xf32, #tpu.memory_space<vmem>>, vector<16xf32>,
        %parallel_loop3A_727 = arith.constant 96 : i32
        %parallel_loop3A_728 = arith.addi %parallel_loop3A_656, %parallel_loop3A_727 : i32
        %parallel_loop3A_729 = arith.index_cast %parallel_loop3A_638 : i32 to index
        %parallel_loop3A_730 = arith.index_cast %parallel_loop3A_728 : i32 to index
        %parallel_loop3A_731 = tpu.vector_load %arg8[%parallel_loop3A_729, %parallel_loop3A_730] {strides = array<i32>} : memref<8x3840xf32, #tpu.memory_space<vmem>>, vector<16xf32>,
        %parallel_loop3A_732 = arith.constant 112 : i32
        %parallel_loop3A_733 = arith.addi %parallel_loop3A_656, %parallel_loop3A_732 : i32
        %parallel_loop3A_734 = arith.index_cast %parallel_loop3A_638 : i32 to index
        %parallel_loop3A_735 = arith.index_cast %parallel_loop3A_733 : i32 to index
        %parallel_loop3A_736 = tpu.vector_load %arg8[%parallel_loop3A_734, %parallel_loop3A_735] {strides = array<i32>} : memref<8x3840xf32, #tpu.memory_space<vmem>>, vector<16xf32>,
        %parallel_loop3A_737 = arith.constant 3.100000e+01 : f32
        %parallel_loop3A_738 = vector.broadcast %parallel_loop3A_737 : f32 to vector<16xf32>
        %parallel_loop3A_739 = arith.mulf %parallel_loop3A_661, %parallel_loop3A_738 : vector<16xf32>
        %parallel_loop3A_740 = arith.fptosi %parallel_loop3A_739 : vector<16xf32> to vector<16xi32>
        %parallel_loop3A_741 = arith.constant 16 : i32
        %parallel_loop3A_742 = vector.broadcast %parallel_loop3A_741 : i32 to vector<16xi32>
        %parallel_loop3A_743 = arith.muli %parallel_loop3A_740, %parallel_loop3A_742 : vector<16xi32>
        %parallel_loop3A_744 = arith.addi %parallel_loop3A_743, %iota3A : vector<16xi32>
        %parallel_loop3A_745 = arith.constant 3.100000e+01 : f32
        %parallel_loop3A_746 = vector.broadcast %parallel_loop3A_745 : f32 to vector<16xf32>
        %parallel_loop3A_747 = arith.mulf %parallel_loop3A_666, %parallel_loop3A_746 : vector<16xf32>
        %parallel_loop3A_748 = arith.fptosi %parallel_loop3A_747 : vector<16xf32> to vector<16xi32>
        %parallel_loop3A_749 = arith.constant 16 : i32
        %parallel_loop3A_750 = vector.broadcast %parallel_loop3A_749 : i32 to vector<16xi32>
        %parallel_loop3A_751 = arith.muli %parallel_loop3A_748, %parallel_loop3A_750 : vector<16xi32>
        %parallel_loop3A_752 = arith.addi %parallel_loop3A_751, %iota3A : vector<16xi32>
        %parallel_loop3A_753 = arith.constant 3.100000e+01 : f32
        %parallel_loop3A_754 = vector.broadcast %parallel_loop3A_753 : f32 to vector<16xf32>
        %parallel_loop3A_755 = arith.mulf %parallel_loop3A_671, %parallel_loop3A_754 : vector<16xf32>
        %parallel_loop3A_756 = arith.fptosi %parallel_loop3A_755 : vector<16xf32> to vector<16xi32>
        %parallel_loop3A_757 = arith.constant 16 : i32
        %parallel_loop3A_758 = vector.broadcast %parallel_loop3A_757 : i32 to vector<16xi32>
        %parallel_loop3A_759 = arith.muli %parallel_loop3A_756, %parallel_loop3A_758 : vector<16xi32>
        %parallel_loop3A_760 = arith.addi %parallel_loop3A_759, %iota3A : vector<16xi32>
        %parallel_loop3A_761 = arith.constant 3.100000e+01 : f32
        %parallel_loop3A_762 = vector.broadcast %parallel_loop3A_761 : f32 to vector<16xf32>
        %parallel_loop3A_763 = arith.mulf %parallel_loop3A_676, %parallel_loop3A_762 : vector<16xf32>
        %parallel_loop3A_764 = arith.fptosi %parallel_loop3A_763 : vector<16xf32> to vector<16xi32>
        %parallel_loop3A_765 = arith.constant 16 : i32
        %parallel_loop3A_766 = vector.broadcast %parallel_loop3A_765 : i32 to vector<16xi32>
        %parallel_loop3A_767 = arith.muli %parallel_loop3A_764, %parallel_loop3A_766 : vector<16xi32>
        %parallel_loop3A_768 = arith.addi %parallel_loop3A_767, %iota3A : vector<16xi32>
        %parallel_loop3A_769 = arith.constant 3.100000e+01 : f32
        %parallel_loop3A_770 = vector.broadcast %parallel_loop3A_769 : f32 to vector<16xf32>
        %parallel_loop3A_771 = arith.mulf %parallel_loop3A_681, %parallel_loop3A_770 : vector<16xf32>
        %parallel_loop3A_772 = arith.fptosi %parallel_loop3A_771 : vector<16xf32> to vector<16xi32>
        %parallel_loop3A_773 = arith.constant 16 : i32
        %parallel_loop3A_774 = vector.broadcast %parallel_loop3A_773 : i32 to vector<16xi32>
        %parallel_loop3A_775 = arith.muli %parallel_loop3A_772, %parallel_loop3A_774 : vector<16xi32>
        %parallel_loop3A_776 = arith.addi %parallel_loop3A_775, %iota3A : vector<16xi32>
        %parallel_loop3A_777 = arith.constant 3.100000e+01 : f32
        %parallel_loop3A_778 = vector.broadcast %parallel_loop3A_777 : f32 to vector<16xf32>
        %parallel_loop3A_779 = arith.mulf %parallel_loop3A_686, %parallel_loop3A_778 : vector<16xf32>
        %parallel_loop3A_780 = arith.fptosi %parallel_loop3A_779 : vector<16xf32> to vector<16xi32>
        %parallel_loop3A_781 = arith.constant 16 : i32
        %parallel_loop3A_782 = vector.broadcast %parallel_loop3A_781 : i32 to vector<16xi32>
        %parallel_loop3A_783 = arith.muli %parallel_loop3A_780, %parallel_loop3A_782 : vector<16xi32>
        %parallel_loop3A_784 = arith.addi %parallel_loop3A_783, %iota3A : vector<16xi32>
        %parallel_loop3A_785 = arith.constant 3.100000e+01 : f32
        %parallel_loop3A_786 = vector.broadcast %parallel_loop3A_785 : f32 to vector<16xf32>
        %parallel_loop3A_787 = arith.mulf %parallel_loop3A_691, %parallel_loop3A_786 : vector<16xf32>
        %parallel_loop3A_788 = arith.fptosi %parallel_loop3A_787 : vector<16xf32> to vector<16xi32>
        %parallel_loop3A_789 = arith.constant 16 : i32
        %parallel_loop3A_790 = vector.broadcast %parallel_loop3A_789 : i32 to vector<16xi32>
        %parallel_loop3A_791 = arith.muli %parallel_loop3A_788, %parallel_loop3A_790 : vector<16xi32>
        %parallel_loop3A_792 = arith.addi %parallel_loop3A_791, %iota3A : vector<16xi32>
        %parallel_loop3A_793 = arith.constant 3.100000e+01 : f32
        %parallel_loop3A_794 = vector.broadcast %parallel_loop3A_793 : f32 to vector<16xf32>
        %parallel_loop3A_795 = arith.mulf %parallel_loop3A_696, %parallel_loop3A_794 : vector<16xf32>
        %parallel_loop3A_796 = arith.fptosi %parallel_loop3A_795 : vector<16xf32> to vector<16xi32>
        %parallel_loop3A_797 = arith.constant 16 : i32
        %parallel_loop3A_798 = vector.broadcast %parallel_loop3A_797 : i32 to vector<16xi32>
        %parallel_loop3A_799 = arith.muli %parallel_loop3A_796, %parallel_loop3A_798 : vector<16xi32>
        %parallel_loop3A_800 = arith.addi %parallel_loop3A_799, %iota3A : vector<16xi32>
        %parallel_loop3A_801 = arith.constant 3.100000e+01 : f32
        %parallel_loop3A_802 = vector.broadcast %parallel_loop3A_801 : f32 to vector<16xf32>
        %parallel_loop3A_803 = arith.mulf %parallel_loop3A_701, %parallel_loop3A_802 : vector<16xf32>
        %parallel_loop3A_804 = arith.fptosi %parallel_loop3A_803 : vector<16xf32> to vector<16xi32>
        %parallel_loop3A_805 = arith.constant 16 : i32
        %parallel_loop3A_806 = vector.broadcast %parallel_loop3A_805 : i32 to vector<16xi32>
        %parallel_loop3A_807 = arith.muli %parallel_loop3A_804, %parallel_loop3A_806 : vector<16xi32>
        %parallel_loop3A_808 = arith.addi %parallel_loop3A_807, %iota3A : vector<16xi32>
        %parallel_loop3A_809 = arith.constant 3.100000e+01 : f32
        %parallel_loop3A_810 = vector.broadcast %parallel_loop3A_809 : f32 to vector<16xf32>
        %parallel_loop3A_811 = arith.mulf %parallel_loop3A_706, %parallel_loop3A_810 : vector<16xf32>
        %parallel_loop3A_812 = arith.fptosi %parallel_loop3A_811 : vector<16xf32> to vector<16xi32>
        %parallel_loop3A_813 = arith.constant 16 : i32
        %parallel_loop3A_814 = vector.broadcast %parallel_loop3A_813 : i32 to vector<16xi32>
        %parallel_loop3A_815 = arith.muli %parallel_loop3A_812, %parallel_loop3A_814 : vector<16xi32>
        %parallel_loop3A_816 = arith.addi %parallel_loop3A_815, %iota3A : vector<16xi32>
        %parallel_loop3A_817 = arith.constant 3.100000e+01 : f32
        %parallel_loop3A_818 = vector.broadcast %parallel_loop3A_817 : f32 to vector<16xf32>
        %parallel_loop3A_819 = arith.mulf %parallel_loop3A_711, %parallel_loop3A_818 : vector<16xf32>
        %parallel_loop3A_820 = arith.fptosi %parallel_loop3A_819 : vector<16xf32> to vector<16xi32>
        %parallel_loop3A_821 = arith.constant 16 : i32
        %parallel_loop3A_822 = vector.broadcast %parallel_loop3A_821 : i32 to vector<16xi32>
        %parallel_loop3A_823 = arith.muli %parallel_loop3A_820, %parallel_loop3A_822 : vector<16xi32>
        %parallel_loop3A_824 = arith.addi %parallel_loop3A_823, %iota3A : vector<16xi32>
        %parallel_loop3A_825 = arith.constant 3.100000e+01 : f32
        %parallel_loop3A_826 = vector.broadcast %parallel_loop3A_825 : f32 to vector<16xf32>
        %parallel_loop3A_827 = arith.mulf %parallel_loop3A_716, %parallel_loop3A_826 : vector<16xf32>
        %parallel_loop3A_828 = arith.fptosi %parallel_loop3A_827 : vector<16xf32> to vector<16xi32>
        %parallel_loop3A_829 = arith.constant 16 : i32
        %parallel_loop3A_830 = vector.broadcast %parallel_loop3A_829 : i32 to vector<16xi32>
        %parallel_loop3A_831 = arith.muli %parallel_loop3A_828, %parallel_loop3A_830 : vector<16xi32>
        %parallel_loop3A_832 = arith.addi %parallel_loop3A_831, %iota3A : vector<16xi32>
        %parallel_loop3A_833 = arith.constant 3.100000e+01 : f32
        %parallel_loop3A_834 = vector.broadcast %parallel_loop3A_833 : f32 to vector<16xf32>
        %parallel_loop3A_835 = arith.mulf %parallel_loop3A_721, %parallel_loop3A_834 : vector<16xf32>
        %parallel_loop3A_836 = arith.fptosi %parallel_loop3A_835 : vector<16xf32> to vector<16xi32>
        %parallel_loop3A_837 = arith.constant 16 : i32
        %parallel_loop3A_838 = vector.broadcast %parallel_loop3A_837 : i32 to vector<16xi32>
        %parallel_loop3A_839 = arith.muli %parallel_loop3A_836, %parallel_loop3A_838 : vector<16xi32>
        %parallel_loop3A_840 = arith.addi %parallel_loop3A_839, %iota3A : vector<16xi32>
        %parallel_loop3A_841 = arith.constant 3.100000e+01 : f32
        %parallel_loop3A_842 = vector.broadcast %parallel_loop3A_841 : f32 to vector<16xf32>
        %parallel_loop3A_843 = arith.mulf %parallel_loop3A_726, %parallel_loop3A_842 : vector<16xf32>
        %parallel_loop3A_844 = arith.fptosi %parallel_loop3A_843 : vector<16xf32> to vector<16xi32>
        %parallel_loop3A_845 = arith.constant 16 : i32
        %parallel_loop3A_846 = vector.broadcast %parallel_loop3A_845 : i32 to vector<16xi32>
        %parallel_loop3A_847 = arith.muli %parallel_loop3A_844, %parallel_loop3A_846 : vector<16xi32>
        %parallel_loop3A_848 = arith.addi %parallel_loop3A_847, %iota3A : vector<16xi32>
        %parallel_loop3A_849 = arith.constant 3.100000e+01 : f32
        %parallel_loop3A_850 = vector.broadcast %parallel_loop3A_849 : f32 to vector<16xf32>
        %parallel_loop3A_851 = arith.mulf %parallel_loop3A_731, %parallel_loop3A_850 : vector<16xf32>
        %parallel_loop3A_852 = arith.fptosi %parallel_loop3A_851 : vector<16xf32> to vector<16xi32>
        %parallel_loop3A_853 = arith.constant 16 : i32
        %parallel_loop3A_854 = vector.broadcast %parallel_loop3A_853 : i32 to vector<16xi32>
        %parallel_loop3A_855 = arith.muli %parallel_loop3A_852, %parallel_loop3A_854 : vector<16xi32>
        %parallel_loop3A_856 = arith.addi %parallel_loop3A_855, %iota3A : vector<16xi32>
        %parallel_loop3A_857 = arith.constant 3.100000e+01 : f32
        %parallel_loop3A_858 = vector.broadcast %parallel_loop3A_857 : f32 to vector<16xf32>
        %parallel_loop3A_859 = arith.mulf %parallel_loop3A_736, %parallel_loop3A_858 : vector<16xf32>
        %parallel_loop3A_860 = arith.fptosi %parallel_loop3A_859 : vector<16xf32> to vector<16xi32>
        %parallel_loop3A_861 = arith.constant 16 : i32
        %parallel_loop3A_862 = vector.broadcast %parallel_loop3A_861 : i32 to vector<16xi32>
        %parallel_loop3A_863 = arith.muli %parallel_loop3A_860, %parallel_loop3A_862 : vector<16xi32>
        %parallel_loop3A_864 = arith.addi %parallel_loop3A_863, %iota3A : vector<16xi32>
        %parallel_loop3A_865 = arith.subf %parallel_loop3A_661, %parallel_loop3A_701 : vector<16xf32>
        %parallel_loop3A_866 = math.absf %parallel_loop3A_865 : vector<16xf32>
        %parallel_loop3A_867 = arith.subf %parallel_loop3A_666, %parallel_loop3A_706 : vector<16xf32>
        %parallel_loop3A_868 = math.absf %parallel_loop3A_867 : vector<16xf32>
        %parallel_loop3A_869 = arith.subf %parallel_loop3A_671, %parallel_loop3A_711 : vector<16xf32>
        %parallel_loop3A_870 = math.absf %parallel_loop3A_869 : vector<16xf32>
        %parallel_loop3A_871 = arith.subf %parallel_loop3A_676, %parallel_loop3A_716 : vector<16xf32>
        %parallel_loop3A_872 = math.absf %parallel_loop3A_871 : vector<16xf32>
        %parallel_loop3A_873 = arith.subf %parallel_loop3A_681, %parallel_loop3A_721 : vector<16xf32>
        %parallel_loop3A_874 = math.absf %parallel_loop3A_873 : vector<16xf32>
        %parallel_loop3A_875 = arith.subf %parallel_loop3A_686, %parallel_loop3A_726 : vector<16xf32>
        %parallel_loop3A_876 = math.absf %parallel_loop3A_875 : vector<16xf32>
        %parallel_loop3A_877 = arith.subf %parallel_loop3A_691, %parallel_loop3A_731 : vector<16xf32>
        %parallel_loop3A_878 = math.absf %parallel_loop3A_877 : vector<16xf32>
        %parallel_loop3A_879 = arith.subf %parallel_loop3A_696, %parallel_loop3A_736 : vector<16xf32>
        %parallel_loop3A_880 = math.absf %parallel_loop3A_879 : vector<16xf32>
        %parallel_loop3A_881 = arith.addf %parallel_loop3A_866, %parallel_loop3A_868 : vector<16xf32>
        %parallel_loop3A_882 = arith.addf %parallel_loop3A_870, %parallel_loop3A_872 : vector<16xf32>
        %parallel_loop3A_883 = arith.addf %parallel_loop3A_874, %parallel_loop3A_876 : vector<16xf32>
        %parallel_loop3A_884 = arith.addf %parallel_loop3A_878, %parallel_loop3A_880 : vector<16xf32>
        %parallel_loop3A_885 = arith.addf %parallel_loop3A_881, %parallel_loop3A_882 : vector<16xf32>
        %parallel_loop3A_886 = arith.addf %parallel_loop3A_883, %parallel_loop3A_884 : vector<16xf32>
        %parallel_loop3A_887 = arith.addf %parallel_loop3A_885, %parallel_loop3A_886 : vector<16xf32>
        %parallel_loop3A_888 = arith.addf %parallel_loop3A_613, %parallel_loop3A_887 : vector<16xf32>
        %parallel_loop3A_889 = arith.addf %parallel_loop3A_661, %parallel_loop3A_666 : vector<16xf32>
        %parallel_loop3A_890 = arith.addf %parallel_loop3A_671, %parallel_loop3A_676 : vector<16xf32>
        %parallel_loop3A_891 = arith.addf %parallel_loop3A_681, %parallel_loop3A_686 : vector<16xf32>
        %parallel_loop3A_892 = arith.addf %parallel_loop3A_691, %parallel_loop3A_696 : vector<16xf32>
        %parallel_loop3A_893 = arith.addf %parallel_loop3A_889, %parallel_loop3A_890 : vector<16xf32>
        %parallel_loop3A_894 = arith.addf %parallel_loop3A_891, %parallel_loop3A_892 : vector<16xf32>
        %parallel_loop3A_895 = arith.addf %parallel_loop3A_893, %parallel_loop3A_894 : vector<16xf32>
        %parallel_loop3A_896 = arith.addf %parallel_loop3A_614, %parallel_loop3A_895 : vector<16xf32>
        tpu.vector_store_idx %arg10[%parallel_loop3A_744], %broadcast_in_dim3A_4 {add = true} : memref<512xf32, #tpu.memory_space<vmem>>[vector<16xi32>], vector<16xf32>,
        tpu.vector_store_idx %arg11[%parallel_loop3A_808], %broadcast_in_dim3A_4 {add = true} : memref<512xf32, #tpu.memory_space<vmem>>[vector<16xi32>], vector<16xf32>,
        tpu.vector_store_idx %arg10[%parallel_loop3A_752], %broadcast_in_dim3A_4 {add = true} : memref<512xf32, #tpu.memory_space<vmem>>[vector<16xi32>], vector<16xf32>,
        tpu.vector_store_idx %arg11[%parallel_loop3A_816], %broadcast_in_dim3A_4 {add = true} : memref<512xf32, #tpu.memory_space<vmem>>[vector<16xi32>], vector<16xf32>,
        tpu.vector_store_idx %arg10[%parallel_loop3A_760], %broadcast_in_dim3A_4 {add = true} : memref<512xf32, #tpu.memory_space<vmem>>[vector<16xi32>], vector<16xf32>,
        tpu.vector_store_idx %arg11[%parallel_loop3A_824], %broadcast_in_dim3A_4 {add = true} : memref<512xf32, #tpu.memory_space<vmem>>[vector<16xi32>], vector<16xf32>,
        tpu.vector_store_idx %arg10[%parallel_loop3A_768], %broadcast_in_dim3A_4 {add = true} : memref<512xf32, #tpu.memory_space<vmem>>[vector<16xi32>], vector<16xf32>,
        tpu.vector_store_idx %arg11[%parallel_loop3A_832], %broadcast_in_dim3A_4 {add = true} : memref<512xf32, #tpu.memory_space<vmem>>[vector<16xi32>], vector<16xf32>,
        tpu.vector_store_idx %arg10[%parallel_loop3A_776], %broadcast_in_dim3A_4 {add = true} : memref<512xf32, #tpu.memory_space<vmem>>[vector<16xi32>], vector<16xf32>,
        tpu.vector_store_idx %arg11[%parallel_loop3A_840], %broadcast_in_dim3A_4 {add = true} : memref<512xf32, #tpu.memory_space<vmem>>[vector<16xi32>], vector<16xf32>,
        tpu.vector_store_idx %arg10[%parallel_loop3A_784], %broadcast_in_dim3A_4 {add = true} : memref<512xf32, #tpu.memory_space<vmem>>[vector<16xi32>], vector<16xf32>,
        tpu.vector_store_idx %arg11[%parallel_loop3A_848], %broadcast_in_dim3A_4 {add = true} : memref<512xf32, #tpu.memory_space<vmem>>[vector<16xi32>], vector<16xf32>,
        tpu.vector_store_idx %arg10[%parallel_loop3A_792], %broadcast_in_dim3A_4 {add = true} : memref<512xf32, #tpu.memory_space<vmem>>[vector<16xi32>], vector<16xf32>,
        tpu.vector_store_idx %arg11[%parallel_loop3A_856], %broadcast_in_dim3A_4 {add = true} : memref<512xf32, #tpu.memory_space<vmem>>[vector<16xi32>], vector<16xf32>,
        tpu.vector_store_idx %arg10[%parallel_loop3A_800], %broadcast_in_dim3A_4 {add = true} : memref<512xf32, #tpu.memory_space<vmem>>[vector<16xi32>], vector<16xf32>,
        tpu.vector_store_idx %arg11[%parallel_loop3A_864], %broadcast_in_dim3A_4 {add = true} : memref<512xf32, #tpu.memory_space<vmem>>[vector<16xi32>], vector<16xf32>,
        scf.yield %parallel_loop3A_888, %parallel_loop3A_896 : vector<16xf32>, vector<16xf32>
      } {sc.loop_unroll_factor = 1 : i64, sc.parallel_access}
      %add3A_570 = arith.constant 2 : i32
      %add3A_571 = arith.addi %add3A_555, %add3A_570 : i32
      %lt3A_572 = arith.constant 8 : i32
      %lt3A_573 = arith.cmpi slt, %add3A_571, %lt3A_572 : i32
      %convert_element_type3A_574 = arith.extui %lt3A_573 : i1 to i32
      %cond3A_575 = arith.constant 0 : i32
      %cond3A_576 = arith.cmpi ne, %convert_element_type3A_574, %cond3A_575 : i32
      scf.if %cond3A_576 {
        %mul3A_612 = arith.constant 32 : i32
        %mul3A_613 = arith.muli %mul3A_612, %add3A_571 : i32
        %add3A_614 = arith.addi %add3A, %mul3A_613 : i32
        %mul3A_615 = arith.constant 8 : i32
        %mul3A_616 = arith.muli %add3A_614, %mul3A_615 : i32
        %dma_start3A_617 = arith.constant 0 : i32
        %dma_start3A_618 = tpu.memref_slice %arg2[%mul3A_616, %dma_start3A_617] : memref<2160x3840xf32, #tpu.memory_space<hbm>> -> memref<8x3840xf32, #tpu.memory_space<hbm>>
        %dma_start3A_619 = arith.constant 0 : i32
        %dma_start3A_620 = tpu.memref_slice %arg2[%mul3A_616, %dma_start3A_619] : memref<2160x3840xf32, #tpu.memory_space<hbm>> -> memref<8x3840xf32, #tpu.memory_space<hbm>>
        tpu.enqueue_dma source(%dma_start3A_620 : memref<8x3840xf32, #tpu.memory_space<hbm>>) target(%arg6 : memref<8x3840xf32, #tpu.memory_space<vmem>>) target_semaphore(%arg13 : memref<!tpu.dma_semaphore, #tpu.memory_space<semaphore_mem>>)
        %dma_start3A_621 = arith.constant 0 : i32
        %dma_start3A_622 = tpu.memref_slice %arg3[%mul3A_616, %dma_start3A_621] : memref<2160x3840xf32, #tpu.memory_space<hbm>> -> memref<8x3840xf32, #tpu.memory_space<hbm>>
        %dma_start3A_623 = arith.constant 0 : i32
        %dma_start3A_624 = tpu.memref_slice %arg3[%mul3A_616, %dma_start3A_623] : memref<2160x3840xf32, #tpu.memory_space<hbm>> -> memref<8x3840xf32, #tpu.memory_space<hbm>>
        tpu.enqueue_dma source(%dma_start3A_624 : memref<8x3840xf32, #tpu.memory_space<hbm>>) target(%arg8 : memref<8x3840xf32, #tpu.memory_space<vmem>>) target_semaphore(%arg15 : memref<!tpu.dma_semaphore, #tpu.memory_space<semaphore_mem>>)
      } else {
      }
      %eq3A = arith.constant 8 : i32
      %eq3A_577 = arith.cmpi eq, %add3A_571, %eq3A : i32
      %and3A = arith.andi %eq3A_577, %lt3A_1 : i1
      %convert_element_type3A_578 = arith.extui %and3A : i1 to i32
      %cond3A_579 = arith.constant 0 : i32
      %cond3A_580 = arith.cmpi ne, %convert_element_type3A_578, %cond3A_579 : i32
      scf.if %cond3A_580 {
        %jit3A = arith.constant 2 : i32
        %div3A = arith.divsi %add3A, %jit3A : i32
        %sign3A = arith.constant 0 : i32
        %sign3A_612 = arith.cmpi sgt, %add3A, %sign3A : i32
        %sign3A_613 = arith.extui %sign3A_612 : i1 to i32
        %sign3A_614 = arith.constant 0 : i32
        %sign3A_615 = arith.cmpi slt, %add3A, %sign3A_614 : i32
        %sign3A_616 = arith.extui %sign3A_615 : i1 to i32
        %sign3A_617 = arith.subi %sign3A_613, %sign3A_616 : i32
        %sign3A_618 = arith.constant 0 : i32
        %sign3A_619 = arith.cmpi sgt, %jit3A, %sign3A_618 : i32
        %sign3A_620 = arith.extui %sign3A_619 : i1 to i32
        %sign3A_621 = arith.constant 0 : i32
        %sign3A_622 = arith.cmpi slt, %jit3A, %sign3A_621 : i32
        %sign3A_623 = arith.extui %sign3A_622 : i1 to i32
        %sign3A_624 = arith.subi %sign3A_620, %sign3A_623 : i32
        %ne3A = arith.cmpi ne, %sign3A_617, %sign3A_624 : i32
        %rem3A = arith.remsi %add3A, %jit3A : i32
        %ne3A_625 = arith.constant 0 : i32
        %ne3A_626 = arith.cmpi ne, %rem3A, %ne3A_625 : i32
        %and3A_627 = arith.andi %ne3A, %ne3A_626 : i1
        %sub3A = arith.constant 1 : i32
        %sub3A_628 = arith.subi %div3A, %sub3A : i32
        %select_n3A = arith.select %and3A_627, %sub3A_628, %div3A : i32
        %add3A_629 = arith.constant 256 : i32
        %add3A_630 = arith.addi %add3A_629, %select_n3A : i32
        %mul3A_631 = arith.constant 8 : i32
        %mul3A_632 = arith.muli %add3A_630, %mul3A_631 : i32
        %jit3A_633 = arith.constant 2 : i32
        %eq3A_634 = arith.constant 0 : i32
        %eq3A_635 = arith.cmpi eq, %jit3A_633, %eq3A_634 : i32
        %jit3A_636 = arith.constant 1 : i32
        %select_n3A_637 = arith.select %eq3A_635, %jit3A_636, %jit3A_633 : i32
        %rem3A_638 = arith.remsi %add3A, %select_n3A_637 : i32
        %ne3A_639 = arith.constant 0 : i32
        %ne3A_640 = arith.cmpi ne, %rem3A_638, %ne3A_639 : i32
        %lt3A_641 = arith.constant 0 : i32
        %lt3A_642 = arith.cmpi slt, %rem3A_638, %lt3A_641 : i32
        %lt3A_643 = arith.constant 0 : i32
        %lt3A_644 = arith.cmpi slt, %select_n3A_637, %lt3A_643 : i32
        %ne3A_645 = arith.xori %lt3A_642, %lt3A_644 : i1
        %and3A_646 = arith.andi %ne3A_645, %ne3A_640 : i1
        %add3A_647 = arith.addi %rem3A_638, %select_n3A_637 : i32
        %select_n3A_648 = arith.select %and3A_646, %add3A_647, %rem3A_638 : i32
        %mul3A_649 = arith.constant 1920 : i32
        %mul3A_650 = arith.muli %select_n3A_648, %mul3A_649 : i32
        %dma_start3A_651 = arith.constant 0 : i32
        %dma_start3A_652 = arith.constant 0 : i32
        %dma_start3A_653 = tpu.memref_slice %arg6[%dma_start3A_651, %dma_start3A_652] : memref<8x3840xf32, #tpu.memory_space<vmem>> -> memref<8x1920xf32, #tpu.memory_space<vmem>>
        %dma_start3A_654 = tpu.memref_slice %arg2[%mul3A_632, %mul3A_650] : memref<2160x3840xf32, #tpu.memory_space<hbm>> -> memref<8x1920xf32, #tpu.memory_space<hbm>>
        %dma_start3A_655 = arith.constant 0 : i32
        %dma_start3A_656 = arith.constant 0 : i32
        %dma_start3A_657 = tpu.memref_slice %arg6[%dma_start3A_655, %dma_start3A_656] : memref<8x3840xf32, #tpu.memory_space<vmem>> -> memref<8x1920xf32, #tpu.memory_space<vmem>>
        %dma_start3A_658 = tpu.memref_slice %arg2[%mul3A_632, %mul3A_650] : memref<2160x3840xf32, #tpu.memory_space<hbm>> -> memref<8x1920xf32, #tpu.memory_space<hbm>>
        tpu.enqueue_dma source(%dma_start3A_658 : memref<8x1920xf32, #tpu.memory_space<hbm>>) target(%dma_start3A_657 : memref<8x1920xf32, #tpu.memory_space<vmem>>) target_semaphore(%arg13 : memref<!tpu.dma_semaphore, #tpu.memory_space<semaphore_mem>>)
        %dma_start3A_659 = arith.constant 0 : i32
        %dma_start3A_660 = arith.constant 0 : i32
        %dma_start3A_661 = tpu.memref_slice %arg8[%dma_start3A_659, %dma_start3A_660] : memref<8x3840xf32, #tpu.memory_space<vmem>> -> memref<8x1920xf32, #tpu.memory_space<vmem>>
        %dma_start3A_662 = tpu.memref_slice %arg3[%mul3A_632, %mul3A_650] : memref<2160x3840xf32, #tpu.memory_space<hbm>> -> memref<8x1920xf32, #tpu.memory_space<hbm>>
        %dma_start3A_663 = arith.constant 0 : i32
        %dma_start3A_664 = arith.constant 0 : i32
        %dma_start3A_665 = tpu.memref_slice %arg8[%dma_start3A_663, %dma_start3A_664] : memref<8x3840xf32, #tpu.memory_space<vmem>> -> memref<8x1920xf32, #tpu.memory_space<vmem>>
        %dma_start3A_666 = tpu.memref_slice %arg3[%mul3A_632, %mul3A_650] : memref<2160x3840xf32, #tpu.memory_space<hbm>> -> memref<8x1920xf32, #tpu.memory_space<hbm>>
        tpu.enqueue_dma source(%dma_start3A_666 : memref<8x1920xf32, #tpu.memory_space<hbm>>) target(%dma_start3A_665 : memref<8x1920xf32, #tpu.memory_space<vmem>>) target_semaphore(%arg15 : memref<!tpu.dma_semaphore, #tpu.memory_space<semaphore_mem>>)
      } else {
      }
      %add3A_581 = arith.constant 1 : i32
      %add3A_582 = arith.addi %mul3A_553, %add3A_581 : i32
      %dma_wait3A_583 = arith.constant 0 : i32
      %dma_wait3A_584 = arith.constant 0 : i32
      %dma_wait3A_585 = tpu.memref_slice %arg2[%dma_wait3A_583, %dma_wait3A_584] : memref<2160x3840xf32, #tpu.memory_space<hbm>> -> memref<8x3840xf32, #tpu.memory_space<hbm>>
      %dma_wait3A_586 = arith.constant 0 : i32
      %dma_wait3A_587 = arith.constant 0 : i32
      %dma_wait3A_588 = tpu.memref_slice %arg2[%dma_wait3A_586, %dma_wait3A_587] : memref<2160x3840xf32, #tpu.memory_space<hbm>> -> memref<8x3840xf32, #tpu.memory_space<hbm>>
      tpu.wait_dma2 semaphore(%arg14 : memref<!tpu.dma_semaphore, #tpu.memory_space<semaphore_mem>>) src(%dma_wait3A_588 : memref<8x3840xf32, #tpu.memory_space<hbm>>) dst(%arg7 : memref<8x3840xf32, #tpu.memory_space<vmem>>)
      %dma_wait3A_589 = arith.constant 0 : i32
      %dma_wait3A_590 = arith.constant 0 : i32
      %dma_wait3A_591 = tpu.memref_slice %arg3[%dma_wait3A_589, %dma_wait3A_590] : memref<2160x3840xf32, #tpu.memory_space<hbm>> -> memref<8x3840xf32, #tpu.memory_space<hbm>>
      %dma_wait3A_592 = arith.constant 0 : i32
      %dma_wait3A_593 = arith.constant 0 : i32
      %dma_wait3A_594 = tpu.memref_slice %arg3[%dma_wait3A_592, %dma_wait3A_593] : memref<2160x3840xf32, #tpu.memory_space<hbm>> -> memref<8x3840xf32, #tpu.memory_space<hbm>>
      tpu.wait_dma2 semaphore(%arg16 : memref<!tpu.dma_semaphore, #tpu.memory_space<semaphore_mem>>) src(%dma_wait3A_594 : memref<8x3840xf32, #tpu.memory_space<hbm>>) dst(%arg9 : memref<8x3840xf32, #tpu.memory_space<vmem>>)
      %parallel_loop3A_595 = arith.constant 0 : i32
      %parallel_loop3A_596 = arith.constant 1920 : i32
      %parallel_loop3A_597 = arith.constant 8 : i32
      %parallel_loop3A_598:2 = scf.for %parallel_loop3A_612 = %parallel_loop3A_595 to %parallel_loop3A_596 step %parallel_loop3A_597 iter_args(%parallel_loop3A_613 = %parallel_loop3A_569#0, %parallel_loop3A_614 = %parallel_loop3A_569#1) -> (vector<16xf32>, vector<16xf32>)  : i32 {
        %parallel_loop3A_615 = arith.constant 240 : i32
        %parallel_loop3A_616 = arith.divsi %parallel_loop3A_612, %parallel_loop3A_615 : i32
        %parallel_loop3A_617 = arith.constant 0 : i32
        %parallel_loop3A_618 = arith.cmpi sgt, %parallel_loop3A_612, %parallel_loop3A_617 : i32
        %parallel_loop3A_619 = arith.extui %parallel_loop3A_618 : i1 to i32
        %parallel_loop3A_620 = arith.constant 0 : i32
        %parallel_loop3A_621 = arith.cmpi slt, %parallel_loop3A_612, %parallel_loop3A_620 : i32
        %parallel_loop3A_622 = arith.extui %parallel_loop3A_621 : i1 to i32
        %parallel_loop3A_623 = arith.subi %parallel_loop3A_619, %parallel_loop3A_622 : i32
        %parallel_loop3A_624 = arith.constant 0 : i32
        %parallel_loop3A_625 = arith.cmpi sgt, %parallel_loop3A_615, %parallel_loop3A_624 : i32
        %parallel_loop3A_626 = arith.extui %parallel_loop3A_625 : i1 to i32
        %parallel_loop3A_627 = arith.constant 0 : i32
        %parallel_loop3A_628 = arith.cmpi slt, %parallel_loop3A_615, %parallel_loop3A_627 : i32
        %parallel_loop3A_629 = arith.extui %parallel_loop3A_628 : i1 to i32
        %parallel_loop3A_630 = arith.subi %parallel_loop3A_626, %parallel_loop3A_629 : i32
        %parallel_loop3A_631 = arith.cmpi ne, %parallel_loop3A_623, %parallel_loop3A_630 : i32
        %parallel_loop3A_632 = arith.remsi %parallel_loop3A_612, %parallel_loop3A_615 : i32
        %parallel_loop3A_633 = arith.constant 0 : i32
        %parallel_loop3A_634 = arith.cmpi ne, %parallel_loop3A_632, %parallel_loop3A_633 : i32
        %parallel_loop3A_635 = arith.andi %parallel_loop3A_631, %parallel_loop3A_634 : i1
        %parallel_loop3A_636 = arith.constant 1 : i32
        %parallel_loop3A_637 = arith.subi %parallel_loop3A_616, %parallel_loop3A_636 : i32
        %parallel_loop3A_638 = arith.select %parallel_loop3A_635, %parallel_loop3A_637, %parallel_loop3A_616 : i32
        %parallel_loop3A_639 = arith.constant 240 : i32
        %parallel_loop3A_640 = arith.constant 0 : i32
        %parallel_loop3A_641 = arith.cmpi eq, %parallel_loop3A_639, %parallel_loop3A_640 : i32
        %parallel_loop3A_642 = arith.constant 1 : i32
        %parallel_loop3A_643 = arith.select %parallel_loop3A_641, %parallel_loop3A_642, %parallel_loop3A_639 : i32
        %parallel_loop3A_644 = arith.remsi %parallel_loop3A_612, %parallel_loop3A_643 : i32
        %parallel_loop3A_645 = arith.constant 0 : i32
        %parallel_loop3A_646 = arith.cmpi ne, %parallel_loop3A_644, %parallel_loop3A_645 : i32
        %parallel_loop3A_647 = arith.constant 0 : i32
        %parallel_loop3A_648 = arith.cmpi slt, %parallel_loop3A_644, %parallel_loop3A_647 : i32
        %parallel_loop3A_649 = arith.constant 0 : i32
        %parallel_loop3A_650 = arith.cmpi slt, %parallel_loop3A_643, %parallel_loop3A_649 : i32
        %parallel_loop3A_651 = arith.xori %parallel_loop3A_648, %parallel_loop3A_650 : i1
        %parallel_loop3A_652 = arith.andi %parallel_loop3A_651, %parallel_loop3A_646 : i1
        %parallel_loop3A_653 = arith.addi %parallel_loop3A_644, %parallel_loop3A_643 : i32
        %parallel_loop3A_654 = arith.select %parallel_loop3A_652, %parallel_loop3A_653, %parallel_loop3A_644 : i32
        %parallel_loop3A_655 = arith.constant 16 : i32
        %parallel_loop3A_656 = arith.muli %parallel_loop3A_654, %parallel_loop3A_655 : i32
        %parallel_loop3A_657 = arith.constant 0 : i32
        %parallel_loop3A_658 = arith.addi %parallel_loop3A_656, %parallel_loop3A_657 : i32
        %parallel_loop3A_659 = arith.index_cast %parallel_loop3A_638 : i32 to index
        %parallel_loop3A_660 = arith.index_cast %parallel_loop3A_658 : i32 to index
        %parallel_loop3A_661 = tpu.vector_load %arg7[%parallel_loop3A_659, %parallel_loop3A_660] {strides = array<i32>} : memref<8x3840xf32, #tpu.memory_space<vmem>>, vector<16xf32>,
        %parallel_loop3A_662 = arith.constant 16 : i32
        %parallel_loop3A_663 = arith.addi %parallel_loop3A_656, %parallel_loop3A_662 : i32
        %parallel_loop3A_664 = arith.index_cast %parallel_loop3A_638 : i32 to index
        %parallel_loop3A_665 = arith.index_cast %parallel_loop3A_663 : i32 to index
        %parallel_loop3A_666 = tpu.vector_load %arg7[%parallel_loop3A_664, %parallel_loop3A_665] {strides = array<i32>} : memref<8x3840xf32, #tpu.memory_space<vmem>>, vector<16xf32>,
        %parallel_loop3A_667 = arith.constant 32 : i32
        %parallel_loop3A_668 = arith.addi %parallel_loop3A_656, %parallel_loop3A_667 : i32
        %parallel_loop3A_669 = arith.index_cast %parallel_loop3A_638 : i32 to index
        %parallel_loop3A_670 = arith.index_cast %parallel_loop3A_668 : i32 to index
        %parallel_loop3A_671 = tpu.vector_load %arg7[%parallel_loop3A_669, %parallel_loop3A_670] {strides = array<i32>} : memref<8x3840xf32, #tpu.memory_space<vmem>>, vector<16xf32>,
        %parallel_loop3A_672 = arith.constant 48 : i32
        %parallel_loop3A_673 = arith.addi %parallel_loop3A_656, %parallel_loop3A_672 : i32
        %parallel_loop3A_674 = arith.index_cast %parallel_loop3A_638 : i32 to index
        %parallel_loop3A_675 = arith.index_cast %parallel_loop3A_673 : i32 to index
        %parallel_loop3A_676 = tpu.vector_load %arg7[%parallel_loop3A_674, %parallel_loop3A_675] {strides = array<i32>} : memref<8x3840xf32, #tpu.memory_space<vmem>>, vector<16xf32>,
        %parallel_loop3A_677 = arith.constant 64 : i32
        %parallel_loop3A_678 = arith.addi %parallel_loop3A_656, %parallel_loop3A_677 : i32
        %parallel_loop3A_679 = arith.index_cast %parallel_loop3A_638 : i32 to index
        %parallel_loop3A_680 = arith.index_cast %parallel_loop3A_678 : i32 to index
        %parallel_loop3A_681 = tpu.vector_load %arg7[%parallel_loop3A_679, %parallel_loop3A_680] {strides = array<i32>} : memref<8x3840xf32, #tpu.memory_space<vmem>>, vector<16xf32>,
        %parallel_loop3A_682 = arith.constant 80 : i32
        %parallel_loop3A_683 = arith.addi %parallel_loop3A_656, %parallel_loop3A_682 : i32
        %parallel_loop3A_684 = arith.index_cast %parallel_loop3A_638 : i32 to index
        %parallel_loop3A_685 = arith.index_cast %parallel_loop3A_683 : i32 to index
        %parallel_loop3A_686 = tpu.vector_load %arg7[%parallel_loop3A_684, %parallel_loop3A_685] {strides = array<i32>} : memref<8x3840xf32, #tpu.memory_space<vmem>>, vector<16xf32>,
        %parallel_loop3A_687 = arith.constant 96 : i32
        %parallel_loop3A_688 = arith.addi %parallel_loop3A_656, %parallel_loop3A_687 : i32
        %parallel_loop3A_689 = arith.index_cast %parallel_loop3A_638 : i32 to index
        %parallel_loop3A_690 = arith.index_cast %parallel_loop3A_688 : i32 to index
        %parallel_loop3A_691 = tpu.vector_load %arg7[%parallel_loop3A_689, %parallel_loop3A_690] {strides = array<i32>} : memref<8x3840xf32, #tpu.memory_space<vmem>>, vector<16xf32>,
        %parallel_loop3A_692 = arith.constant 112 : i32
        %parallel_loop3A_693 = arith.addi %parallel_loop3A_656, %parallel_loop3A_692 : i32
        %parallel_loop3A_694 = arith.index_cast %parallel_loop3A_638 : i32 to index
        %parallel_loop3A_695 = arith.index_cast %parallel_loop3A_693 : i32 to index
        %parallel_loop3A_696 = tpu.vector_load %arg7[%parallel_loop3A_694, %parallel_loop3A_695] {strides = array<i32>} : memref<8x3840xf32, #tpu.memory_space<vmem>>, vector<16xf32>,
        %parallel_loop3A_697 = arith.constant 0 : i32
        %parallel_loop3A_698 = arith.addi %parallel_loop3A_656, %parallel_loop3A_697 : i32
        %parallel_loop3A_699 = arith.index_cast %parallel_loop3A_638 : i32 to index
        %parallel_loop3A_700 = arith.index_cast %parallel_loop3A_698 : i32 to index
        %parallel_loop3A_701 = tpu.vector_load %arg9[%parallel_loop3A_699, %parallel_loop3A_700] {strides = array<i32>} : memref<8x3840xf32, #tpu.memory_space<vmem>>, vector<16xf32>,
        %parallel_loop3A_702 = arith.constant 16 : i32
        %parallel_loop3A_703 = arith.addi %parallel_loop3A_656, %parallel_loop3A_702 : i32
        %parallel_loop3A_704 = arith.index_cast %parallel_loop3A_638 : i32 to index
        %parallel_loop3A_705 = arith.index_cast %parallel_loop3A_703 : i32 to index
        %parallel_loop3A_706 = tpu.vector_load %arg9[%parallel_loop3A_704, %parallel_loop3A_705] {strides = array<i32>} : memref<8x3840xf32, #tpu.memory_space<vmem>>, vector<16xf32>,
        %parallel_loop3A_707 = arith.constant 32 : i32
        %parallel_loop3A_708 = arith.addi %parallel_loop3A_656, %parallel_loop3A_707 : i32
        %parallel_loop3A_709 = arith.index_cast %parallel_loop3A_638 : i32 to index
        %parallel_loop3A_710 = arith.index_cast %parallel_loop3A_708 : i32 to index
        %parallel_loop3A_711 = tpu.vector_load %arg9[%parallel_loop3A_709, %parallel_loop3A_710] {strides = array<i32>} : memref<8x3840xf32, #tpu.memory_space<vmem>>, vector<16xf32>,
        %parallel_loop3A_712 = arith.constant 48 : i32
        %parallel_loop3A_713 = arith.addi %parallel_loop3A_656, %parallel_loop3A_712 : i32
        %parallel_loop3A_714 = arith.index_cast %parallel_loop3A_638 : i32 to index
        %parallel_loop3A_715 = arith.index_cast %parallel_loop3A_713 : i32 to index
        %parallel_loop3A_716 = tpu.vector_load %arg9[%parallel_loop3A_714, %parallel_loop3A_715] {strides = array<i32>} : memref<8x3840xf32, #tpu.memory_space<vmem>>, vector<16xf32>,
        %parallel_loop3A_717 = arith.constant 64 : i32
        %parallel_loop3A_718 = arith.addi %parallel_loop3A_656, %parallel_loop3A_717 : i32
        %parallel_loop3A_719 = arith.index_cast %parallel_loop3A_638 : i32 to index
        %parallel_loop3A_720 = arith.index_cast %parallel_loop3A_718 : i32 to index
        %parallel_loop3A_721 = tpu.vector_load %arg9[%parallel_loop3A_719, %parallel_loop3A_720] {strides = array<i32>} : memref<8x3840xf32, #tpu.memory_space<vmem>>, vector<16xf32>,
        %parallel_loop3A_722 = arith.constant 80 : i32
        %parallel_loop3A_723 = arith.addi %parallel_loop3A_656, %parallel_loop3A_722 : i32
        %parallel_loop3A_724 = arith.index_cast %parallel_loop3A_638 : i32 to index
        %parallel_loop3A_725 = arith.index_cast %parallel_loop3A_723 : i32 to index
        %parallel_loop3A_726 = tpu.vector_load %arg9[%parallel_loop3A_724, %parallel_loop3A_725] {strides = array<i32>} : memref<8x3840xf32, #tpu.memory_space<vmem>>, vector<16xf32>,
        %parallel_loop3A_727 = arith.constant 96 : i32
        %parallel_loop3A_728 = arith.addi %parallel_loop3A_656, %parallel_loop3A_727 : i32
        %parallel_loop3A_729 = arith.index_cast %parallel_loop3A_638 : i32 to index
        %parallel_loop3A_730 = arith.index_cast %parallel_loop3A_728 : i32 to index
        %parallel_loop3A_731 = tpu.vector_load %arg9[%parallel_loop3A_729, %parallel_loop3A_730] {strides = array<i32>} : memref<8x3840xf32, #tpu.memory_space<vmem>>, vector<16xf32>,
        %parallel_loop3A_732 = arith.constant 112 : i32
        %parallel_loop3A_733 = arith.addi %parallel_loop3A_656, %parallel_loop3A_732 : i32
        %parallel_loop3A_734 = arith.index_cast %parallel_loop3A_638 : i32 to index
        %parallel_loop3A_735 = arith.index_cast %parallel_loop3A_733 : i32 to index
        %parallel_loop3A_736 = tpu.vector_load %arg9[%parallel_loop3A_734, %parallel_loop3A_735] {strides = array<i32>} : memref<8x3840xf32, #tpu.memory_space<vmem>>, vector<16xf32>,
        %parallel_loop3A_737 = arith.constant 3.100000e+01 : f32
        %parallel_loop3A_738 = vector.broadcast %parallel_loop3A_737 : f32 to vector<16xf32>
        %parallel_loop3A_739 = arith.mulf %parallel_loop3A_661, %parallel_loop3A_738 : vector<16xf32>
        %parallel_loop3A_740 = arith.fptosi %parallel_loop3A_739 : vector<16xf32> to vector<16xi32>
        %parallel_loop3A_741 = arith.constant 16 : i32
        %parallel_loop3A_742 = vector.broadcast %parallel_loop3A_741 : i32 to vector<16xi32>
        %parallel_loop3A_743 = arith.muli %parallel_loop3A_740, %parallel_loop3A_742 : vector<16xi32>
        %parallel_loop3A_744 = arith.addi %parallel_loop3A_743, %iota3A : vector<16xi32>
        %parallel_loop3A_745 = arith.constant 3.100000e+01 : f32
        %parallel_loop3A_746 = vector.broadcast %parallel_loop3A_745 : f32 to vector<16xf32>
        %parallel_loop3A_747 = arith.mulf %parallel_loop3A_666, %parallel_loop3A_746 : vector<16xf32>
        %parallel_loop3A_748 = arith.fptosi %parallel_loop3A_747 : vector<16xf32> to vector<16xi32>
        %parallel_loop3A_749 = arith.constant 16 : i32
        %parallel_loop3A_750 = vector.broadcast %parallel_loop3A_749 : i32 to vector<16xi32>
        %parallel_loop3A_751 = arith.muli %parallel_loop3A_748, %parallel_loop3A_750 : vector<16xi32>
        %parallel_loop3A_752 = arith.addi %parallel_loop3A_751, %iota3A : vector<16xi32>
        %parallel_loop3A_753 = arith.constant 3.100000e+01 : f32
        %parallel_loop3A_754 = vector.broadcast %parallel_loop3A_753 : f32 to vector<16xf32>
        %parallel_loop3A_755 = arith.mulf %parallel_loop3A_671, %parallel_loop3A_754 : vector<16xf32>
        %parallel_loop3A_756 = arith.fptosi %parallel_loop3A_755 : vector<16xf32> to vector<16xi32>
        %parallel_loop3A_757 = arith.constant 16 : i32
        %parallel_loop3A_758 = vector.broadcast %parallel_loop3A_757 : i32 to vector<16xi32>
        %parallel_loop3A_759 = arith.muli %parallel_loop3A_756, %parallel_loop3A_758 : vector<16xi32>
        %parallel_loop3A_760 = arith.addi %parallel_loop3A_759, %iota3A : vector<16xi32>
        %parallel_loop3A_761 = arith.constant 3.100000e+01 : f32
        %parallel_loop3A_762 = vector.broadcast %parallel_loop3A_761 : f32 to vector<16xf32>
        %parallel_loop3A_763 = arith.mulf %parallel_loop3A_676, %parallel_loop3A_762 : vector<16xf32>
        %parallel_loop3A_764 = arith.fptosi %parallel_loop3A_763 : vector<16xf32> to vector<16xi32>
        %parallel_loop3A_765 = arith.constant 16 : i32
        %parallel_loop3A_766 = vector.broadcast %parallel_loop3A_765 : i32 to vector<16xi32>
        %parallel_loop3A_767 = arith.muli %parallel_loop3A_764, %parallel_loop3A_766 : vector<16xi32>
        %parallel_loop3A_768 = arith.addi %parallel_loop3A_767, %iota3A : vector<16xi32>
        %parallel_loop3A_769 = arith.constant 3.100000e+01 : f32
        %parallel_loop3A_770 = vector.broadcast %parallel_loop3A_769 : f32 to vector<16xf32>
        %parallel_loop3A_771 = arith.mulf %parallel_loop3A_681, %parallel_loop3A_770 : vector<16xf32>
        %parallel_loop3A_772 = arith.fptosi %parallel_loop3A_771 : vector<16xf32> to vector<16xi32>
        %parallel_loop3A_773 = arith.constant 16 : i32
        %parallel_loop3A_774 = vector.broadcast %parallel_loop3A_773 : i32 to vector<16xi32>
        %parallel_loop3A_775 = arith.muli %parallel_loop3A_772, %parallel_loop3A_774 : vector<16xi32>
        %parallel_loop3A_776 = arith.addi %parallel_loop3A_775, %iota3A : vector<16xi32>
        %parallel_loop3A_777 = arith.constant 3.100000e+01 : f32
        %parallel_loop3A_778 = vector.broadcast %parallel_loop3A_777 : f32 to vector<16xf32>
        %parallel_loop3A_779 = arith.mulf %parallel_loop3A_686, %parallel_loop3A_778 : vector<16xf32>
        %parallel_loop3A_780 = arith.fptosi %parallel_loop3A_779 : vector<16xf32> to vector<16xi32>
        %parallel_loop3A_781 = arith.constant 16 : i32
        %parallel_loop3A_782 = vector.broadcast %parallel_loop3A_781 : i32 to vector<16xi32>
        %parallel_loop3A_783 = arith.muli %parallel_loop3A_780, %parallel_loop3A_782 : vector<16xi32>
        %parallel_loop3A_784 = arith.addi %parallel_loop3A_783, %iota3A : vector<16xi32>
        %parallel_loop3A_785 = arith.constant 3.100000e+01 : f32
        %parallel_loop3A_786 = vector.broadcast %parallel_loop3A_785 : f32 to vector<16xf32>
        %parallel_loop3A_787 = arith.mulf %parallel_loop3A_691, %parallel_loop3A_786 : vector<16xf32>
        %parallel_loop3A_788 = arith.fptosi %parallel_loop3A_787 : vector<16xf32> to vector<16xi32>
        %parallel_loop3A_789 = arith.constant 16 : i32
        %parallel_loop3A_790 = vector.broadcast %parallel_loop3A_789 : i32 to vector<16xi32>
        %parallel_loop3A_791 = arith.muli %parallel_loop3A_788, %parallel_loop3A_790 : vector<16xi32>
        %parallel_loop3A_792 = arith.addi %parallel_loop3A_791, %iota3A : vector<16xi32>
        %parallel_loop3A_793 = arith.constant 3.100000e+01 : f32
        %parallel_loop3A_794 = vector.broadcast %parallel_loop3A_793 : f32 to vector<16xf32>
        %parallel_loop3A_795 = arith.mulf %parallel_loop3A_696, %parallel_loop3A_794 : vector<16xf32>
        %parallel_loop3A_796 = arith.fptosi %parallel_loop3A_795 : vector<16xf32> to vector<16xi32>
        %parallel_loop3A_797 = arith.constant 16 : i32
        %parallel_loop3A_798 = vector.broadcast %parallel_loop3A_797 : i32 to vector<16xi32>
        %parallel_loop3A_799 = arith.muli %parallel_loop3A_796, %parallel_loop3A_798 : vector<16xi32>
        %parallel_loop3A_800 = arith.addi %parallel_loop3A_799, %iota3A : vector<16xi32>
        %parallel_loop3A_801 = arith.constant 3.100000e+01 : f32
        %parallel_loop3A_802 = vector.broadcast %parallel_loop3A_801 : f32 to vector<16xf32>
        %parallel_loop3A_803 = arith.mulf %parallel_loop3A_701, %parallel_loop3A_802 : vector<16xf32>
        %parallel_loop3A_804 = arith.fptosi %parallel_loop3A_803 : vector<16xf32> to vector<16xi32>
        %parallel_loop3A_805 = arith.constant 16 : i32
        %parallel_loop3A_806 = vector.broadcast %parallel_loop3A_805 : i32 to vector<16xi32>
        %parallel_loop3A_807 = arith.muli %parallel_loop3A_804, %parallel_loop3A_806 : vector<16xi32>
        %parallel_loop3A_808 = arith.addi %parallel_loop3A_807, %iota3A : vector<16xi32>
        %parallel_loop3A_809 = arith.constant 3.100000e+01 : f32
        %parallel_loop3A_810 = vector.broadcast %parallel_loop3A_809 : f32 to vector<16xf32>
        %parallel_loop3A_811 = arith.mulf %parallel_loop3A_706, %parallel_loop3A_810 : vector<16xf32>
        %parallel_loop3A_812 = arith.fptosi %parallel_loop3A_811 : vector<16xf32> to vector<16xi32>
        %parallel_loop3A_813 = arith.constant 16 : i32
        %parallel_loop3A_814 = vector.broadcast %parallel_loop3A_813 : i32 to vector<16xi32>
        %parallel_loop3A_815 = arith.muli %parallel_loop3A_812, %parallel_loop3A_814 : vector<16xi32>
        %parallel_loop3A_816 = arith.addi %parallel_loop3A_815, %iota3A : vector<16xi32>
        %parallel_loop3A_817 = arith.constant 3.100000e+01 : f32
        %parallel_loop3A_818 = vector.broadcast %parallel_loop3A_817 : f32 to vector<16xf32>
        %parallel_loop3A_819 = arith.mulf %parallel_loop3A_711, %parallel_loop3A_818 : vector<16xf32>
        %parallel_loop3A_820 = arith.fptosi %parallel_loop3A_819 : vector<16xf32> to vector<16xi32>
        %parallel_loop3A_821 = arith.constant 16 : i32
        %parallel_loop3A_822 = vector.broadcast %parallel_loop3A_821 : i32 to vector<16xi32>
        %parallel_loop3A_823 = arith.muli %parallel_loop3A_820, %parallel_loop3A_822 : vector<16xi32>
        %parallel_loop3A_824 = arith.addi %parallel_loop3A_823, %iota3A : vector<16xi32>
        %parallel_loop3A_825 = arith.constant 3.100000e+01 : f32
        %parallel_loop3A_826 = vector.broadcast %parallel_loop3A_825 : f32 to vector<16xf32>
        %parallel_loop3A_827 = arith.mulf %parallel_loop3A_716, %parallel_loop3A_826 : vector<16xf32>
        %parallel_loop3A_828 = arith.fptosi %parallel_loop3A_827 : vector<16xf32> to vector<16xi32>
        %parallel_loop3A_829 = arith.constant 16 : i32
        %parallel_loop3A_830 = vector.broadcast %parallel_loop3A_829 : i32 to vector<16xi32>
        %parallel_loop3A_831 = arith.muli %parallel_loop3A_828, %parallel_loop3A_830 : vector<16xi32>
        %parallel_loop3A_832 = arith.addi %parallel_loop3A_831, %iota3A : vector<16xi32>
        %parallel_loop3A_833 = arith.constant 3.100000e+01 : f32
        %parallel_loop3A_834 = vector.broadcast %parallel_loop3A_833 : f32 to vector<16xf32>
        %parallel_loop3A_835 = arith.mulf %parallel_loop3A_721, %parallel_loop3A_834 : vector<16xf32>
        %parallel_loop3A_836 = arith.fptosi %parallel_loop3A_835 : vector<16xf32> to vector<16xi32>
        %parallel_loop3A_837 = arith.constant 16 : i32
        %parallel_loop3A_838 = vector.broadcast %parallel_loop3A_837 : i32 to vector<16xi32>
        %parallel_loop3A_839 = arith.muli %parallel_loop3A_836, %parallel_loop3A_838 : vector<16xi32>
        %parallel_loop3A_840 = arith.addi %parallel_loop3A_839, %iota3A : vector<16xi32>
        %parallel_loop3A_841 = arith.constant 3.100000e+01 : f32
        %parallel_loop3A_842 = vector.broadcast %parallel_loop3A_841 : f32 to vector<16xf32>
        %parallel_loop3A_843 = arith.mulf %parallel_loop3A_726, %parallel_loop3A_842 : vector<16xf32>
        %parallel_loop3A_844 = arith.fptosi %parallel_loop3A_843 : vector<16xf32> to vector<16xi32>
        %parallel_loop3A_845 = arith.constant 16 : i32
        %parallel_loop3A_846 = vector.broadcast %parallel_loop3A_845 : i32 to vector<16xi32>
        %parallel_loop3A_847 = arith.muli %parallel_loop3A_844, %parallel_loop3A_846 : vector<16xi32>
        %parallel_loop3A_848 = arith.addi %parallel_loop3A_847, %iota3A : vector<16xi32>
        %parallel_loop3A_849 = arith.constant 3.100000e+01 : f32
        %parallel_loop3A_850 = vector.broadcast %parallel_loop3A_849 : f32 to vector<16xf32>
        %parallel_loop3A_851 = arith.mulf %parallel_loop3A_731, %parallel_loop3A_850 : vector<16xf32>
        %parallel_loop3A_852 = arith.fptosi %parallel_loop3A_851 : vector<16xf32> to vector<16xi32>
        %parallel_loop3A_853 = arith.constant 16 : i32
        %parallel_loop3A_854 = vector.broadcast %parallel_loop3A_853 : i32 to vector<16xi32>
        %parallel_loop3A_855 = arith.muli %parallel_loop3A_852, %parallel_loop3A_854 : vector<16xi32>
        %parallel_loop3A_856 = arith.addi %parallel_loop3A_855, %iota3A : vector<16xi32>
        %parallel_loop3A_857 = arith.constant 3.100000e+01 : f32
        %parallel_loop3A_858 = vector.broadcast %parallel_loop3A_857 : f32 to vector<16xf32>
        %parallel_loop3A_859 = arith.mulf %parallel_loop3A_736, %parallel_loop3A_858 : vector<16xf32>
        %parallel_loop3A_860 = arith.fptosi %parallel_loop3A_859 : vector<16xf32> to vector<16xi32>
        %parallel_loop3A_861 = arith.constant 16 : i32
        %parallel_loop3A_862 = vector.broadcast %parallel_loop3A_861 : i32 to vector<16xi32>
        %parallel_loop3A_863 = arith.muli %parallel_loop3A_860, %parallel_loop3A_862 : vector<16xi32>
        %parallel_loop3A_864 = arith.addi %parallel_loop3A_863, %iota3A : vector<16xi32>
        %parallel_loop3A_865 = arith.subf %parallel_loop3A_661, %parallel_loop3A_701 : vector<16xf32>
        %parallel_loop3A_866 = math.absf %parallel_loop3A_865 : vector<16xf32>
        %parallel_loop3A_867 = arith.subf %parallel_loop3A_666, %parallel_loop3A_706 : vector<16xf32>
        %parallel_loop3A_868 = math.absf %parallel_loop3A_867 : vector<16xf32>
        %parallel_loop3A_869 = arith.subf %parallel_loop3A_671, %parallel_loop3A_711 : vector<16xf32>
        %parallel_loop3A_870 = math.absf %parallel_loop3A_869 : vector<16xf32>
        %parallel_loop3A_871 = arith.subf %parallel_loop3A_676, %parallel_loop3A_716 : vector<16xf32>
        %parallel_loop3A_872 = math.absf %parallel_loop3A_871 : vector<16xf32>
        %parallel_loop3A_873 = arith.subf %parallel_loop3A_681, %parallel_loop3A_721 : vector<16xf32>
        %parallel_loop3A_874 = math.absf %parallel_loop3A_873 : vector<16xf32>
        %parallel_loop3A_875 = arith.subf %parallel_loop3A_686, %parallel_loop3A_726 : vector<16xf32>
        %parallel_loop3A_876 = math.absf %parallel_loop3A_875 : vector<16xf32>
        %parallel_loop3A_877 = arith.subf %parallel_loop3A_691, %parallel_loop3A_731 : vector<16xf32>
        %parallel_loop3A_878 = math.absf %parallel_loop3A_877 : vector<16xf32>
        %parallel_loop3A_879 = arith.subf %parallel_loop3A_696, %parallel_loop3A_736 : vector<16xf32>
        %parallel_loop3A_880 = math.absf %parallel_loop3A_879 : vector<16xf32>
        %parallel_loop3A_881 = arith.addf %parallel_loop3A_866, %parallel_loop3A_868 : vector<16xf32>
        %parallel_loop3A_882 = arith.addf %parallel_loop3A_870, %parallel_loop3A_872 : vector<16xf32>
        %parallel_loop3A_883 = arith.addf %parallel_loop3A_874, %parallel_loop3A_876 : vector<16xf32>
        %parallel_loop3A_884 = arith.addf %parallel_loop3A_878, %parallel_loop3A_880 : vector<16xf32>
        %parallel_loop3A_885 = arith.addf %parallel_loop3A_881, %parallel_loop3A_882 : vector<16xf32>
        %parallel_loop3A_886 = arith.addf %parallel_loop3A_883, %parallel_loop3A_884 : vector<16xf32>
        %parallel_loop3A_887 = arith.addf %parallel_loop3A_885, %parallel_loop3A_886 : vector<16xf32>
        %parallel_loop3A_888 = arith.addf %parallel_loop3A_613, %parallel_loop3A_887 : vector<16xf32>
        %parallel_loop3A_889 = arith.addf %parallel_loop3A_661, %parallel_loop3A_666 : vector<16xf32>
        %parallel_loop3A_890 = arith.addf %parallel_loop3A_671, %parallel_loop3A_676 : vector<16xf32>
        %parallel_loop3A_891 = arith.addf %parallel_loop3A_681, %parallel_loop3A_686 : vector<16xf32>
        %parallel_loop3A_892 = arith.addf %parallel_loop3A_691, %parallel_loop3A_696 : vector<16xf32>
        %parallel_loop3A_893 = arith.addf %parallel_loop3A_889, %parallel_loop3A_890 : vector<16xf32>
        %parallel_loop3A_894 = arith.addf %parallel_loop3A_891, %parallel_loop3A_892 : vector<16xf32>
        %parallel_loop3A_895 = arith.addf %parallel_loop3A_893, %parallel_loop3A_894 : vector<16xf32>
        %parallel_loop3A_896 = arith.addf %parallel_loop3A_614, %parallel_loop3A_895 : vector<16xf32>
        tpu.vector_store_idx %arg10[%parallel_loop3A_744], %broadcast_in_dim3A_4 {add = true} : memref<512xf32, #tpu.memory_space<vmem>>[vector<16xi32>], vector<16xf32>,
        tpu.vector_store_idx %arg11[%parallel_loop3A_808], %broadcast_in_dim3A_4 {add = true} : memref<512xf32, #tpu.memory_space<vmem>>[vector<16xi32>], vector<16xf32>,
        tpu.vector_store_idx %arg10[%parallel_loop3A_752], %broadcast_in_dim3A_4 {add = true} : memref<512xf32, #tpu.memory_space<vmem>>[vector<16xi32>], vector<16xf32>,
        tpu.vector_store_idx %arg11[%parallel_loop3A_816], %broadcast_in_dim3A_4 {add = true} : memref<512xf32, #tpu.memory_space<vmem>>[vector<16xi32>], vector<16xf32>,
        tpu.vector_store_idx %arg10[%parallel_loop3A_760], %broadcast_in_dim3A_4 {add = true} : memref<512xf32, #tpu.memory_space<vmem>>[vector<16xi32>], vector<16xf32>,
        tpu.vector_store_idx %arg11[%parallel_loop3A_824], %broadcast_in_dim3A_4 {add = true} : memref<512xf32, #tpu.memory_space<vmem>>[vector<16xi32>], vector<16xf32>,
        tpu.vector_store_idx %arg10[%parallel_loop3A_768], %broadcast_in_dim3A_4 {add = true} : memref<512xf32, #tpu.memory_space<vmem>>[vector<16xi32>], vector<16xf32>,
        tpu.vector_store_idx %arg11[%parallel_loop3A_832], %broadcast_in_dim3A_4 {add = true} : memref<512xf32, #tpu.memory_space<vmem>>[vector<16xi32>], vector<16xf32>,
        tpu.vector_store_idx %arg10[%parallel_loop3A_776], %broadcast_in_dim3A_4 {add = true} : memref<512xf32, #tpu.memory_space<vmem>>[vector<16xi32>], vector<16xf32>,
        tpu.vector_store_idx %arg11[%parallel_loop3A_840], %broadcast_in_dim3A_4 {add = true} : memref<512xf32, #tpu.memory_space<vmem>>[vector<16xi32>], vector<16xf32>,
        tpu.vector_store_idx %arg10[%parallel_loop3A_784], %broadcast_in_dim3A_4 {add = true} : memref<512xf32, #tpu.memory_space<vmem>>[vector<16xi32>], vector<16xf32>,
        tpu.vector_store_idx %arg11[%parallel_loop3A_848], %broadcast_in_dim3A_4 {add = true} : memref<512xf32, #tpu.memory_space<vmem>>[vector<16xi32>], vector<16xf32>,
        tpu.vector_store_idx %arg10[%parallel_loop3A_792], %broadcast_in_dim3A_4 {add = true} : memref<512xf32, #tpu.memory_space<vmem>>[vector<16xi32>], vector<16xf32>,
        tpu.vector_store_idx %arg11[%parallel_loop3A_856], %broadcast_in_dim3A_4 {add = true} : memref<512xf32, #tpu.memory_space<vmem>>[vector<16xi32>], vector<16xf32>,
        tpu.vector_store_idx %arg10[%parallel_loop3A_800], %broadcast_in_dim3A_4 {add = true} : memref<512xf32, #tpu.memory_space<vmem>>[vector<16xi32>], vector<16xf32>,
        tpu.vector_store_idx %arg11[%parallel_loop3A_864], %broadcast_in_dim3A_4 {add = true} : memref<512xf32, #tpu.memory_space<vmem>>[vector<16xi32>], vector<16xf32>,
        scf.yield %parallel_loop3A_888, %parallel_loop3A_896 : vector<16xf32>, vector<16xf32>
      } {sc.loop_unroll_factor = 1 : i64, sc.parallel_access}
      %add3A_599 = arith.constant 2 : i32
      %add3A_600 = arith.addi %add3A_582, %add3A_599 : i32
      %lt3A_601 = arith.constant 8 : i32
      %lt3A_602 = arith.cmpi slt, %add3A_600, %lt3A_601 : i32
      %convert_element_type3A_603 = arith.extui %lt3A_602 : i1 to i32
      %cond3A_604 = arith.constant 0 : i32
      %cond3A_605 = arith.cmpi ne, %convert_element_type3A_603, %cond3A_604 : i32
      scf.if %cond3A_605 {
        %mul3A_612 = arith.constant 32 : i32
        %mul3A_613 = arith.muli %mul3A_612, %add3A_600 : i32
        %add3A_614 = arith.addi %add3A, %mul3A_613 : i32
        %mul3A_615 = arith.constant 8 : i32
        %mul3A_616 = arith.muli %add3A_614, %mul3A_615 : i32
        %dma_start3A_617 = arith.constant 0 : i32
        %dma_start3A_618 = tpu.memref_slice %arg2[%mul3A_616, %dma_start3A_617] : memref<2160x3840xf32, #tpu.memory_space<hbm>> -> memref<8x3840xf32, #tpu.memory_space<hbm>>
        %dma_start3A_619 = arith.constant 0 : i32
        %dma_start3A_620 = tpu.memref_slice %arg2[%mul3A_616, %dma_start3A_619] : memref<2160x3840xf32, #tpu.memory_space<hbm>> -> memref<8x3840xf32, #tpu.memory_space<hbm>>
        tpu.enqueue_dma source(%dma_start3A_620 : memref<8x3840xf32, #tpu.memory_space<hbm>>) target(%arg7 : memref<8x3840xf32, #tpu.memory_space<vmem>>) target_semaphore(%arg14 : memref<!tpu.dma_semaphore, #tpu.memory_space<semaphore_mem>>)
        %dma_start3A_621 = arith.constant 0 : i32
        %dma_start3A_622 = tpu.memref_slice %arg3[%mul3A_616, %dma_start3A_621] : memref<2160x3840xf32, #tpu.memory_space<hbm>> -> memref<8x3840xf32, #tpu.memory_space<hbm>>
        %dma_start3A_623 = arith.constant 0 : i32
        %dma_start3A_624 = tpu.memref_slice %arg3[%mul3A_616, %dma_start3A_623] : memref<2160x3840xf32, #tpu.memory_space<hbm>> -> memref<8x3840xf32, #tpu.memory_space<hbm>>
        tpu.enqueue_dma source(%dma_start3A_624 : memref<8x3840xf32, #tpu.memory_space<hbm>>) target(%arg9 : memref<8x3840xf32, #tpu.memory_space<vmem>>) target_semaphore(%arg16 : memref<!tpu.dma_semaphore, #tpu.memory_space<semaphore_mem>>)
      } else {
      }
      %eq3A_606 = arith.constant 8 : i32
      %eq3A_607 = arith.cmpi eq, %add3A_600, %eq3A_606 : i32
      %and3A_608 = arith.andi %eq3A_607, %lt3A_1 : i1
      %convert_element_type3A_609 = arith.extui %and3A_608 : i1 to i32
      %cond3A_610 = arith.constant 0 : i32
      %cond3A_611 = arith.cmpi ne, %convert_element_type3A_609, %cond3A_610 : i32
      scf.if %cond3A_611 {
        %jit3A = arith.constant 2 : i32
        %div3A = arith.divsi %add3A, %jit3A : i32
        %sign3A = arith.constant 0 : i32
        %sign3A_612 = arith.cmpi sgt, %add3A, %sign3A : i32
        %sign3A_613 = arith.extui %sign3A_612 : i1 to i32
        %sign3A_614 = arith.constant 0 : i32
        %sign3A_615 = arith.cmpi slt, %add3A, %sign3A_614 : i32
        %sign3A_616 = arith.extui %sign3A_615 : i1 to i32
        %sign3A_617 = arith.subi %sign3A_613, %sign3A_616 : i32
        %sign3A_618 = arith.constant 0 : i32
        %sign3A_619 = arith.cmpi sgt, %jit3A, %sign3A_618 : i32
        %sign3A_620 = arith.extui %sign3A_619 : i1 to i32
        %sign3A_621 = arith.constant 0 : i32
        %sign3A_622 = arith.cmpi slt, %jit3A, %sign3A_621 : i32
        %sign3A_623 = arith.extui %sign3A_622 : i1 to i32
        %sign3A_624 = arith.subi %sign3A_620, %sign3A_623 : i32
        %ne3A = arith.cmpi ne, %sign3A_617, %sign3A_624 : i32
        %rem3A = arith.remsi %add3A, %jit3A : i32
        %ne3A_625 = arith.constant 0 : i32
        %ne3A_626 = arith.cmpi ne, %rem3A, %ne3A_625 : i32
        %and3A_627 = arith.andi %ne3A, %ne3A_626 : i1
        %sub3A = arith.constant 1 : i32
        %sub3A_628 = arith.subi %div3A, %sub3A : i32
        %select_n3A = arith.select %and3A_627, %sub3A_628, %div3A : i32
        %add3A_629 = arith.constant 256 : i32
        %add3A_630 = arith.addi %add3A_629, %select_n3A : i32
        %mul3A_631 = arith.constant 8 : i32
        %mul3A_632 = arith.muli %add3A_630, %mul3A_631 : i32
        %jit3A_633 = arith.constant 2 : i32
        %eq3A_634 = arith.constant 0 : i32
        %eq3A_635 = arith.cmpi eq, %jit3A_633, %eq3A_634 : i32
        %jit3A_636 = arith.constant 1 : i32
        %select_n3A_637 = arith.select %eq3A_635, %jit3A_636, %jit3A_633 : i32
        %rem3A_638 = arith.remsi %add3A, %select_n3A_637 : i32
        %ne3A_639 = arith.constant 0 : i32
        %ne3A_640 = arith.cmpi ne, %rem3A_638, %ne3A_639 : i32
        %lt3A_641 = arith.constant 0 : i32
        %lt3A_642 = arith.cmpi slt, %rem3A_638, %lt3A_641 : i32
        %lt3A_643 = arith.constant 0 : i32
        %lt3A_644 = arith.cmpi slt, %select_n3A_637, %lt3A_643 : i32
        %ne3A_645 = arith.xori %lt3A_642, %lt3A_644 : i1
        %and3A_646 = arith.andi %ne3A_645, %ne3A_640 : i1
        %add3A_647 = arith.addi %rem3A_638, %select_n3A_637 : i32
        %select_n3A_648 = arith.select %and3A_646, %add3A_647, %rem3A_638 : i32
        %mul3A_649 = arith.constant 1920 : i32
        %mul3A_650 = arith.muli %select_n3A_648, %mul3A_649 : i32
        %dma_start3A_651 = arith.constant 0 : i32
        %dma_start3A_652 = arith.constant 0 : i32
        %dma_start3A_653 = tpu.memref_slice %arg7[%dma_start3A_651, %dma_start3A_652] : memref<8x3840xf32, #tpu.memory_space<vmem>> -> memref<8x1920xf32, #tpu.memory_space<vmem>>
        %dma_start3A_654 = tpu.memref_slice %arg2[%mul3A_632, %mul3A_650] : memref<2160x3840xf32, #tpu.memory_space<hbm>> -> memref<8x1920xf32, #tpu.memory_space<hbm>>
        %dma_start3A_655 = arith.constant 0 : i32
        %dma_start3A_656 = arith.constant 0 : i32
        %dma_start3A_657 = tpu.memref_slice %arg7[%dma_start3A_655, %dma_start3A_656] : memref<8x3840xf32, #tpu.memory_space<vmem>> -> memref<8x1920xf32, #tpu.memory_space<vmem>>
        %dma_start3A_658 = tpu.memref_slice %arg2[%mul3A_632, %mul3A_650] : memref<2160x3840xf32, #tpu.memory_space<hbm>> -> memref<8x1920xf32, #tpu.memory_space<hbm>>
        tpu.enqueue_dma source(%dma_start3A_658 : memref<8x1920xf32, #tpu.memory_space<hbm>>) target(%dma_start3A_657 : memref<8x1920xf32, #tpu.memory_space<vmem>>) target_semaphore(%arg14 : memref<!tpu.dma_semaphore, #tpu.memory_space<semaphore_mem>>)
        %dma_start3A_659 = arith.constant 0 : i32
        %dma_start3A_660 = arith.constant 0 : i32
        %dma_start3A_661 = tpu.memref_slice %arg9[%dma_start3A_659, %dma_start3A_660] : memref<8x3840xf32, #tpu.memory_space<vmem>> -> memref<8x1920xf32, #tpu.memory_space<vmem>>
        %dma_start3A_662 = tpu.memref_slice %arg3[%mul3A_632, %mul3A_650] : memref<2160x3840xf32, #tpu.memory_space<hbm>> -> memref<8x1920xf32, #tpu.memory_space<hbm>>
        %dma_start3A_663 = arith.constant 0 : i32
        %dma_start3A_664 = arith.constant 0 : i32
        %dma_start3A_665 = tpu.memref_slice %arg9[%dma_start3A_663, %dma_start3A_664] : memref<8x3840xf32, #tpu.memory_space<vmem>> -> memref<8x1920xf32, #tpu.memory_space<vmem>>
        %dma_start3A_666 = tpu.memref_slice %arg3[%mul3A_632, %mul3A_650] : memref<2160x3840xf32, #tpu.memory_space<hbm>> -> memref<8x1920xf32, #tpu.memory_space<hbm>>
        tpu.enqueue_dma source(%dma_start3A_666 : memref<8x1920xf32, #tpu.memory_space<hbm>>) target(%dma_start3A_665 : memref<8x1920xf32, #tpu.memory_space<vmem>>) target_semaphore(%arg16 : memref<!tpu.dma_semaphore, #tpu.memory_space<semaphore_mem>>)
      } else {
      }
      scf.yield %parallel_loop3A_598#0, %parallel_loop3A_598#1 : vector<16xf32>, vector<16xf32>
    }
    %scan3A_159 = arith.constant 4 : i32
    %convert_element_type3A = arith.extui %lt3A_1 : i1 to i32
    %cond3A = arith.constant 0 : i32
    %cond3A_160 = arith.cmpi ne, %convert_element_type3A, %cond3A : i32
    %cond3A_161:2 = scf.if %cond3A_160 -> (vector<16xf32>, vector<16xf32>) {
      %dma_wait3A = arith.constant 0 : i32
      %dma_wait3A_549 = arith.constant 0 : i32
      %dma_wait3A_550 = tpu.memref_slice %arg6[%dma_wait3A, %dma_wait3A_549] : memref<8x3840xf32, #tpu.memory_space<vmem>> -> memref<8x1920xf32, #tpu.memory_space<vmem>>
      %dma_wait3A_551 = arith.constant 0 : i32
      %dma_wait3A_552 = arith.constant 0 : i32
      %dma_wait3A_553 = tpu.memref_slice %arg2[%dma_wait3A_551, %dma_wait3A_552] : memref<2160x3840xf32, #tpu.memory_space<hbm>> -> memref<8x1920xf32, #tpu.memory_space<hbm>>
      %dma_wait3A_554 = arith.constant 0 : i32
      %dma_wait3A_555 = arith.constant 0 : i32
      %dma_wait3A_556 = tpu.memref_slice %arg6[%dma_wait3A_554, %dma_wait3A_555] : memref<8x3840xf32, #tpu.memory_space<vmem>> -> memref<8x1920xf32, #tpu.memory_space<vmem>>
      %dma_wait3A_557 = arith.constant 0 : i32
      %dma_wait3A_558 = arith.constant 0 : i32
      %dma_wait3A_559 = tpu.memref_slice %arg2[%dma_wait3A_557, %dma_wait3A_558] : memref<2160x3840xf32, #tpu.memory_space<hbm>> -> memref<8x1920xf32, #tpu.memory_space<hbm>>
      tpu.wait_dma2 semaphore(%arg13 : memref<!tpu.dma_semaphore, #tpu.memory_space<semaphore_mem>>) src(%dma_wait3A_559 : memref<8x1920xf32, #tpu.memory_space<hbm>>) dst(%dma_wait3A_556 : memref<8x1920xf32, #tpu.memory_space<vmem>>)
      %dma_wait3A_560 = arith.constant 0 : i32
      %dma_wait3A_561 = arith.constant 0 : i32
      %dma_wait3A_562 = tpu.memref_slice %arg8[%dma_wait3A_560, %dma_wait3A_561] : memref<8x3840xf32, #tpu.memory_space<vmem>> -> memref<8x1920xf32, #tpu.memory_space<vmem>>
      %dma_wait3A_563 = arith.constant 0 : i32
      %dma_wait3A_564 = arith.constant 0 : i32
      %dma_wait3A_565 = tpu.memref_slice %arg3[%dma_wait3A_563, %dma_wait3A_564] : memref<2160x3840xf32, #tpu.memory_space<hbm>> -> memref<8x1920xf32, #tpu.memory_space<hbm>>
      %dma_wait3A_566 = arith.constant 0 : i32
      %dma_wait3A_567 = arith.constant 0 : i32
      %dma_wait3A_568 = tpu.memref_slice %arg8[%dma_wait3A_566, %dma_wait3A_567] : memref<8x3840xf32, #tpu.memory_space<vmem>> -> memref<8x1920xf32, #tpu.memory_space<vmem>>
      %dma_wait3A_569 = arith.constant 0 : i32
      %dma_wait3A_570 = arith.constant 0 : i32
      %dma_wait3A_571 = tpu.memref_slice %arg3[%dma_wait3A_569, %dma_wait3A_570] : memref<2160x3840xf32, #tpu.memory_space<hbm>> -> memref<8x1920xf32, #tpu.memory_space<hbm>>
      tpu.wait_dma2 semaphore(%arg15 : memref<!tpu.dma_semaphore, #tpu.memory_space<semaphore_mem>>) src(%dma_wait3A_571 : memref<8x1920xf32, #tpu.memory_space<hbm>>) dst(%dma_wait3A_568 : memref<8x1920xf32, #tpu.memory_space<vmem>>)
      %parallel_loop3A = arith.constant 0 : i32
      %parallel_loop3A_572 = arith.constant 960 : i32
      %parallel_loop3A_573 = arith.constant 8 : i32
      %parallel_loop3A_574:2 = scf.for %parallel_loop3A_575 = %parallel_loop3A to %parallel_loop3A_572 step %parallel_loop3A_573 iter_args(%parallel_loop3A_576 = %scan3A_158#0, %parallel_loop3A_577 = %scan3A_158#1) -> (vector<16xf32>, vector<16xf32>)  : i32 {
        %parallel_loop3A_578 = arith.constant 120 : i32
        %parallel_loop3A_579 = arith.divsi %parallel_loop3A_575, %parallel_loop3A_578 : i32
        %parallel_loop3A_580 = arith.constant 0 : i32
        %parallel_loop3A_581 = arith.cmpi sgt, %parallel_loop3A_575, %parallel_loop3A_580 : i32
        %parallel_loop3A_582 = arith.extui %parallel_loop3A_581 : i1 to i32
        %parallel_loop3A_583 = arith.constant 0 : i32
        %parallel_loop3A_584 = arith.cmpi slt, %parallel_loop3A_575, %parallel_loop3A_583 : i32
        %parallel_loop3A_585 = arith.extui %parallel_loop3A_584 : i1 to i32
        %parallel_loop3A_586 = arith.subi %parallel_loop3A_582, %parallel_loop3A_585 : i32
        %parallel_loop3A_587 = arith.constant 0 : i32
        %parallel_loop3A_588 = arith.cmpi sgt, %parallel_loop3A_578, %parallel_loop3A_587 : i32
        %parallel_loop3A_589 = arith.extui %parallel_loop3A_588 : i1 to i32
        %parallel_loop3A_590 = arith.constant 0 : i32
        %parallel_loop3A_591 = arith.cmpi slt, %parallel_loop3A_578, %parallel_loop3A_590 : i32
        %parallel_loop3A_592 = arith.extui %parallel_loop3A_591 : i1 to i32
        %parallel_loop3A_593 = arith.subi %parallel_loop3A_589, %parallel_loop3A_592 : i32
        %parallel_loop3A_594 = arith.cmpi ne, %parallel_loop3A_586, %parallel_loop3A_593 : i32
        %parallel_loop3A_595 = arith.remsi %parallel_loop3A_575, %parallel_loop3A_578 : i32
        %parallel_loop3A_596 = arith.constant 0 : i32
        %parallel_loop3A_597 = arith.cmpi ne, %parallel_loop3A_595, %parallel_loop3A_596 : i32
        %parallel_loop3A_598 = arith.andi %parallel_loop3A_594, %parallel_loop3A_597 : i1
        %parallel_loop3A_599 = arith.constant 1 : i32
        %parallel_loop3A_600 = arith.subi %parallel_loop3A_579, %parallel_loop3A_599 : i32
        %parallel_loop3A_601 = arith.select %parallel_loop3A_598, %parallel_loop3A_600, %parallel_loop3A_579 : i32
        %parallel_loop3A_602 = arith.constant 120 : i32
        %parallel_loop3A_603 = arith.constant 0 : i32
        %parallel_loop3A_604 = arith.cmpi eq, %parallel_loop3A_602, %parallel_loop3A_603 : i32
        %parallel_loop3A_605 = arith.constant 1 : i32
        %parallel_loop3A_606 = arith.select %parallel_loop3A_604, %parallel_loop3A_605, %parallel_loop3A_602 : i32
        %parallel_loop3A_607 = arith.remsi %parallel_loop3A_575, %parallel_loop3A_606 : i32
        %parallel_loop3A_608 = arith.constant 0 : i32
        %parallel_loop3A_609 = arith.cmpi ne, %parallel_loop3A_607, %parallel_loop3A_608 : i32
        %parallel_loop3A_610 = arith.constant 0 : i32
        %parallel_loop3A_611 = arith.cmpi slt, %parallel_loop3A_607, %parallel_loop3A_610 : i32
        %parallel_loop3A_612 = arith.constant 0 : i32
        %parallel_loop3A_613 = arith.cmpi slt, %parallel_loop3A_606, %parallel_loop3A_612 : i32
        %parallel_loop3A_614 = arith.xori %parallel_loop3A_611, %parallel_loop3A_613 : i1
        %parallel_loop3A_615 = arith.andi %parallel_loop3A_614, %parallel_loop3A_609 : i1
        %parallel_loop3A_616 = arith.addi %parallel_loop3A_607, %parallel_loop3A_606 : i32
        %parallel_loop3A_617 = arith.select %parallel_loop3A_615, %parallel_loop3A_616, %parallel_loop3A_607 : i32
        %parallel_loop3A_618 = arith.constant 16 : i32
        %parallel_loop3A_619 = arith.muli %parallel_loop3A_617, %parallel_loop3A_618 : i32
        %parallel_loop3A_620 = arith.constant 0 : i32
        %parallel_loop3A_621 = arith.addi %parallel_loop3A_619, %parallel_loop3A_620 : i32
        %parallel_loop3A_622 = arith.index_cast %parallel_loop3A_601 : i32 to index
        %parallel_loop3A_623 = arith.index_cast %parallel_loop3A_621 : i32 to index
        %parallel_loop3A_624 = tpu.vector_load %arg6[%parallel_loop3A_622, %parallel_loop3A_623] {strides = array<i32>} : memref<8x3840xf32, #tpu.memory_space<vmem>>, vector<16xf32>,
        %parallel_loop3A_625 = arith.constant 16 : i32
        %parallel_loop3A_626 = arith.addi %parallel_loop3A_619, %parallel_loop3A_625 : i32
        %parallel_loop3A_627 = arith.index_cast %parallel_loop3A_601 : i32 to index
        %parallel_loop3A_628 = arith.index_cast %parallel_loop3A_626 : i32 to index
        %parallel_loop3A_629 = tpu.vector_load %arg6[%parallel_loop3A_627, %parallel_loop3A_628] {strides = array<i32>} : memref<8x3840xf32, #tpu.memory_space<vmem>>, vector<16xf32>,
        %parallel_loop3A_630 = arith.constant 32 : i32
        %parallel_loop3A_631 = arith.addi %parallel_loop3A_619, %parallel_loop3A_630 : i32
        %parallel_loop3A_632 = arith.index_cast %parallel_loop3A_601 : i32 to index
        %parallel_loop3A_633 = arith.index_cast %parallel_loop3A_631 : i32 to index
        %parallel_loop3A_634 = tpu.vector_load %arg6[%parallel_loop3A_632, %parallel_loop3A_633] {strides = array<i32>} : memref<8x3840xf32, #tpu.memory_space<vmem>>, vector<16xf32>,
        %parallel_loop3A_635 = arith.constant 48 : i32
        %parallel_loop3A_636 = arith.addi %parallel_loop3A_619, %parallel_loop3A_635 : i32
        %parallel_loop3A_637 = arith.index_cast %parallel_loop3A_601 : i32 to index
        %parallel_loop3A_638 = arith.index_cast %parallel_loop3A_636 : i32 to index
        %parallel_loop3A_639 = tpu.vector_load %arg6[%parallel_loop3A_637, %parallel_loop3A_638] {strides = array<i32>} : memref<8x3840xf32, #tpu.memory_space<vmem>>, vector<16xf32>,
        %parallel_loop3A_640 = arith.constant 64 : i32
        %parallel_loop3A_641 = arith.addi %parallel_loop3A_619, %parallel_loop3A_640 : i32
        %parallel_loop3A_642 = arith.index_cast %parallel_loop3A_601 : i32 to index
        %parallel_loop3A_643 = arith.index_cast %parallel_loop3A_641 : i32 to index
        %parallel_loop3A_644 = tpu.vector_load %arg6[%parallel_loop3A_642, %parallel_loop3A_643] {strides = array<i32>} : memref<8x3840xf32, #tpu.memory_space<vmem>>, vector<16xf32>,
        %parallel_loop3A_645 = arith.constant 80 : i32
        %parallel_loop3A_646 = arith.addi %parallel_loop3A_619, %parallel_loop3A_645 : i32
        %parallel_loop3A_647 = arith.index_cast %parallel_loop3A_601 : i32 to index
        %parallel_loop3A_648 = arith.index_cast %parallel_loop3A_646 : i32 to index
        %parallel_loop3A_649 = tpu.vector_load %arg6[%parallel_loop3A_647, %parallel_loop3A_648] {strides = array<i32>} : memref<8x3840xf32, #tpu.memory_space<vmem>>, vector<16xf32>,
        %parallel_loop3A_650 = arith.constant 96 : i32
        %parallel_loop3A_651 = arith.addi %parallel_loop3A_619, %parallel_loop3A_650 : i32
        %parallel_loop3A_652 = arith.index_cast %parallel_loop3A_601 : i32 to index
        %parallel_loop3A_653 = arith.index_cast %parallel_loop3A_651 : i32 to index
        %parallel_loop3A_654 = tpu.vector_load %arg6[%parallel_loop3A_652, %parallel_loop3A_653] {strides = array<i32>} : memref<8x3840xf32, #tpu.memory_space<vmem>>, vector<16xf32>,
        %parallel_loop3A_655 = arith.constant 112 : i32
        %parallel_loop3A_656 = arith.addi %parallel_loop3A_619, %parallel_loop3A_655 : i32
        %parallel_loop3A_657 = arith.index_cast %parallel_loop3A_601 : i32 to index
        %parallel_loop3A_658 = arith.index_cast %parallel_loop3A_656 : i32 to index
        %parallel_loop3A_659 = tpu.vector_load %arg6[%parallel_loop3A_657, %parallel_loop3A_658] {strides = array<i32>} : memref<8x3840xf32, #tpu.memory_space<vmem>>, vector<16xf32>,
        %parallel_loop3A_660 = arith.constant 0 : i32
        %parallel_loop3A_661 = arith.addi %parallel_loop3A_619, %parallel_loop3A_660 : i32
        %parallel_loop3A_662 = arith.index_cast %parallel_loop3A_601 : i32 to index
        %parallel_loop3A_663 = arith.index_cast %parallel_loop3A_661 : i32 to index
        %parallel_loop3A_664 = tpu.vector_load %arg8[%parallel_loop3A_662, %parallel_loop3A_663] {strides = array<i32>} : memref<8x3840xf32, #tpu.memory_space<vmem>>, vector<16xf32>,
        %parallel_loop3A_665 = arith.constant 16 : i32
        %parallel_loop3A_666 = arith.addi %parallel_loop3A_619, %parallel_loop3A_665 : i32
        %parallel_loop3A_667 = arith.index_cast %parallel_loop3A_601 : i32 to index
        %parallel_loop3A_668 = arith.index_cast %parallel_loop3A_666 : i32 to index
        %parallel_loop3A_669 = tpu.vector_load %arg8[%parallel_loop3A_667, %parallel_loop3A_668] {strides = array<i32>} : memref<8x3840xf32, #tpu.memory_space<vmem>>, vector<16xf32>,
        %parallel_loop3A_670 = arith.constant 32 : i32
        %parallel_loop3A_671 = arith.addi %parallel_loop3A_619, %parallel_loop3A_670 : i32
        %parallel_loop3A_672 = arith.index_cast %parallel_loop3A_601 : i32 to index
        %parallel_loop3A_673 = arith.index_cast %parallel_loop3A_671 : i32 to index
        %parallel_loop3A_674 = tpu.vector_load %arg8[%parallel_loop3A_672, %parallel_loop3A_673] {strides = array<i32>} : memref<8x3840xf32, #tpu.memory_space<vmem>>, vector<16xf32>,
        %parallel_loop3A_675 = arith.constant 48 : i32
        %parallel_loop3A_676 = arith.addi %parallel_loop3A_619, %parallel_loop3A_675 : i32
        %parallel_loop3A_677 = arith.index_cast %parallel_loop3A_601 : i32 to index
        %parallel_loop3A_678 = arith.index_cast %parallel_loop3A_676 : i32 to index
        %parallel_loop3A_679 = tpu.vector_load %arg8[%parallel_loop3A_677, %parallel_loop3A_678] {strides = array<i32>} : memref<8x3840xf32, #tpu.memory_space<vmem>>, vector<16xf32>,
        %parallel_loop3A_680 = arith.constant 64 : i32
        %parallel_loop3A_681 = arith.addi %parallel_loop3A_619, %parallel_loop3A_680 : i32
        %parallel_loop3A_682 = arith.index_cast %parallel_loop3A_601 : i32 to index
        %parallel_loop3A_683 = arith.index_cast %parallel_loop3A_681 : i32 to index
        %parallel_loop3A_684 = tpu.vector_load %arg8[%parallel_loop3A_682, %parallel_loop3A_683] {strides = array<i32>} : memref<8x3840xf32, #tpu.memory_space<vmem>>, vector<16xf32>,
        %parallel_loop3A_685 = arith.constant 80 : i32
        %parallel_loop3A_686 = arith.addi %parallel_loop3A_619, %parallel_loop3A_685 : i32
        %parallel_loop3A_687 = arith.index_cast %parallel_loop3A_601 : i32 to index
        %parallel_loop3A_688 = arith.index_cast %parallel_loop3A_686 : i32 to index
        %parallel_loop3A_689 = tpu.vector_load %arg8[%parallel_loop3A_687, %parallel_loop3A_688] {strides = array<i32>} : memref<8x3840xf32, #tpu.memory_space<vmem>>, vector<16xf32>,
        %parallel_loop3A_690 = arith.constant 96 : i32
        %parallel_loop3A_691 = arith.addi %parallel_loop3A_619, %parallel_loop3A_690 : i32
        %parallel_loop3A_692 = arith.index_cast %parallel_loop3A_601 : i32 to index
        %parallel_loop3A_693 = arith.index_cast %parallel_loop3A_691 : i32 to index
        %parallel_loop3A_694 = tpu.vector_load %arg8[%parallel_loop3A_692, %parallel_loop3A_693] {strides = array<i32>} : memref<8x3840xf32, #tpu.memory_space<vmem>>, vector<16xf32>,
        %parallel_loop3A_695 = arith.constant 112 : i32
        %parallel_loop3A_696 = arith.addi %parallel_loop3A_619, %parallel_loop3A_695 : i32
        %parallel_loop3A_697 = arith.index_cast %parallel_loop3A_601 : i32 to index
        %parallel_loop3A_698 = arith.index_cast %parallel_loop3A_696 : i32 to index
        %parallel_loop3A_699 = tpu.vector_load %arg8[%parallel_loop3A_697, %parallel_loop3A_698] {strides = array<i32>} : memref<8x3840xf32, #tpu.memory_space<vmem>>, vector<16xf32>,
        %parallel_loop3A_700 = arith.constant 3.100000e+01 : f32
        %parallel_loop3A_701 = vector.broadcast %parallel_loop3A_700 : f32 to vector<16xf32>
        %parallel_loop3A_702 = arith.mulf %parallel_loop3A_624, %parallel_loop3A_701 : vector<16xf32>
        %parallel_loop3A_703 = arith.fptosi %parallel_loop3A_702 : vector<16xf32> to vector<16xi32>
        %parallel_loop3A_704 = arith.constant 16 : i32
        %parallel_loop3A_705 = vector.broadcast %parallel_loop3A_704 : i32 to vector<16xi32>
        %parallel_loop3A_706 = arith.muli %parallel_loop3A_703, %parallel_loop3A_705 : vector<16xi32>
        %parallel_loop3A_707 = arith.addi %parallel_loop3A_706, %iota3A : vector<16xi32>
        %parallel_loop3A_708 = arith.constant 3.100000e+01 : f32
        %parallel_loop3A_709 = vector.broadcast %parallel_loop3A_708 : f32 to vector<16xf32>
        %parallel_loop3A_710 = arith.mulf %parallel_loop3A_629, %parallel_loop3A_709 : vector<16xf32>
        %parallel_loop3A_711 = arith.fptosi %parallel_loop3A_710 : vector<16xf32> to vector<16xi32>
        %parallel_loop3A_712 = arith.constant 16 : i32
        %parallel_loop3A_713 = vector.broadcast %parallel_loop3A_712 : i32 to vector<16xi32>
        %parallel_loop3A_714 = arith.muli %parallel_loop3A_711, %parallel_loop3A_713 : vector<16xi32>
        %parallel_loop3A_715 = arith.addi %parallel_loop3A_714, %iota3A : vector<16xi32>
        %parallel_loop3A_716 = arith.constant 3.100000e+01 : f32
        %parallel_loop3A_717 = vector.broadcast %parallel_loop3A_716 : f32 to vector<16xf32>
        %parallel_loop3A_718 = arith.mulf %parallel_loop3A_634, %parallel_loop3A_717 : vector<16xf32>
        %parallel_loop3A_719 = arith.fptosi %parallel_loop3A_718 : vector<16xf32> to vector<16xi32>
        %parallel_loop3A_720 = arith.constant 16 : i32
        %parallel_loop3A_721 = vector.broadcast %parallel_loop3A_720 : i32 to vector<16xi32>
        %parallel_loop3A_722 = arith.muli %parallel_loop3A_719, %parallel_loop3A_721 : vector<16xi32>
        %parallel_loop3A_723 = arith.addi %parallel_loop3A_722, %iota3A : vector<16xi32>
        %parallel_loop3A_724 = arith.constant 3.100000e+01 : f32
        %parallel_loop3A_725 = vector.broadcast %parallel_loop3A_724 : f32 to vector<16xf32>
        %parallel_loop3A_726 = arith.mulf %parallel_loop3A_639, %parallel_loop3A_725 : vector<16xf32>
        %parallel_loop3A_727 = arith.fptosi %parallel_loop3A_726 : vector<16xf32> to vector<16xi32>
        %parallel_loop3A_728 = arith.constant 16 : i32
        %parallel_loop3A_729 = vector.broadcast %parallel_loop3A_728 : i32 to vector<16xi32>
        %parallel_loop3A_730 = arith.muli %parallel_loop3A_727, %parallel_loop3A_729 : vector<16xi32>
        %parallel_loop3A_731 = arith.addi %parallel_loop3A_730, %iota3A : vector<16xi32>
        %parallel_loop3A_732 = arith.constant 3.100000e+01 : f32
        %parallel_loop3A_733 = vector.broadcast %parallel_loop3A_732 : f32 to vector<16xf32>
        %parallel_loop3A_734 = arith.mulf %parallel_loop3A_644, %parallel_loop3A_733 : vector<16xf32>
        %parallel_loop3A_735 = arith.fptosi %parallel_loop3A_734 : vector<16xf32> to vector<16xi32>
        %parallel_loop3A_736 = arith.constant 16 : i32
        %parallel_loop3A_737 = vector.broadcast %parallel_loop3A_736 : i32 to vector<16xi32>
        %parallel_loop3A_738 = arith.muli %parallel_loop3A_735, %parallel_loop3A_737 : vector<16xi32>
        %parallel_loop3A_739 = arith.addi %parallel_loop3A_738, %iota3A : vector<16xi32>
        %parallel_loop3A_740 = arith.constant 3.100000e+01 : f32
        %parallel_loop3A_741 = vector.broadcast %parallel_loop3A_740 : f32 to vector<16xf32>
        %parallel_loop3A_742 = arith.mulf %parallel_loop3A_649, %parallel_loop3A_741 : vector<16xf32>
        %parallel_loop3A_743 = arith.fptosi %parallel_loop3A_742 : vector<16xf32> to vector<16xi32>
        %parallel_loop3A_744 = arith.constant 16 : i32
        %parallel_loop3A_745 = vector.broadcast %parallel_loop3A_744 : i32 to vector<16xi32>
        %parallel_loop3A_746 = arith.muli %parallel_loop3A_743, %parallel_loop3A_745 : vector<16xi32>
        %parallel_loop3A_747 = arith.addi %parallel_loop3A_746, %iota3A : vector<16xi32>
        %parallel_loop3A_748 = arith.constant 3.100000e+01 : f32
        %parallel_loop3A_749 = vector.broadcast %parallel_loop3A_748 : f32 to vector<16xf32>
        %parallel_loop3A_750 = arith.mulf %parallel_loop3A_654, %parallel_loop3A_749 : vector<16xf32>
        %parallel_loop3A_751 = arith.fptosi %parallel_loop3A_750 : vector<16xf32> to vector<16xi32>
        %parallel_loop3A_752 = arith.constant 16 : i32
        %parallel_loop3A_753 = vector.broadcast %parallel_loop3A_752 : i32 to vector<16xi32>
        %parallel_loop3A_754 = arith.muli %parallel_loop3A_751, %parallel_loop3A_753 : vector<16xi32>
        %parallel_loop3A_755 = arith.addi %parallel_loop3A_754, %iota3A : vector<16xi32>
        %parallel_loop3A_756 = arith.constant 3.100000e+01 : f32
        %parallel_loop3A_757 = vector.broadcast %parallel_loop3A_756 : f32 to vector<16xf32>
        %parallel_loop3A_758 = arith.mulf %parallel_loop3A_659, %parallel_loop3A_757 : vector<16xf32>
        %parallel_loop3A_759 = arith.fptosi %parallel_loop3A_758 : vector<16xf32> to vector<16xi32>
        %parallel_loop3A_760 = arith.constant 16 : i32
        %parallel_loop3A_761 = vector.broadcast %parallel_loop3A_760 : i32 to vector<16xi32>
        %parallel_loop3A_762 = arith.muli %parallel_loop3A_759, %parallel_loop3A_761 : vector<16xi32>
        %parallel_loop3A_763 = arith.addi %parallel_loop3A_762, %iota3A : vector<16xi32>
        %parallel_loop3A_764 = arith.constant 3.100000e+01 : f32
        %parallel_loop3A_765 = vector.broadcast %parallel_loop3A_764 : f32 to vector<16xf32>
        %parallel_loop3A_766 = arith.mulf %parallel_loop3A_664, %parallel_loop3A_765 : vector<16xf32>
        %parallel_loop3A_767 = arith.fptosi %parallel_loop3A_766 : vector<16xf32> to vector<16xi32>
        %parallel_loop3A_768 = arith.constant 16 : i32
        %parallel_loop3A_769 = vector.broadcast %parallel_loop3A_768 : i32 to vector<16xi32>
        %parallel_loop3A_770 = arith.muli %parallel_loop3A_767, %parallel_loop3A_769 : vector<16xi32>
        %parallel_loop3A_771 = arith.addi %parallel_loop3A_770, %iota3A : vector<16xi32>
        %parallel_loop3A_772 = arith.constant 3.100000e+01 : f32
        %parallel_loop3A_773 = vector.broadcast %parallel_loop3A_772 : f32 to vector<16xf32>
        %parallel_loop3A_774 = arith.mulf %parallel_loop3A_669, %parallel_loop3A_773 : vector<16xf32>
        %parallel_loop3A_775 = arith.fptosi %parallel_loop3A_774 : vector<16xf32> to vector<16xi32>
        %parallel_loop3A_776 = arith.constant 16 : i32
        %parallel_loop3A_777 = vector.broadcast %parallel_loop3A_776 : i32 to vector<16xi32>
        %parallel_loop3A_778 = arith.muli %parallel_loop3A_775, %parallel_loop3A_777 : vector<16xi32>
        %parallel_loop3A_779 = arith.addi %parallel_loop3A_778, %iota3A : vector<16xi32>
        %parallel_loop3A_780 = arith.constant 3.100000e+01 : f32
        %parallel_loop3A_781 = vector.broadcast %parallel_loop3A_780 : f32 to vector<16xf32>
        %parallel_loop3A_782 = arith.mulf %parallel_loop3A_674, %parallel_loop3A_781 : vector<16xf32>
        %parallel_loop3A_783 = arith.fptosi %parallel_loop3A_782 : vector<16xf32> to vector<16xi32>
        %parallel_loop3A_784 = arith.constant 16 : i32
        %parallel_loop3A_785 = vector.broadcast %parallel_loop3A_784 : i32 to vector<16xi32>
        %parallel_loop3A_786 = arith.muli %parallel_loop3A_783, %parallel_loop3A_785 : vector<16xi32>
        %parallel_loop3A_787 = arith.addi %parallel_loop3A_786, %iota3A : vector<16xi32>
        %parallel_loop3A_788 = arith.constant 3.100000e+01 : f32
        %parallel_loop3A_789 = vector.broadcast %parallel_loop3A_788 : f32 to vector<16xf32>
        %parallel_loop3A_790 = arith.mulf %parallel_loop3A_679, %parallel_loop3A_789 : vector<16xf32>
        %parallel_loop3A_791 = arith.fptosi %parallel_loop3A_790 : vector<16xf32> to vector<16xi32>
        %parallel_loop3A_792 = arith.constant 16 : i32
        %parallel_loop3A_793 = vector.broadcast %parallel_loop3A_792 : i32 to vector<16xi32>
        %parallel_loop3A_794 = arith.muli %parallel_loop3A_791, %parallel_loop3A_793 : vector<16xi32>
        %parallel_loop3A_795 = arith.addi %parallel_loop3A_794, %iota3A : vector<16xi32>
        %parallel_loop3A_796 = arith.constant 3.100000e+01 : f32
        %parallel_loop3A_797 = vector.broadcast %parallel_loop3A_796 : f32 to vector<16xf32>
        %parallel_loop3A_798 = arith.mulf %parallel_loop3A_684, %parallel_loop3A_797 : vector<16xf32>
        %parallel_loop3A_799 = arith.fptosi %parallel_loop3A_798 : vector<16xf32> to vector<16xi32>
        %parallel_loop3A_800 = arith.constant 16 : i32
        %parallel_loop3A_801 = vector.broadcast %parallel_loop3A_800 : i32 to vector<16xi32>
        %parallel_loop3A_802 = arith.muli %parallel_loop3A_799, %parallel_loop3A_801 : vector<16xi32>
        %parallel_loop3A_803 = arith.addi %parallel_loop3A_802, %iota3A : vector<16xi32>
        %parallel_loop3A_804 = arith.constant 3.100000e+01 : f32
        %parallel_loop3A_805 = vector.broadcast %parallel_loop3A_804 : f32 to vector<16xf32>
        %parallel_loop3A_806 = arith.mulf %parallel_loop3A_689, %parallel_loop3A_805 : vector<16xf32>
        %parallel_loop3A_807 = arith.fptosi %parallel_loop3A_806 : vector<16xf32> to vector<16xi32>
        %parallel_loop3A_808 = arith.constant 16 : i32
        %parallel_loop3A_809 = vector.broadcast %parallel_loop3A_808 : i32 to vector<16xi32>
        %parallel_loop3A_810 = arith.muli %parallel_loop3A_807, %parallel_loop3A_809 : vector<16xi32>
        %parallel_loop3A_811 = arith.addi %parallel_loop3A_810, %iota3A : vector<16xi32>
        %parallel_loop3A_812 = arith.constant 3.100000e+01 : f32
        %parallel_loop3A_813 = vector.broadcast %parallel_loop3A_812 : f32 to vector<16xf32>
        %parallel_loop3A_814 = arith.mulf %parallel_loop3A_694, %parallel_loop3A_813 : vector<16xf32>
        %parallel_loop3A_815 = arith.fptosi %parallel_loop3A_814 : vector<16xf32> to vector<16xi32>
        %parallel_loop3A_816 = arith.constant 16 : i32
        %parallel_loop3A_817 = vector.broadcast %parallel_loop3A_816 : i32 to vector<16xi32>
        %parallel_loop3A_818 = arith.muli %parallel_loop3A_815, %parallel_loop3A_817 : vector<16xi32>
        %parallel_loop3A_819 = arith.addi %parallel_loop3A_818, %iota3A : vector<16xi32>
        %parallel_loop3A_820 = arith.constant 3.100000e+01 : f32
        %parallel_loop3A_821 = vector.broadcast %parallel_loop3A_820 : f32 to vector<16xf32>
        %parallel_loop3A_822 = arith.mulf %parallel_loop3A_699, %parallel_loop3A_821 : vector<16xf32>
        %parallel_loop3A_823 = arith.fptosi %parallel_loop3A_822 : vector<16xf32> to vector<16xi32>
        %parallel_loop3A_824 = arith.constant 16 : i32
        %parallel_loop3A_825 = vector.broadcast %parallel_loop3A_824 : i32 to vector<16xi32>
        %parallel_loop3A_826 = arith.muli %parallel_loop3A_823, %parallel_loop3A_825 : vector<16xi32>
        %parallel_loop3A_827 = arith.addi %parallel_loop3A_826, %iota3A : vector<16xi32>
        %parallel_loop3A_828 = arith.subf %parallel_loop3A_624, %parallel_loop3A_664 : vector<16xf32>
        %parallel_loop3A_829 = math.absf %parallel_loop3A_828 : vector<16xf32>
        %parallel_loop3A_830 = arith.subf %parallel_loop3A_629, %parallel_loop3A_669 : vector<16xf32>
        %parallel_loop3A_831 = math.absf %parallel_loop3A_830 : vector<16xf32>
        %parallel_loop3A_832 = arith.subf %parallel_loop3A_634, %parallel_loop3A_674 : vector<16xf32>
        %parallel_loop3A_833 = math.absf %parallel_loop3A_832 : vector<16xf32>
        %parallel_loop3A_834 = arith.subf %parallel_loop3A_639, %parallel_loop3A_679 : vector<16xf32>
        %parallel_loop3A_835 = math.absf %parallel_loop3A_834 : vector<16xf32>
        %parallel_loop3A_836 = arith.subf %parallel_loop3A_644, %parallel_loop3A_684 : vector<16xf32>
        %parallel_loop3A_837 = math.absf %parallel_loop3A_836 : vector<16xf32>
        %parallel_loop3A_838 = arith.subf %parallel_loop3A_649, %parallel_loop3A_689 : vector<16xf32>
        %parallel_loop3A_839 = math.absf %parallel_loop3A_838 : vector<16xf32>
        %parallel_loop3A_840 = arith.subf %parallel_loop3A_654, %parallel_loop3A_694 : vector<16xf32>
        %parallel_loop3A_841 = math.absf %parallel_loop3A_840 : vector<16xf32>
        %parallel_loop3A_842 = arith.subf %parallel_loop3A_659, %parallel_loop3A_699 : vector<16xf32>
        %parallel_loop3A_843 = math.absf %parallel_loop3A_842 : vector<16xf32>
        %parallel_loop3A_844 = arith.addf %parallel_loop3A_829, %parallel_loop3A_831 : vector<16xf32>
        %parallel_loop3A_845 = arith.addf %parallel_loop3A_833, %parallel_loop3A_835 : vector<16xf32>
        %parallel_loop3A_846 = arith.addf %parallel_loop3A_837, %parallel_loop3A_839 : vector<16xf32>
        %parallel_loop3A_847 = arith.addf %parallel_loop3A_841, %parallel_loop3A_843 : vector<16xf32>
        %parallel_loop3A_848 = arith.addf %parallel_loop3A_844, %parallel_loop3A_845 : vector<16xf32>
        %parallel_loop3A_849 = arith.addf %parallel_loop3A_846, %parallel_loop3A_847 : vector<16xf32>
        %parallel_loop3A_850 = arith.addf %parallel_loop3A_848, %parallel_loop3A_849 : vector<16xf32>
        %parallel_loop3A_851 = arith.addf %parallel_loop3A_576, %parallel_loop3A_850 : vector<16xf32>
        %parallel_loop3A_852 = arith.addf %parallel_loop3A_624, %parallel_loop3A_629 : vector<16xf32>
        %parallel_loop3A_853 = arith.addf %parallel_loop3A_634, %parallel_loop3A_639 : vector<16xf32>
        %parallel_loop3A_854 = arith.addf %parallel_loop3A_644, %parallel_loop3A_649 : vector<16xf32>
        %parallel_loop3A_855 = arith.addf %parallel_loop3A_654, %parallel_loop3A_659 : vector<16xf32>
        %parallel_loop3A_856 = arith.addf %parallel_loop3A_852, %parallel_loop3A_853 : vector<16xf32>
        %parallel_loop3A_857 = arith.addf %parallel_loop3A_854, %parallel_loop3A_855 : vector<16xf32>
        %parallel_loop3A_858 = arith.addf %parallel_loop3A_856, %parallel_loop3A_857 : vector<16xf32>
        %parallel_loop3A_859 = arith.addf %parallel_loop3A_577, %parallel_loop3A_858 : vector<16xf32>
        tpu.vector_store_idx %arg10[%parallel_loop3A_707], %broadcast_in_dim3A_4 {add = true} : memref<512xf32, #tpu.memory_space<vmem>>[vector<16xi32>], vector<16xf32>,
        tpu.vector_store_idx %arg11[%parallel_loop3A_771], %broadcast_in_dim3A_4 {add = true} : memref<512xf32, #tpu.memory_space<vmem>>[vector<16xi32>], vector<16xf32>,
        tpu.vector_store_idx %arg10[%parallel_loop3A_715], %broadcast_in_dim3A_4 {add = true} : memref<512xf32, #tpu.memory_space<vmem>>[vector<16xi32>], vector<16xf32>,
        tpu.vector_store_idx %arg11[%parallel_loop3A_779], %broadcast_in_dim3A_4 {add = true} : memref<512xf32, #tpu.memory_space<vmem>>[vector<16xi32>], vector<16xf32>,
        tpu.vector_store_idx %arg10[%parallel_loop3A_723], %broadcast_in_dim3A_4 {add = true} : memref<512xf32, #tpu.memory_space<vmem>>[vector<16xi32>], vector<16xf32>,
        tpu.vector_store_idx %arg11[%parallel_loop3A_787], %broadcast_in_dim3A_4 {add = true} : memref<512xf32, #tpu.memory_space<vmem>>[vector<16xi32>], vector<16xf32>,
        tpu.vector_store_idx %arg10[%parallel_loop3A_731], %broadcast_in_dim3A_4 {add = true} : memref<512xf32, #tpu.memory_space<vmem>>[vector<16xi32>], vector<16xf32>,
        tpu.vector_store_idx %arg11[%parallel_loop3A_795], %broadcast_in_dim3A_4 {add = true} : memref<512xf32, #tpu.memory_space<vmem>>[vector<16xi32>], vector<16xf32>,
        tpu.vector_store_idx %arg10[%parallel_loop3A_739], %broadcast_in_dim3A_4 {add = true} : memref<512xf32, #tpu.memory_space<vmem>>[vector<16xi32>], vector<16xf32>,
        tpu.vector_store_idx %arg11[%parallel_loop3A_803], %broadcast_in_dim3A_4 {add = true} : memref<512xf32, #tpu.memory_space<vmem>>[vector<16xi32>], vector<16xf32>,
        tpu.vector_store_idx %arg10[%parallel_loop3A_747], %broadcast_in_dim3A_4 {add = true} : memref<512xf32, #tpu.memory_space<vmem>>[vector<16xi32>], vector<16xf32>,
        tpu.vector_store_idx %arg11[%parallel_loop3A_811], %broadcast_in_dim3A_4 {add = true} : memref<512xf32, #tpu.memory_space<vmem>>[vector<16xi32>], vector<16xf32>,
        tpu.vector_store_idx %arg10[%parallel_loop3A_755], %broadcast_in_dim3A_4 {add = true} : memref<512xf32, #tpu.memory_space<vmem>>[vector<16xi32>], vector<16xf32>,
        tpu.vector_store_idx %arg11[%parallel_loop3A_819], %broadcast_in_dim3A_4 {add = true} : memref<512xf32, #tpu.memory_space<vmem>>[vector<16xi32>], vector<16xf32>,
        tpu.vector_store_idx %arg10[%parallel_loop3A_763], %broadcast_in_dim3A_4 {add = true} : memref<512xf32, #tpu.memory_space<vmem>>[vector<16xi32>], vector<16xf32>,
        tpu.vector_store_idx %arg11[%parallel_loop3A_827], %broadcast_in_dim3A_4 {add = true} : memref<512xf32, #tpu.memory_space<vmem>>[vector<16xi32>], vector<16xf32>,
        scf.yield %parallel_loop3A_851, %parallel_loop3A_859 : vector<16xf32>, vector<16xf32>
      } {sc.loop_unroll_factor = 1 : i64, sc.parallel_access}
      scf.yield %parallel_loop3A_574#0, %parallel_loop3A_574#1 : vector<16xf32>, vector<16xf32>
    } else {
      scf.yield %scan3A_158#0, %scan3A_158#1 : vector<16xf32>, vector<16xf32>
    }
    %swap3A_162 = arith.constant 0 : index
    %swap3A_163 = tpu.vector_load %arg12[%swap3A_162] {strides = array<i32>} : memref<128xf32, #tpu.memory_space<vmem>>, vector<16xf32>,
    tpu.vector_store %arg12[%swap3A_162], %broadcast_in_dim3A_2 {strides = array<i32>} : memref<128xf32, #tpu.memory_space<vmem>>, vector<16xf32>,
    %swap3A_164 = arith.constant 16 : index
    %swap3A_165 = tpu.vector_load %arg12[%swap3A_164] {strides = array<i32>} : memref<128xf32, #tpu.memory_space<vmem>>, vector<16xf32>,
    tpu.vector_store %arg12[%swap3A_164], %broadcast_in_dim3A_2 {strides = array<i32>} : memref<128xf32, #tpu.memory_space<vmem>>, vector<16xf32>,
    %swap3A_166 = arith.constant 32 : index
    %swap3A_167 = tpu.vector_load %arg12[%swap3A_166] {strides = array<i32>} : memref<128xf32, #tpu.memory_space<vmem>>, vector<16xf32>,
    tpu.vector_store %arg12[%swap3A_166], %broadcast_in_dim3A_2 {strides = array<i32>} : memref<128xf32, #tpu.memory_space<vmem>>, vector<16xf32>,
    %swap3A_168 = arith.constant 48 : index
    %swap3A_169 = tpu.vector_load %arg12[%swap3A_168] {strides = array<i32>} : memref<128xf32, #tpu.memory_space<vmem>>, vector<16xf32>,
    tpu.vector_store %arg12[%swap3A_168], %broadcast_in_dim3A_2 {strides = array<i32>} : memref<128xf32, #tpu.memory_space<vmem>>, vector<16xf32>,
    %swap3A_170 = arith.constant 64 : index
    %swap3A_171 = tpu.vector_load %arg12[%swap3A_170] {strides = array<i32>} : memref<128xf32, #tpu.memory_space<vmem>>, vector<16xf32>,
    tpu.vector_store %arg12[%swap3A_170], %broadcast_in_dim3A_2 {strides = array<i32>} : memref<128xf32, #tpu.memory_space<vmem>>, vector<16xf32>,
    %swap3A_172 = arith.constant 80 : index
    %swap3A_173 = tpu.vector_load %arg12[%swap3A_172] {strides = array<i32>} : memref<128xf32, #tpu.memory_space<vmem>>, vector<16xf32>,
    tpu.vector_store %arg12[%swap3A_172], %broadcast_in_dim3A_2 {strides = array<i32>} : memref<128xf32, #tpu.memory_space<vmem>>, vector<16xf32>,
    %swap3A_174 = arith.constant 96 : index
    %swap3A_175 = tpu.vector_load %arg12[%swap3A_174] {strides = array<i32>} : memref<128xf32, #tpu.memory_space<vmem>>, vector<16xf32>,
    tpu.vector_store %arg12[%swap3A_174], %broadcast_in_dim3A_2 {strides = array<i32>} : memref<128xf32, #tpu.memory_space<vmem>>, vector<16xf32>,
    %swap3A_176 = arith.constant 112 : index
    %swap3A_177 = tpu.vector_load %arg12[%swap3A_176] {strides = array<i32>} : memref<128xf32, #tpu.memory_space<vmem>>, vector<16xf32>,
    tpu.vector_store %arg12[%swap3A_176], %broadcast_in_dim3A_2 {strides = array<i32>} : memref<128xf32, #tpu.memory_space<vmem>>, vector<16xf32>,
    %add3A_178 = arith.constant 0 : i32
    %add3A_179 = vector.broadcast %add3A_178 : i32 to vector<16xi32>
    %add3A_180 = arith.addi %iota3A, %add3A_179 : vector<16xi32>
    %mul3A_181 = arith.constant 16 : i32
    %mul3A_182 = vector.broadcast %mul3A_181 : i32 to vector<16xi32>
    %mul3A_183 = arith.muli %add3A_180, %mul3A_182 : vector<16xi32>
    %add3A_184 = arith.constant 0 : i32
    %add3A_185 = vector.broadcast %add3A_184 : i32 to vector<16xi32>
    %add3A_186 = arith.addi %mul3A_183, %add3A_185 : vector<16xi32>
    %gather3A = tpu.vector_load_idx %arg10[%add3A_186] : memref<512xf32, #tpu.memory_space<vmem>>[vector<16xi32>], vector<16xf32>,
    %add3A_187 = arith.addf %broadcast_in_dim3A_2, %gather3A : vector<16xf32>
    %add3A_188 = arith.constant 1 : i32
    %add3A_189 = vector.broadcast %add3A_188 : i32 to vector<16xi32>
    %add3A_190 = arith.addi %mul3A_183, %add3A_189 : vector<16xi32>
    %gather3A_191 = tpu.vector_load_idx %arg10[%add3A_190] : memref<512xf32, #tpu.memory_space<vmem>>[vector<16xi32>], vector<16xf32>,
    %add3A_192 = arith.addf %add3A_187, %gather3A_191 : vector<16xf32>
    %add3A_193 = arith.constant 2 : i32
    %add3A_194 = vector.broadcast %add3A_193 : i32 to vector<16xi32>
    %add3A_195 = arith.addi %mul3A_183, %add3A_194 : vector<16xi32>
    %gather3A_196 = tpu.vector_load_idx %arg10[%add3A_195] : memref<512xf32, #tpu.memory_space<vmem>>[vector<16xi32>], vector<16xf32>,
    %add3A_197 = arith.addf %add3A_192, %gather3A_196 : vector<16xf32>
    %add3A_198 = arith.constant 3 : i32
    %add3A_199 = vector.broadcast %add3A_198 : i32 to vector<16xi32>
    %add3A_200 = arith.addi %mul3A_183, %add3A_199 : vector<16xi32>
    %gather3A_201 = tpu.vector_load_idx %arg10[%add3A_200] : memref<512xf32, #tpu.memory_space<vmem>>[vector<16xi32>], vector<16xf32>,
    %add3A_202 = arith.addf %add3A_197, %gather3A_201 : vector<16xf32>
    %add3A_203 = arith.constant 4 : i32
    %add3A_204 = vector.broadcast %add3A_203 : i32 to vector<16xi32>
    %add3A_205 = arith.addi %mul3A_183, %add3A_204 : vector<16xi32>
    %gather3A_206 = tpu.vector_load_idx %arg10[%add3A_205] : memref<512xf32, #tpu.memory_space<vmem>>[vector<16xi32>], vector<16xf32>,
    %add3A_207 = arith.addf %add3A_202, %gather3A_206 : vector<16xf32>
    %add3A_208 = arith.constant 5 : i32
    %add3A_209 = vector.broadcast %add3A_208 : i32 to vector<16xi32>
    %add3A_210 = arith.addi %mul3A_183, %add3A_209 : vector<16xi32>
    %gather3A_211 = tpu.vector_load_idx %arg10[%add3A_210] : memref<512xf32, #tpu.memory_space<vmem>>[vector<16xi32>], vector<16xf32>,
    %add3A_212 = arith.addf %add3A_207, %gather3A_211 : vector<16xf32>
    %add3A_213 = arith.constant 6 : i32
    %add3A_214 = vector.broadcast %add3A_213 : i32 to vector<16xi32>
    %add3A_215 = arith.addi %mul3A_183, %add3A_214 : vector<16xi32>
    %gather3A_216 = tpu.vector_load_idx %arg10[%add3A_215] : memref<512xf32, #tpu.memory_space<vmem>>[vector<16xi32>], vector<16xf32>,
    %add3A_217 = arith.addf %add3A_212, %gather3A_216 : vector<16xf32>
    %add3A_218 = arith.constant 7 : i32
    %add3A_219 = vector.broadcast %add3A_218 : i32 to vector<16xi32>
    %add3A_220 = arith.addi %mul3A_183, %add3A_219 : vector<16xi32>
    %gather3A_221 = tpu.vector_load_idx %arg10[%add3A_220] : memref<512xf32, #tpu.memory_space<vmem>>[vector<16xi32>], vector<16xf32>,
    %add3A_222 = arith.addf %add3A_217, %gather3A_221 : vector<16xf32>
    %add3A_223 = arith.constant 8 : i32
    %add3A_224 = vector.broadcast %add3A_223 : i32 to vector<16xi32>
    %add3A_225 = arith.addi %mul3A_183, %add3A_224 : vector<16xi32>
    %gather3A_226 = tpu.vector_load_idx %arg10[%add3A_225] : memref<512xf32, #tpu.memory_space<vmem>>[vector<16xi32>], vector<16xf32>,
    %add3A_227 = arith.addf %add3A_222, %gather3A_226 : vector<16xf32>
    %add3A_228 = arith.constant 9 : i32
    %add3A_229 = vector.broadcast %add3A_228 : i32 to vector<16xi32>
    %add3A_230 = arith.addi %mul3A_183, %add3A_229 : vector<16xi32>
    %gather3A_231 = tpu.vector_load_idx %arg10[%add3A_230] : memref<512xf32, #tpu.memory_space<vmem>>[vector<16xi32>], vector<16xf32>,
    %add3A_232 = arith.addf %add3A_227, %gather3A_231 : vector<16xf32>
    %add3A_233 = arith.constant 10 : i32
    %add3A_234 = vector.broadcast %add3A_233 : i32 to vector<16xi32>
    %add3A_235 = arith.addi %mul3A_183, %add3A_234 : vector<16xi32>
    %gather3A_236 = tpu.vector_load_idx %arg10[%add3A_235] : memref<512xf32, #tpu.memory_space<vmem>>[vector<16xi32>], vector<16xf32>,
    %add3A_237 = arith.addf %add3A_232, %gather3A_236 : vector<16xf32>
    %add3A_238 = arith.constant 11 : i32
    %add3A_239 = vector.broadcast %add3A_238 : i32 to vector<16xi32>
    %add3A_240 = arith.addi %mul3A_183, %add3A_239 : vector<16xi32>
    %gather3A_241 = tpu.vector_load_idx %arg10[%add3A_240] : memref<512xf32, #tpu.memory_space<vmem>>[vector<16xi32>], vector<16xf32>,
    %add3A_242 = arith.addf %add3A_237, %gather3A_241 : vector<16xf32>
    %add3A_243 = arith.constant 12 : i32
    %add3A_244 = vector.broadcast %add3A_243 : i32 to vector<16xi32>
    %add3A_245 = arith.addi %mul3A_183, %add3A_244 : vector<16xi32>
    %gather3A_246 = tpu.vector_load_idx %arg10[%add3A_245] : memref<512xf32, #tpu.memory_space<vmem>>[vector<16xi32>], vector<16xf32>,
    %add3A_247 = arith.addf %add3A_242, %gather3A_246 : vector<16xf32>
    %add3A_248 = arith.constant 13 : i32
    %add3A_249 = vector.broadcast %add3A_248 : i32 to vector<16xi32>
    %add3A_250 = arith.addi %mul3A_183, %add3A_249 : vector<16xi32>
    %gather3A_251 = tpu.vector_load_idx %arg10[%add3A_250] : memref<512xf32, #tpu.memory_space<vmem>>[vector<16xi32>], vector<16xf32>,
    %add3A_252 = arith.addf %add3A_247, %gather3A_251 : vector<16xf32>
    %add3A_253 = arith.constant 14 : i32
    %add3A_254 = vector.broadcast %add3A_253 : i32 to vector<16xi32>
    %add3A_255 = arith.addi %mul3A_183, %add3A_254 : vector<16xi32>
    %gather3A_256 = tpu.vector_load_idx %arg10[%add3A_255] : memref<512xf32, #tpu.memory_space<vmem>>[vector<16xi32>], vector<16xf32>,
    %add3A_257 = arith.addf %add3A_252, %gather3A_256 : vector<16xf32>
    %add3A_258 = arith.constant 15 : i32
    %add3A_259 = vector.broadcast %add3A_258 : i32 to vector<16xi32>
    %add3A_260 = arith.addi %mul3A_183, %add3A_259 : vector<16xi32>
    %gather3A_261 = tpu.vector_load_idx %arg10[%add3A_260] : memref<512xf32, #tpu.memory_space<vmem>>[vector<16xi32>], vector<16xf32>,
    %add3A_262 = arith.addf %add3A_257, %gather3A_261 : vector<16xf32>
    %swap3A_263 = arith.constant 0 : index
    %swap3A_264 = tpu.vector_load %arg12[%swap3A_263] {strides = array<i32>} : memref<128xf32, #tpu.memory_space<vmem>>, vector<16xf32>,
    tpu.vector_store %arg12[%swap3A_263], %add3A_262 {strides = array<i32>} : memref<128xf32, #tpu.memory_space<vmem>>, vector<16xf32>,
    %add3A_265 = arith.constant 16 : i32
    %add3A_266 = vector.broadcast %add3A_265 : i32 to vector<16xi32>
    %add3A_267 = arith.addi %iota3A, %add3A_266 : vector<16xi32>
    %mul3A_268 = arith.constant 16 : i32
    %mul3A_269 = vector.broadcast %mul3A_268 : i32 to vector<16xi32>
    %mul3A_270 = arith.muli %add3A_267, %mul3A_269 : vector<16xi32>
    %add3A_271 = arith.constant 0 : i32
    %add3A_272 = vector.broadcast %add3A_271 : i32 to vector<16xi32>
    %add3A_273 = arith.addi %mul3A_270, %add3A_272 : vector<16xi32>
    %gather3A_274 = tpu.vector_load_idx %arg10[%add3A_273] : memref<512xf32, #tpu.memory_space<vmem>>[vector<16xi32>], vector<16xf32>,
    %add3A_275 = arith.addf %broadcast_in_dim3A_2, %gather3A_274 : vector<16xf32>
    %add3A_276 = arith.constant 1 : i32
    %add3A_277 = vector.broadcast %add3A_276 : i32 to vector<16xi32>
    %add3A_278 = arith.addi %mul3A_270, %add3A_277 : vector<16xi32>
    %gather3A_279 = tpu.vector_load_idx %arg10[%add3A_278] : memref<512xf32, #tpu.memory_space<vmem>>[vector<16xi32>], vector<16xf32>,
    %add3A_280 = arith.addf %add3A_275, %gather3A_279 : vector<16xf32>
    %add3A_281 = arith.constant 2 : i32
    %add3A_282 = vector.broadcast %add3A_281 : i32 to vector<16xi32>
    %add3A_283 = arith.addi %mul3A_270, %add3A_282 : vector<16xi32>
    %gather3A_284 = tpu.vector_load_idx %arg10[%add3A_283] : memref<512xf32, #tpu.memory_space<vmem>>[vector<16xi32>], vector<16xf32>,
    %add3A_285 = arith.addf %add3A_280, %gather3A_284 : vector<16xf32>
    %add3A_286 = arith.constant 3 : i32
    %add3A_287 = vector.broadcast %add3A_286 : i32 to vector<16xi32>
    %add3A_288 = arith.addi %mul3A_270, %add3A_287 : vector<16xi32>
    %gather3A_289 = tpu.vector_load_idx %arg10[%add3A_288] : memref<512xf32, #tpu.memory_space<vmem>>[vector<16xi32>], vector<16xf32>,
    %add3A_290 = arith.addf %add3A_285, %gather3A_289 : vector<16xf32>
    %add3A_291 = arith.constant 4 : i32
    %add3A_292 = vector.broadcast %add3A_291 : i32 to vector<16xi32>
    %add3A_293 = arith.addi %mul3A_270, %add3A_292 : vector<16xi32>
    %gather3A_294 = tpu.vector_load_idx %arg10[%add3A_293] : memref<512xf32, #tpu.memory_space<vmem>>[vector<16xi32>], vector<16xf32>,
    %add3A_295 = arith.addf %add3A_290, %gather3A_294 : vector<16xf32>
    %add3A_296 = arith.constant 5 : i32
    %add3A_297 = vector.broadcast %add3A_296 : i32 to vector<16xi32>
    %add3A_298 = arith.addi %mul3A_270, %add3A_297 : vector<16xi32>
    %gather3A_299 = tpu.vector_load_idx %arg10[%add3A_298] : memref<512xf32, #tpu.memory_space<vmem>>[vector<16xi32>], vector<16xf32>,
    %add3A_300 = arith.addf %add3A_295, %gather3A_299 : vector<16xf32>
    %add3A_301 = arith.constant 6 : i32
    %add3A_302 = vector.broadcast %add3A_301 : i32 to vector<16xi32>
    %add3A_303 = arith.addi %mul3A_270, %add3A_302 : vector<16xi32>
    %gather3A_304 = tpu.vector_load_idx %arg10[%add3A_303] : memref<512xf32, #tpu.memory_space<vmem>>[vector<16xi32>], vector<16xf32>,
    %add3A_305 = arith.addf %add3A_300, %gather3A_304 : vector<16xf32>
    %add3A_306 = arith.constant 7 : i32
    %add3A_307 = vector.broadcast %add3A_306 : i32 to vector<16xi32>
    %add3A_308 = arith.addi %mul3A_270, %add3A_307 : vector<16xi32>
    %gather3A_309 = tpu.vector_load_idx %arg10[%add3A_308] : memref<512xf32, #tpu.memory_space<vmem>>[vector<16xi32>], vector<16xf32>,
    %add3A_310 = arith.addf %add3A_305, %gather3A_309 : vector<16xf32>
    %add3A_311 = arith.constant 8 : i32
    %add3A_312 = vector.broadcast %add3A_311 : i32 to vector<16xi32>
    %add3A_313 = arith.addi %mul3A_270, %add3A_312 : vector<16xi32>
    %gather3A_314 = tpu.vector_load_idx %arg10[%add3A_313] : memref<512xf32, #tpu.memory_space<vmem>>[vector<16xi32>], vector<16xf32>,
    %add3A_315 = arith.addf %add3A_310, %gather3A_314 : vector<16xf32>
    %add3A_316 = arith.constant 9 : i32
    %add3A_317 = vector.broadcast %add3A_316 : i32 to vector<16xi32>
    %add3A_318 = arith.addi %mul3A_270, %add3A_317 : vector<16xi32>
    %gather3A_319 = tpu.vector_load_idx %arg10[%add3A_318] : memref<512xf32, #tpu.memory_space<vmem>>[vector<16xi32>], vector<16xf32>,
    %add3A_320 = arith.addf %add3A_315, %gather3A_319 : vector<16xf32>
    %add3A_321 = arith.constant 10 : i32
    %add3A_322 = vector.broadcast %add3A_321 : i32 to vector<16xi32>
    %add3A_323 = arith.addi %mul3A_270, %add3A_322 : vector<16xi32>
    %gather3A_324 = tpu.vector_load_idx %arg10[%add3A_323] : memref<512xf32, #tpu.memory_space<vmem>>[vector<16xi32>], vector<16xf32>,
    %add3A_325 = arith.addf %add3A_320, %gather3A_324 : vector<16xf32>
    %add3A_326 = arith.constant 11 : i32
    %add3A_327 = vector.broadcast %add3A_326 : i32 to vector<16xi32>
    %add3A_328 = arith.addi %mul3A_270, %add3A_327 : vector<16xi32>
    %gather3A_329 = tpu.vector_load_idx %arg10[%add3A_328] : memref<512xf32, #tpu.memory_space<vmem>>[vector<16xi32>], vector<16xf32>,
    %add3A_330 = arith.addf %add3A_325, %gather3A_329 : vector<16xf32>
    %add3A_331 = arith.constant 12 : i32
    %add3A_332 = vector.broadcast %add3A_331 : i32 to vector<16xi32>
    %add3A_333 = arith.addi %mul3A_270, %add3A_332 : vector<16xi32>
    %gather3A_334 = tpu.vector_load_idx %arg10[%add3A_333] : memref<512xf32, #tpu.memory_space<vmem>>[vector<16xi32>], vector<16xf32>,
    %add3A_335 = arith.addf %add3A_330, %gather3A_334 : vector<16xf32>
    %add3A_336 = arith.constant 13 : i32
    %add3A_337 = vector.broadcast %add3A_336 : i32 to vector<16xi32>
    %add3A_338 = arith.addi %mul3A_270, %add3A_337 : vector<16xi32>
    %gather3A_339 = tpu.vector_load_idx %arg10[%add3A_338] : memref<512xf32, #tpu.memory_space<vmem>>[vector<16xi32>], vector<16xf32>,
    %add3A_340 = arith.addf %add3A_335, %gather3A_339 : vector<16xf32>
    %add3A_341 = arith.constant 14 : i32
    %add3A_342 = vector.broadcast %add3A_341 : i32 to vector<16xi32>
    %add3A_343 = arith.addi %mul3A_270, %add3A_342 : vector<16xi32>
    %gather3A_344 = tpu.vector_load_idx %arg10[%add3A_343] : memref<512xf32, #tpu.memory_space<vmem>>[vector<16xi32>], vector<16xf32>,
    %add3A_345 = arith.addf %add3A_340, %gather3A_344 : vector<16xf32>
    %add3A_346 = arith.constant 15 : i32
    %add3A_347 = vector.broadcast %add3A_346 : i32 to vector<16xi32>
    %add3A_348 = arith.addi %mul3A_270, %add3A_347 : vector<16xi32>
    %gather3A_349 = tpu.vector_load_idx %arg10[%add3A_348] : memref<512xf32, #tpu.memory_space<vmem>>[vector<16xi32>], vector<16xf32>,
    %add3A_350 = arith.addf %add3A_345, %gather3A_349 : vector<16xf32>
    %swap3A_351 = arith.constant 16 : index
    %swap3A_352 = tpu.vector_load %arg12[%swap3A_351] {strides = array<i32>} : memref<128xf32, #tpu.memory_space<vmem>>, vector<16xf32>,
    tpu.vector_store %arg12[%swap3A_351], %add3A_350 {strides = array<i32>} : memref<128xf32, #tpu.memory_space<vmem>>, vector<16xf32>,
    %swap3A_353 = arith.constant 64 : index
    %swap3A_354 = tpu.vector_load %arg12[%swap3A_353] {strides = array<i32>} : memref<128xf32, #tpu.memory_space<vmem>>, vector<16xf32>,
    tpu.vector_store %arg12[%swap3A_353], %cond3A_161#0 {strides = array<i32>} : memref<128xf32, #tpu.memory_space<vmem>>, vector<16xf32>,
    %swap3A_355 = arith.constant 80 : index
    %swap3A_356 = tpu.vector_load %arg12[%swap3A_355] {strides = array<i32>} : memref<128xf32, #tpu.memory_space<vmem>>, vector<16xf32>,
    tpu.vector_store %arg12[%swap3A_355], %cond3A_161#1 {strides = array<i32>} : memref<128xf32, #tpu.memory_space<vmem>>, vector<16xf32>,
    "tpu.region"() ({
      %run_scoped3A = tpu.sem_alloc : memref<!tpu.dma_semaphore, #tpu.memory_space<semaphore_mem>>
      %dma_start3A_549 = arith.constant 0 : i32
      %dma_start3A_550 = tpu.memref_slice %arg4[%add3A, %dma_start3A_549] : memref<32x128xf32, #tpu.memory_space<hbm>> -> memref<1x128xf32, #tpu.memory_space<hbm>>
      %dma_start3A_551 = tpu.memref_squeeze %dma_start3A_550 : memref<1x128xf32, #tpu.memory_space<hbm>> -> memref<128xf32, #tpu.memory_space<hbm>>
      %dma_start3A_552 = arith.constant 0 : i32
      %dma_start3A_553 = tpu.memref_slice %arg4[%add3A, %dma_start3A_552] : memref<32x128xf32, #tpu.memory_space<hbm>> -> memref<1x128xf32, #tpu.memory_space<hbm>>
      %dma_start3A_554 = tpu.memref_squeeze %dma_start3A_553 : memref<1x128xf32, #tpu.memory_space<hbm>> -> memref<128xf32, #tpu.memory_space<hbm>>
      tpu.enqueue_dma source(%arg12 : memref<128xf32, #tpu.memory_space<vmem>>) target(%dma_start3A_554 : memref<128xf32, #tpu.memory_space<hbm>>) target_semaphore(%run_scoped3A : memref<!tpu.dma_semaphore, #tpu.memory_space<semaphore_mem>>)
      %dma_wait3A = arith.constant 0 : i32
      %dma_wait3A_555 = tpu.memref_slice %arg4[%add3A, %dma_wait3A] : memref<32x128xf32, #tpu.memory_space<hbm>> -> memref<1x128xf32, #tpu.memory_space<hbm>>
      %dma_wait3A_556 = tpu.memref_squeeze %dma_wait3A_555 : memref<1x128xf32, #tpu.memory_space<hbm>> -> memref<128xf32, #tpu.memory_space<hbm>>
      %dma_wait3A_557 = arith.constant 0 : i32
      %dma_wait3A_558 = tpu.memref_slice %arg4[%add3A, %dma_wait3A_557] : memref<32x128xf32, #tpu.memory_space<hbm>> -> memref<1x128xf32, #tpu.memory_space<hbm>>
      %dma_wait3A_559 = tpu.memref_squeeze %dma_wait3A_558 : memref<1x128xf32, #tpu.memory_space<hbm>> -> memref<128xf32, #tpu.memory_space<hbm>>
      tpu.wait_dma2 semaphore(%run_scoped3A : memref<!tpu.dma_semaphore, #tpu.memory_space<semaphore_mem>>) src(%arg12 : memref<128xf32, #tpu.memory_space<vmem>>) dst(%dma_wait3A_559 : memref<128xf32, #tpu.memory_space<hbm>>)
      tpu.yield
    }) : () -> ()
    %swap3A_357 = arith.constant 0 : index
    %swap3A_358 = tpu.vector_load %arg12[%swap3A_357] {strides = array<i32>} : memref<128xf32, #tpu.memory_space<vmem>>, vector<16xf32>,
    tpu.vector_store %arg12[%swap3A_357], %broadcast_in_dim3A_2 {strides = array<i32>} : memref<128xf32, #tpu.memory_space<vmem>>, vector<16xf32>,
    %swap3A_359 = arith.constant 16 : index
    %swap3A_360 = tpu.vector_load %arg12[%swap3A_359] {strides = array<i32>} : memref<128xf32, #tpu.memory_space<vmem>>, vector<16xf32>,
    tpu.vector_store %arg12[%swap3A_359], %broadcast_in_dim3A_2 {strides = array<i32>} : memref<128xf32, #tpu.memory_space<vmem>>, vector<16xf32>,
    %swap3A_361 = arith.constant 32 : index
    %swap3A_362 = tpu.vector_load %arg12[%swap3A_361] {strides = array<i32>} : memref<128xf32, #tpu.memory_space<vmem>>, vector<16xf32>,
    tpu.vector_store %arg12[%swap3A_361], %broadcast_in_dim3A_2 {strides = array<i32>} : memref<128xf32, #tpu.memory_space<vmem>>, vector<16xf32>,
    %swap3A_363 = arith.constant 48 : index
    %swap3A_364 = tpu.vector_load %arg12[%swap3A_363] {strides = array<i32>} : memref<128xf32, #tpu.memory_space<vmem>>, vector<16xf32>,
    tpu.vector_store %arg12[%swap3A_363], %broadcast_in_dim3A_2 {strides = array<i32>} : memref<128xf32, #tpu.memory_space<vmem>>, vector<16xf32>,
    %swap3A_365 = arith.constant 64 : index
    %swap3A_366 = tpu.vector_load %arg12[%swap3A_365] {strides = array<i32>} : memref<128xf32, #tpu.memory_space<vmem>>, vector<16xf32>,
    tpu.vector_store %arg12[%swap3A_365], %broadcast_in_dim3A_2 {strides = array<i32>} : memref<128xf32, #tpu.memory_space<vmem>>, vector<16xf32>,
    %swap3A_367 = arith.constant 80 : index
    %swap3A_368 = tpu.vector_load %arg12[%swap3A_367] {strides = array<i32>} : memref<128xf32, #tpu.memory_space<vmem>>, vector<16xf32>,
    tpu.vector_store %arg12[%swap3A_367], %broadcast_in_dim3A_2 {strides = array<i32>} : memref<128xf32, #tpu.memory_space<vmem>>, vector<16xf32>,
    %swap3A_369 = arith.constant 96 : index
    %swap3A_370 = tpu.vector_load %arg12[%swap3A_369] {strides = array<i32>} : memref<128xf32, #tpu.memory_space<vmem>>, vector<16xf32>,
    tpu.vector_store %arg12[%swap3A_369], %broadcast_in_dim3A_2 {strides = array<i32>} : memref<128xf32, #tpu.memory_space<vmem>>, vector<16xf32>,
    %swap3A_371 = arith.constant 112 : index
    %swap3A_372 = tpu.vector_load %arg12[%swap3A_371] {strides = array<i32>} : memref<128xf32, #tpu.memory_space<vmem>>, vector<16xf32>,
    tpu.vector_store %arg12[%swap3A_371], %broadcast_in_dim3A_2 {strides = array<i32>} : memref<128xf32, #tpu.memory_space<vmem>>, vector<16xf32>,
    %add3A_373 = arith.constant 0 : i32
    %add3A_374 = vector.broadcast %add3A_373 : i32 to vector<16xi32>
    %add3A_375 = arith.addi %iota3A, %add3A_374 : vector<16xi32>
    %mul3A_376 = arith.constant 16 : i32
    %mul3A_377 = vector.broadcast %mul3A_376 : i32 to vector<16xi32>
    %mul3A_378 = arith.muli %add3A_375, %mul3A_377 : vector<16xi32>
    %add3A_379 = arith.constant 0 : i32
    %add3A_380 = vector.broadcast %add3A_379 : i32 to vector<16xi32>
    %add3A_381 = arith.addi %mul3A_378, %add3A_380 : vector<16xi32>
    %gather3A_382 = tpu.vector_load_idx %arg11[%add3A_381] : memref<512xf32, #tpu.memory_space<vmem>>[vector<16xi32>], vector<16xf32>,
    %add3A_383 = arith.addf %broadcast_in_dim3A_2, %gather3A_382 : vector<16xf32>
    %add3A_384 = arith.constant 1 : i32
    %add3A_385 = vector.broadcast %add3A_384 : i32 to vector<16xi32>
    %add3A_386 = arith.addi %mul3A_378, %add3A_385 : vector<16xi32>
    %gather3A_387 = tpu.vector_load_idx %arg11[%add3A_386] : memref<512xf32, #tpu.memory_space<vmem>>[vector<16xi32>], vector<16xf32>,
    %add3A_388 = arith.addf %add3A_383, %gather3A_387 : vector<16xf32>
    %add3A_389 = arith.constant 2 : i32
    %add3A_390 = vector.broadcast %add3A_389 : i32 to vector<16xi32>
    %add3A_391 = arith.addi %mul3A_378, %add3A_390 : vector<16xi32>
    %gather3A_392 = tpu.vector_load_idx %arg11[%add3A_391] : memref<512xf32, #tpu.memory_space<vmem>>[vector<16xi32>], vector<16xf32>,
    %add3A_393 = arith.addf %add3A_388, %gather3A_392 : vector<16xf32>
    %add3A_394 = arith.constant 3 : i32
    %add3A_395 = vector.broadcast %add3A_394 : i32 to vector<16xi32>
    %add3A_396 = arith.addi %mul3A_378, %add3A_395 : vector<16xi32>
    %gather3A_397 = tpu.vector_load_idx %arg11[%add3A_396] : memref<512xf32, #tpu.memory_space<vmem>>[vector<16xi32>], vector<16xf32>,
    %add3A_398 = arith.addf %add3A_393, %gather3A_397 : vector<16xf32>
    %add3A_399 = arith.constant 4 : i32
    %add3A_400 = vector.broadcast %add3A_399 : i32 to vector<16xi32>
    %add3A_401 = arith.addi %mul3A_378, %add3A_400 : vector<16xi32>
    %gather3A_402 = tpu.vector_load_idx %arg11[%add3A_401] : memref<512xf32, #tpu.memory_space<vmem>>[vector<16xi32>], vector<16xf32>,
    %add3A_403 = arith.addf %add3A_398, %gather3A_402 : vector<16xf32>
    %add3A_404 = arith.constant 5 : i32
    %add3A_405 = vector.broadcast %add3A_404 : i32 to vector<16xi32>
    %add3A_406 = arith.addi %mul3A_378, %add3A_405 : vector<16xi32>
    %gather3A_407 = tpu.vector_load_idx %arg11[%add3A_406] : memref<512xf32, #tpu.memory_space<vmem>>[vector<16xi32>], vector<16xf32>,
    %add3A_408 = arith.addf %add3A_403, %gather3A_407 : vector<16xf32>
    %add3A_409 = arith.constant 6 : i32
    %add3A_410 = vector.broadcast %add3A_409 : i32 to vector<16xi32>
    %add3A_411 = arith.addi %mul3A_378, %add3A_410 : vector<16xi32>
    %gather3A_412 = tpu.vector_load_idx %arg11[%add3A_411] : memref<512xf32, #tpu.memory_space<vmem>>[vector<16xi32>], vector<16xf32>,
    %add3A_413 = arith.addf %add3A_408, %gather3A_412 : vector<16xf32>
    %add3A_414 = arith.constant 7 : i32
    %add3A_415 = vector.broadcast %add3A_414 : i32 to vector<16xi32>
    %add3A_416 = arith.addi %mul3A_378, %add3A_415 : vector<16xi32>
    %gather3A_417 = tpu.vector_load_idx %arg11[%add3A_416] : memref<512xf32, #tpu.memory_space<vmem>>[vector<16xi32>], vector<16xf32>,
    %add3A_418 = arith.addf %add3A_413, %gather3A_417 : vector<16xf32>
    %add3A_419 = arith.constant 8 : i32
    %add3A_420 = vector.broadcast %add3A_419 : i32 to vector<16xi32>
    %add3A_421 = arith.addi %mul3A_378, %add3A_420 : vector<16xi32>
    %gather3A_422 = tpu.vector_load_idx %arg11[%add3A_421] : memref<512xf32, #tpu.memory_space<vmem>>[vector<16xi32>], vector<16xf32>,
    %add3A_423 = arith.addf %add3A_418, %gather3A_422 : vector<16xf32>
    %add3A_424 = arith.constant 9 : i32
    %add3A_425 = vector.broadcast %add3A_424 : i32 to vector<16xi32>
    %add3A_426 = arith.addi %mul3A_378, %add3A_425 : vector<16xi32>
    %gather3A_427 = tpu.vector_load_idx %arg11[%add3A_426] : memref<512xf32, #tpu.memory_space<vmem>>[vector<16xi32>], vector<16xf32>,
    %add3A_428 = arith.addf %add3A_423, %gather3A_427 : vector<16xf32>
    %add3A_429 = arith.constant 10 : i32
    %add3A_430 = vector.broadcast %add3A_429 : i32 to vector<16xi32>
    %add3A_431 = arith.addi %mul3A_378, %add3A_430 : vector<16xi32>
    %gather3A_432 = tpu.vector_load_idx %arg11[%add3A_431] : memref<512xf32, #tpu.memory_space<vmem>>[vector<16xi32>], vector<16xf32>,
    %add3A_433 = arith.addf %add3A_428, %gather3A_432 : vector<16xf32>
    %add3A_434 = arith.constant 11 : i32
    %add3A_435 = vector.broadcast %add3A_434 : i32 to vector<16xi32>
    %add3A_436 = arith.addi %mul3A_378, %add3A_435 : vector<16xi32>
    %gather3A_437 = tpu.vector_load_idx %arg11[%add3A_436] : memref<512xf32, #tpu.memory_space<vmem>>[vector<16xi32>], vector<16xf32>,
    %add3A_438 = arith.addf %add3A_433, %gather3A_437 : vector<16xf32>
    %add3A_439 = arith.constant 12 : i32
    %add3A_440 = vector.broadcast %add3A_439 : i32 to vector<16xi32>
    %add3A_441 = arith.addi %mul3A_378, %add3A_440 : vector<16xi32>
    %gather3A_442 = tpu.vector_load_idx %arg11[%add3A_441] : memref<512xf32, #tpu.memory_space<vmem>>[vector<16xi32>], vector<16xf32>,
    %add3A_443 = arith.addf %add3A_438, %gather3A_442 : vector<16xf32>
    %add3A_444 = arith.constant 13 : i32
    %add3A_445 = vector.broadcast %add3A_444 : i32 to vector<16xi32>
    %add3A_446 = arith.addi %mul3A_378, %add3A_445 : vector<16xi32>
    %gather3A_447 = tpu.vector_load_idx %arg11[%add3A_446] : memref<512xf32, #tpu.memory_space<vmem>>[vector<16xi32>], vector<16xf32>,
    %add3A_448 = arith.addf %add3A_443, %gather3A_447 : vector<16xf32>
    %add3A_449 = arith.constant 14 : i32
    %add3A_450 = vector.broadcast %add3A_449 : i32 to vector<16xi32>
    %add3A_451 = arith.addi %mul3A_378, %add3A_450 : vector<16xi32>
    %gather3A_452 = tpu.vector_load_idx %arg11[%add3A_451] : memref<512xf32, #tpu.memory_space<vmem>>[vector<16xi32>], vector<16xf32>,
    %add3A_453 = arith.addf %add3A_448, %gather3A_452 : vector<16xf32>
    %add3A_454 = arith.constant 15 : i32
    %add3A_455 = vector.broadcast %add3A_454 : i32 to vector<16xi32>
    %add3A_456 = arith.addi %mul3A_378, %add3A_455 : vector<16xi32>
    %gather3A_457 = tpu.vector_load_idx %arg11[%add3A_456] : memref<512xf32, #tpu.memory_space<vmem>>[vector<16xi32>], vector<16xf32>,
    %add3A_458 = arith.addf %add3A_453, %gather3A_457 : vector<16xf32>
    %swap3A_459 = arith.constant 0 : index
    %swap3A_460 = tpu.vector_load %arg12[%swap3A_459] {strides = array<i32>} : memref<128xf32, #tpu.memory_space<vmem>>, vector<16xf32>,
    tpu.vector_store %arg12[%swap3A_459], %add3A_458 {strides = array<i32>} : memref<128xf32, #tpu.memory_space<vmem>>, vector<16xf32>,
    %add3A_461 = arith.constant 16 : i32
    %add3A_462 = vector.broadcast %add3A_461 : i32 to vector<16xi32>
    %add3A_463 = arith.addi %iota3A, %add3A_462 : vector<16xi32>
    %mul3A_464 = arith.constant 16 : i32
    %mul3A_465 = vector.broadcast %mul3A_464 : i32 to vector<16xi32>
    %mul3A_466 = arith.muli %add3A_463, %mul3A_465 : vector<16xi32>
    %add3A_467 = arith.constant 0 : i32
    %add3A_468 = vector.broadcast %add3A_467 : i32 to vector<16xi32>
    %add3A_469 = arith.addi %mul3A_466, %add3A_468 : vector<16xi32>
    %gather3A_470 = tpu.vector_load_idx %arg11[%add3A_469] : memref<512xf32, #tpu.memory_space<vmem>>[vector<16xi32>], vector<16xf32>,
    %add3A_471 = arith.addf %broadcast_in_dim3A_2, %gather3A_470 : vector<16xf32>
    %add3A_472 = arith.constant 1 : i32
    %add3A_473 = vector.broadcast %add3A_472 : i32 to vector<16xi32>
    %add3A_474 = arith.addi %mul3A_466, %add3A_473 : vector<16xi32>
    %gather3A_475 = tpu.vector_load_idx %arg11[%add3A_474] : memref<512xf32, #tpu.memory_space<vmem>>[vector<16xi32>], vector<16xf32>,
    %add3A_476 = arith.addf %add3A_471, %gather3A_475 : vector<16xf32>
    %add3A_477 = arith.constant 2 : i32
    %add3A_478 = vector.broadcast %add3A_477 : i32 to vector<16xi32>
    %add3A_479 = arith.addi %mul3A_466, %add3A_478 : vector<16xi32>
    %gather3A_480 = tpu.vector_load_idx %arg11[%add3A_479] : memref<512xf32, #tpu.memory_space<vmem>>[vector<16xi32>], vector<16xf32>,
    %add3A_481 = arith.addf %add3A_476, %gather3A_480 : vector<16xf32>
    %add3A_482 = arith.constant 3 : i32
    %add3A_483 = vector.broadcast %add3A_482 : i32 to vector<16xi32>
    %add3A_484 = arith.addi %mul3A_466, %add3A_483 : vector<16xi32>
    %gather3A_485 = tpu.vector_load_idx %arg11[%add3A_484] : memref<512xf32, #tpu.memory_space<vmem>>[vector<16xi32>], vector<16xf32>,
    %add3A_486 = arith.addf %add3A_481, %gather3A_485 : vector<16xf32>
    %add3A_487 = arith.constant 4 : i32
    %add3A_488 = vector.broadcast %add3A_487 : i32 to vector<16xi32>
    %add3A_489 = arith.addi %mul3A_466, %add3A_488 : vector<16xi32>
    %gather3A_490 = tpu.vector_load_idx %arg11[%add3A_489] : memref<512xf32, #tpu.memory_space<vmem>>[vector<16xi32>], vector<16xf32>,
    %add3A_491 = arith.addf %add3A_486, %gather3A_490 : vector<16xf32>
    %add3A_492 = arith.constant 5 : i32
    %add3A_493 = vector.broadcast %add3A_492 : i32 to vector<16xi32>
    %add3A_494 = arith.addi %mul3A_466, %add3A_493 : vector<16xi32>
    %gather3A_495 = tpu.vector_load_idx %arg11[%add3A_494] : memref<512xf32, #tpu.memory_space<vmem>>[vector<16xi32>], vector<16xf32>,
    %add3A_496 = arith.addf %add3A_491, %gather3A_495 : vector<16xf32>
    %add3A_497 = arith.constant 6 : i32
    %add3A_498 = vector.broadcast %add3A_497 : i32 to vector<16xi32>
    %add3A_499 = arith.addi %mul3A_466, %add3A_498 : vector<16xi32>
    %gather3A_500 = tpu.vector_load_idx %arg11[%add3A_499] : memref<512xf32, #tpu.memory_space<vmem>>[vector<16xi32>], vector<16xf32>,
    %add3A_501 = arith.addf %add3A_496, %gather3A_500 : vector<16xf32>
    %add3A_502 = arith.constant 7 : i32
    %add3A_503 = vector.broadcast %add3A_502 : i32 to vector<16xi32>
    %add3A_504 = arith.addi %mul3A_466, %add3A_503 : vector<16xi32>
    %gather3A_505 = tpu.vector_load_idx %arg11[%add3A_504] : memref<512xf32, #tpu.memory_space<vmem>>[vector<16xi32>], vector<16xf32>,
    %add3A_506 = arith.addf %add3A_501, %gather3A_505 : vector<16xf32>
    %add3A_507 = arith.constant 8 : i32
    %add3A_508 = vector.broadcast %add3A_507 : i32 to vector<16xi32>
    %add3A_509 = arith.addi %mul3A_466, %add3A_508 : vector<16xi32>
    %gather3A_510 = tpu.vector_load_idx %arg11[%add3A_509] : memref<512xf32, #tpu.memory_space<vmem>>[vector<16xi32>], vector<16xf32>,
    %add3A_511 = arith.addf %add3A_506, %gather3A_510 : vector<16xf32>
    %add3A_512 = arith.constant 9 : i32
    %add3A_513 = vector.broadcast %add3A_512 : i32 to vector<16xi32>
    %add3A_514 = arith.addi %mul3A_466, %add3A_513 : vector<16xi32>
    %gather3A_515 = tpu.vector_load_idx %arg11[%add3A_514] : memref<512xf32, #tpu.memory_space<vmem>>[vector<16xi32>], vector<16xf32>,
    %add3A_516 = arith.addf %add3A_511, %gather3A_515 : vector<16xf32>
    %add3A_517 = arith.constant 10 : i32
    %add3A_518 = vector.broadcast %add3A_517 : i32 to vector<16xi32>
    %add3A_519 = arith.addi %mul3A_466, %add3A_518 : vector<16xi32>
    %gather3A_520 = tpu.vector_load_idx %arg11[%add3A_519] : memref<512xf32, #tpu.memory_space<vmem>>[vector<16xi32>], vector<16xf32>,
    %add3A_521 = arith.addf %add3A_516, %gather3A_520 : vector<16xf32>
    %add3A_522 = arith.constant 11 : i32
    %add3A_523 = vector.broadcast %add3A_522 : i32 to vector<16xi32>
    %add3A_524 = arith.addi %mul3A_466, %add3A_523 : vector<16xi32>
    %gather3A_525 = tpu.vector_load_idx %arg11[%add3A_524] : memref<512xf32, #tpu.memory_space<vmem>>[vector<16xi32>], vector<16xf32>,
    %add3A_526 = arith.addf %add3A_521, %gather3A_525 : vector<16xf32>
    %add3A_527 = arith.constant 12 : i32
    %add3A_528 = vector.broadcast %add3A_527 : i32 to vector<16xi32>
    %add3A_529 = arith.addi %mul3A_466, %add3A_528 : vector<16xi32>
    %gather3A_530 = tpu.vector_load_idx %arg11[%add3A_529] : memref<512xf32, #tpu.memory_space<vmem>>[vector<16xi32>], vector<16xf32>,
    %add3A_531 = arith.addf %add3A_526, %gather3A_530 : vector<16xf32>
    %add3A_532 = arith.constant 13 : i32
    %add3A_533 = vector.broadcast %add3A_532 : i32 to vector<16xi32>
    %add3A_534 = arith.addi %mul3A_466, %add3A_533 : vector<16xi32>
    %gather3A_535 = tpu.vector_load_idx %arg11[%add3A_534] : memref<512xf32, #tpu.memory_space<vmem>>[vector<16xi32>], vector<16xf32>,
    %add3A_536 = arith.addf %add3A_531, %gather3A_535 : vector<16xf32>
    %add3A_537 = arith.constant 14 : i32
    %add3A_538 = vector.broadcast %add3A_537 : i32 to vector<16xi32>
    %add3A_539 = arith.addi %mul3A_466, %add3A_538 : vector<16xi32>
    %gather3A_540 = tpu.vector_load_idx %arg11[%add3A_539] : memref<512xf32, #tpu.memory_space<vmem>>[vector<16xi32>], vector<16xf32>,
    %add3A_541 = arith.addf %add3A_536, %gather3A_540 : vector<16xf32>
    %add3A_542 = arith.constant 15 : i32
    %add3A_543 = vector.broadcast %add3A_542 : i32 to vector<16xi32>
    %add3A_544 = arith.addi %mul3A_466, %add3A_543 : vector<16xi32>
    %gather3A_545 = tpu.vector_load_idx %arg11[%add3A_544] : memref<512xf32, #tpu.memory_space<vmem>>[vector<16xi32>], vector<16xf32>,
    %add3A_546 = arith.addf %add3A_541, %gather3A_545 : vector<16xf32>
    %swap3A_547 = arith.constant 16 : index
    %swap3A_548 = tpu.vector_load %arg12[%swap3A_547] {strides = array<i32>} : memref<128xf32, #tpu.memory_space<vmem>>, vector<16xf32>,
    tpu.vector_store %arg12[%swap3A_547], %add3A_546 {strides = array<i32>} : memref<128xf32, #tpu.memory_space<vmem>>, vector<16xf32>,
    "tpu.region"() ({
      %run_scoped3A = tpu.sem_alloc : memref<!tpu.dma_semaphore, #tpu.memory_space<semaphore_mem>>
      %dma_start3A_549 = arith.constant 0 : i32
      %dma_start3A_550 = tpu.memref_slice %arg5[%add3A, %dma_start3A_549] : memref<32x128xf32, #tpu.memory_space<hbm>> -> memref<1x128xf32, #tpu.memory_space<hbm>>
      %dma_start3A_551 = tpu.memref_squeeze %dma_start3A_550 : memref<1x128xf32, #tpu.memory_space<hbm>> -> memref<128xf32, #tpu.memory_space<hbm>>
      %dma_start3A_552 = arith.constant 0 : i32
      %dma_start3A_553 = tpu.memref_slice %arg5[%add3A, %dma_start3A_552] : memref<32x128xf32, #tpu.memory_space<hbm>> -> memref<1x128xf32, #tpu.memory_space<hbm>>
      %dma_start3A_554 = tpu.memref_squeeze %dma_start3A_553 : memref<1x128xf32, #tpu.memory_space<hbm>> -> memref<128xf32, #tpu.memory_space<hbm>>
      tpu.enqueue_dma source(%arg12 : memref<128xf32, #tpu.memory_space<vmem>>) target(%dma_start3A_554 : memref<128xf32, #tpu.memory_space<hbm>>) target_semaphore(%run_scoped3A : memref<!tpu.dma_semaphore, #tpu.memory_space<semaphore_mem>>)
      %dma_wait3A = arith.constant 0 : i32
      %dma_wait3A_555 = tpu.memref_slice %arg5[%add3A, %dma_wait3A] : memref<32x128xf32, #tpu.memory_space<hbm>> -> memref<1x128xf32, #tpu.memory_space<hbm>>
      %dma_wait3A_556 = tpu.memref_squeeze %dma_wait3A_555 : memref<1x128xf32, #tpu.memory_space<hbm>> -> memref<128xf32, #tpu.memory_space<hbm>>
      %dma_wait3A_557 = arith.constant 0 : i32
      %dma_wait3A_558 = tpu.memref_slice %arg5[%add3A, %dma_wait3A_557] : memref<32x128xf32, #tpu.memory_space<hbm>> -> memref<1x128xf32, #tpu.memory_space<hbm>>
      %dma_wait3A_559 = tpu.memref_squeeze %dma_wait3A_558 : memref<1x128xf32, #tpu.memory_space<hbm>> -> memref<128xf32, #tpu.memory_space<hbm>>
      tpu.wait_dma2 semaphore(%run_scoped3A : memref<!tpu.dma_semaphore, #tpu.memory_space<semaphore_mem>>) src(%arg12 : memref<128xf32, #tpu.memory_space<vmem>>) dst(%dma_wait3A_559 : memref<128xf32, #tpu.memory_space<hbm>>)
      tpu.yield
    }) : () -> ()
    return
  }
}

module attributes {stable_mosaic.version = 14 : i64} {
  func.func @_tc_epilogue(%arg0: memref<32x128xf32, #tpu.memory_space<vmem>>, %arg1: memref<32x128xf32, #tpu.memory_space<vmem>>, %arg2: memref<8x128xf32, #tpu.memory_space<vmem>>) attributes {dimension_semantics = [], scalar_prefetch = 0 : i64, scratch_operands = 0 : i64, tpu.core_type = #tpu.core_type<tc>} {
    %get3A = arith.constant 0 : index
    %get3A_0 = arith.constant 0 : index
    %get3A_1 = vector.load %arg0[%get3A, %get3A_0] : memref<32x128xf32, #tpu.memory_space<vmem>>, vector<32x128xf32>
    %reduce_sum3A = arith.constant dense<0.000000e+00> : vector<128xf32>
    %reduce_sum3A_2 = vector.multi_reduction <add>, %get3A_1, %reduce_sum3A [0] : vector<32x128xf32> to vector<128xf32>
    %broadcast_in_dim3A = vector.shape_cast %reduce_sum3A_2 : vector<128xf32> to vector<1x128xf32>
    %get3A_3 = arith.constant 0 : index
    %get3A_4 = arith.constant 0 : index
    %get3A_5 = vector.load %arg1[%get3A_3, %get3A_4] : memref<32x128xf32, #tpu.memory_space<vmem>>, vector<32x128xf32>
    %reduce_sum3A_6 = arith.constant dense<0.000000e+00> : vector<128xf32>
    %reduce_sum3A_7 = vector.multi_reduction <add>, %get3A_5, %reduce_sum3A_6 [0] : vector<32x128xf32> to vector<128xf32>
    %broadcast_in_dim3A_8 = vector.shape_cast %reduce_sum3A_7 : vector<128xf32> to vector<1x128xf32>
    %iota3A = tpu.iota {dimensions = array<i32: 1>} : vector<1x128xi32>
    %lt3A = arith.constant 32 : i32
    %lt3A_9 = vector.broadcast %lt3A : i32 to vector<1x128xi32>
    %lt3A_10 = arith.cmpi slt, %iota3A, %lt3A_9 : vector<1x128xi32>
    %jit3A = arith.constant 0.000000e+00 : f32
    %broadcast_in_dim3A_11 = vector.broadcast %jit3A : f32 to vector<1x128xf32>
    %select_n3A = arith.select %lt3A_10, %broadcast_in_dim3A, %broadcast_in_dim3A_11 : vector<1x128xi1>, vector<1x128xf32>
    %jit3A_12 = arith.constant 0.000000e+00 : f32
    %broadcast_in_dim3A_13 = vector.broadcast %jit3A_12 : f32 to vector<1x128xf32>
    %select_n3A_14 = arith.select %lt3A_10, %broadcast_in_dim3A_8, %broadcast_in_dim3A_13 : vector<1x128xi1>, vector<1x128xf32>
    %reduce_sum3A_15 = vector.shape_cast %select_n3A : vector<1x128xf32> to vector<1x1x128xf32>
    %reduce_sum3A_16 = arith.constant dense<0.000000e+00> : vector<1xf32>
    %reduce_sum3A_17 = vector.multi_reduction <add>, %reduce_sum3A_15, %reduce_sum3A_16 [1, 2] : vector<1x1x128xf32> to vector<1xf32>
    %reduce_sum3A_18 = vector.shape_cast %reduce_sum3A_17 : vector<1xf32> to vector<1x1x1xf32>
    %reduce_sum3A_19 = vector.extract %reduce_sum3A_18[0, 0, 0] : f32 from vector<1x1x1xf32>
    %div3A = vector.broadcast %reduce_sum3A_19 : f32 to vector<1x128xf32>
    %div3A_20 = arith.divf %select_n3A, %div3A : vector<1x128xf32>
    %reduce_sum3A_21 = vector.shape_cast %select_n3A_14 : vector<1x128xf32> to vector<1x1x128xf32>
    %reduce_sum3A_22 = arith.constant dense<0.000000e+00> : vector<1xf32>
    %reduce_sum3A_23 = vector.multi_reduction <add>, %reduce_sum3A_21, %reduce_sum3A_22 [1, 2] : vector<1x1x128xf32> to vector<1xf32>
    %reduce_sum3A_24 = vector.shape_cast %reduce_sum3A_23 : vector<1xf32> to vector<1x1x1xf32>
    %reduce_sum3A_25 = vector.extract %reduce_sum3A_24[0, 0, 0] : f32 from vector<1x1x1xf32>
    %div3A_26 = vector.broadcast %reduce_sum3A_25 : f32 to vector<1x128xf32>
    %div3A_27 = arith.divf %select_n3A_14, %div3A_26 : vector<1x128xf32>
    %sub3A = arith.subf %div3A_20, %div3A_27 : vector<1x128xf32>
    %integer_pow3A = arith.mulf %sub3A, %sub3A : vector<1x128xf32>
    %add3A = arith.addf %div3A_20, %div3A_27 : vector<1x128xf32>
    %add3A_28 = arith.constant 1.000000e-10 : f32
    %add3A_29 = vector.broadcast %add3A_28 : f32 to vector<1x128xf32>
    %add3A_30 = arith.addf %add3A, %add3A_29 : vector<1x128xf32>
    %div3A_31 = arith.divf %integer_pow3A, %add3A_30 : vector<1x128xf32>
    %jit3A_32 = arith.constant 0.000000e+00 : f32
    %broadcast_in_dim3A_33 = vector.broadcast %jit3A_32 : f32 to vector<1x128xf32>
    %select_n3A_34 = arith.select %lt3A_10, %div3A_31, %broadcast_in_dim3A_33 : vector<1x128xi1>, vector<1x128xf32>
    %reduce_sum3A_35 = vector.shape_cast %select_n3A_34 : vector<1x128xf32> to vector<1x1x128xf32>
    %reduce_sum3A_36 = arith.constant dense<0.000000e+00> : vector<1xf32>
    %reduce_sum3A_37 = vector.multi_reduction <add>, %reduce_sum3A_35, %reduce_sum3A_36 [1, 2] : vector<1x1x128xf32> to vector<1xf32>
    %reduce_sum3A_38 = vector.shape_cast %reduce_sum3A_37 : vector<1xf32> to vector<1x1x1xf32>
    %reduce_sum3A_39 = vector.extract %reduce_sum3A_38[0, 0, 0] : f32 from vector<1x1x1xf32>
    %mul3A = arith.constant 5.000000e-01 : f32
    %mul3A_40 = arith.mulf %reduce_sum3A_39, %mul3A : f32
    %ge3A = arith.constant 64 : i32
    %ge3A_41 = vector.broadcast %ge3A : i32 to vector<1x128xi32>
    %ge3A_42 = arith.cmpi sge, %iota3A, %ge3A_41 : vector<1x128xi32>
    %lt3A_43 = arith.constant 80 : i32
    %lt3A_44 = vector.broadcast %lt3A_43 : i32 to vector<1x128xi32>
    %lt3A_45 = arith.cmpi slt, %iota3A, %lt3A_44 : vector<1x128xi32>
    %and3A = arith.andi %ge3A_42, %lt3A_45 : vector<1x128xi1>
    %jit3A_46 = arith.constant 0.000000e+00 : f32
    %broadcast_in_dim3A_47 = vector.broadcast %jit3A_46 : f32 to vector<1x128xf32>
    %select_n3A_48 = arith.select %and3A, %broadcast_in_dim3A, %broadcast_in_dim3A_47 : vector<1x128xi1>, vector<1x128xf32>
    %reduce_sum3A_49 = vector.shape_cast %select_n3A_48 : vector<1x128xf32> to vector<1x1x128xf32>
    %reduce_sum3A_50 = arith.constant dense<0.000000e+00> : vector<1xf32>
    %reduce_sum3A_51 = vector.multi_reduction <add>, %reduce_sum3A_49, %reduce_sum3A_50 [1, 2] : vector<1x1x128xf32> to vector<1xf32>
    %reduce_sum3A_52 = vector.shape_cast %reduce_sum3A_51 : vector<1xf32> to vector<1x1x1xf32>
    %reduce_sum3A_53 = vector.extract %reduce_sum3A_52[0, 0, 0] : f32 from vector<1x1x1xf32>
    %ge3A_54 = arith.constant 80 : i32
    %ge3A_55 = vector.broadcast %ge3A_54 : i32 to vector<1x128xi32>
    %ge3A_56 = arith.cmpi sge, %iota3A, %ge3A_55 : vector<1x128xi32>
    %lt3A_57 = arith.constant 96 : i32
    %lt3A_58 = vector.broadcast %lt3A_57 : i32 to vector<1x128xi32>
    %lt3A_59 = arith.cmpi slt, %iota3A, %lt3A_58 : vector<1x128xi32>
    %and3A_60 = arith.andi %ge3A_56, %lt3A_59 : vector<1x128xi1>
    %jit3A_61 = arith.constant 0.000000e+00 : f32
    %broadcast_in_dim3A_62 = vector.broadcast %jit3A_61 : f32 to vector<1x128xf32>
    %select_n3A_63 = arith.select %and3A_60, %broadcast_in_dim3A, %broadcast_in_dim3A_62 : vector<1x128xi1>, vector<1x128xf32>
    %reduce_sum3A_64 = vector.shape_cast %select_n3A_63 : vector<1x128xf32> to vector<1x1x128xf32>
    %reduce_sum3A_65 = arith.constant dense<0.000000e+00> : vector<1xf32>
    %reduce_sum3A_66 = vector.multi_reduction <add>, %reduce_sum3A_64, %reduce_sum3A_65 [1, 2] : vector<1x1x128xf32> to vector<1xf32>
    %reduce_sum3A_67 = vector.shape_cast %reduce_sum3A_66 : vector<1xf32> to vector<1x1x1xf32>
    %reduce_sum3A_68 = vector.extract %reduce_sum3A_67[0, 0, 0] : f32 from vector<1x1x1xf32>
    %div3A_69 = arith.constant 8.294400e+06 : f32
    %div3A_70 = arith.divf %reduce_sum3A_53, %div3A_69 : f32
    %div3A_71 = arith.constant 8.294400e+06 : f32
    %div3A_72 = arith.divf %reduce_sum3A_68, %div3A_71 : f32
    %max3A = arith.constant 9.99999997E-7 : f32
    %max3A_73 = arith.maximumf %div3A_72, %max3A : f32
    %div3A_74 = arith.divf %div3A_70, %max3A_73 : f32
    %gt3A = arith.constant 3.000000e-01 : f32
    %gt3A_75 = arith.cmpf ogt, %div3A_74, %gt3A : f32
    %gt3A_76 = arith.constant 5.000000e-01 : f32
    %gt3A_77 = arith.cmpf ogt, %mul3A_40, %gt3A_76 : f32
    %or3A = arith.ori %gt3A_75, %gt3A_77 : i1
    %jit3A_78 = arith.constant 1.000000e+00 : f32
    %jit3A_79 = arith.constant 0.000000e+00 : f32
    %select_n3A_80 = arith.select %or3A, %jit3A_78, %jit3A_79 : f32
    %eq3A = arith.constant 0 : i32
    %eq3A_81 = vector.broadcast %eq3A : i32 to vector<1x128xi32>
    %eq3A_82 = arith.cmpi eq, %iota3A, %eq3A_81 : vector<1x128xi32>
    %eq3A_83 = arith.constant 1 : i32
    %eq3A_84 = vector.broadcast %eq3A_83 : i32 to vector<1x128xi32>
    %eq3A_85 = arith.cmpi eq, %iota3A, %eq3A_84 : vector<1x128xi32>
    %eq3A_86 = arith.constant 2 : i32
    %eq3A_87 = vector.broadcast %eq3A_86 : i32 to vector<1x128xi32>
    %eq3A_88 = arith.cmpi eq, %iota3A, %eq3A_87 : vector<1x128xi32>
    %jit3A_89 = arith.constant 0.000000e+00 : f32
    %broadcast_in_dim3A_90 = vector.broadcast %mul3A_40 : f32 to vector<1x128xf32>
    %broadcast_in_dim3A_91 = vector.broadcast %jit3A_89 : f32 to vector<1x128xf32>
    %select_n3A_92 = arith.select %eq3A_88, %broadcast_in_dim3A_90, %broadcast_in_dim3A_91 : vector<1x128xi1>, vector<1x128xf32>
    %broadcast_in_dim3A_93 = vector.broadcast %div3A_74 : f32 to vector<1x128xf32>
    %select_n3A_94 = arith.select %eq3A_85, %broadcast_in_dim3A_93, %select_n3A_92 : vector<1x128xi1>, vector<1x128xf32>
    %broadcast_in_dim3A_95 = vector.broadcast %select_n3A_80 : f32 to vector<1x128xf32>
    %select_n3A_96 = arith.select %eq3A_82, %broadcast_in_dim3A_95, %select_n3A_94 : vector<1x128xi1>, vector<1x128xf32>
    %broadcast_in_dim3A_97 = vector.shape_cast %select_n3A_96 : vector<1x128xf32> to vector<1x128xf32>
    %broadcast_in_dim3A_98 = vector.broadcast %broadcast_in_dim3A_97 : vector<1x128xf32> to vector<8x128xf32>
    %swap3A = arith.constant 0 : index
    %swap3A_99 = arith.constant 0 : index
    %swap3A_100 = vector.load %arg2[%swap3A, %swap3A_99] : memref<8x128xf32, #tpu.memory_space<vmem>>, vector<8x128xf32>
    tpu.vector_store %arg2[%swap3A, %swap3A_99], %broadcast_in_dim3A_98 {strides = array<i32>} : memref<8x128xf32, #tpu.memory_space<vmem>>, vector<8x128xf32>,
    return
  }
}

</mosaic_0001>

<sc_bundles>
// kernel: kernel.4.cloned.1.call-start
scs
__scs_entry_jumppad:
0x0: {  	(pc) =	sbr.rel $0x88, $3  }
0x1: {  	(tag) =	ssettag $0x0;
	lr =	simm.s32 $0x1  }
0x2: {  	[smem:$0x3F9F] =	sst lr;
	_ =	strace $0xD0000000  }
0x3: {  	_ = 	snop  }
0x4: {  	_ = 	snop  }
0x5: {  	_ = 	snop  }
0x6: {  	_ = 	snop  }
0x7: {  	_ = 	snop  }
__scs_overlays_trampoline_lowered:
0x8: {  	[smem:$0x3FAE] =	sst s0  }
0x9: {  	[smem:$0x3FAF] =	sst s1  }
0xa: {  	[smem:$0x3FB0] =	sst s2  }
0xb: {  	[smem:$0x3FB1] =	sst s3  }
0xc: {  	[smem:$0x3FB2] =	sst s4  }
0xd: {  	[smem:$0x3FB3] =	sst s5  }
0xe: {  	[smem:$0x3FB4] =	sst s6  }
0xf: {  	[smem:$0x3FB5] =	sst s7  }
0x10: {  	[smem:$0x3FB6] =	sst s8  }
0x11: {  	[smem:$0x3FB7] =	sst s9;
	s0 =	simm.s32 @!p0 $0x0  }
0x12: {  	s1 =	sld [smem:$0x3F9D];
	s0 =	simm.s32 @p0 $0x1  }
0x13: {  	[smem:$0x3FB8] =	sst s0;
	s0 =	simm.s32 @!p1 $0x0  }
0x14: {  	s2 =	sld [smem:$0x3F9C];
	s0 =	simm.s32 @p1 $0x1  }
0x15: {  	[smem:$0x3FB9] =	sst s0;
	s0 =	simm.s32 @!p2 $0x0  }
0x16: {  	s3 =	sld [smem:$0x3FDB];
	s0 =	simm.s32 @p2 $0x1  }
0x17: {  	s4 =	simm.s32 $0x1BF5;
	[smem:$0x3FBB] =	sst s0  }
0x18: {  	s0 =	sld [smem:$0x3F9E];
	_ =	swait.ge [sflag:s4], $0x0  }
0x19: {  	s7 =	sld [smem:$0x3F9F]  }
0x1a: {  	s8 =	sadd.s32 $0xFFFFE003, lr  }
0x1b: {  	s9 =	sadd.s32 $0xFFFFFEF7, lr;
	s5 =	simm.s32 $0xFFFFFFFF;
	p2 =	slt.u32 s8, $0xFFFFF086  }
0x1c: {  	p1 =	slt.u32 s9, $0xF7A;
	s5 =	simm.s32 @!p2 $0x0  }
0x1d: {  	s5 =	simm.s32 @p1 $0x1;
	p0 =	seq.s32 s7, s2  }
0x1e: {  	s7 =	smul.u32 @!p0 $0xF7A, s2;
	p2 =	seq.s32 @!p0 s5, $0x0  }
0x1f: {  	s9 =	smul.u32 $0xF7A, s1;
	s8 =	simm.s32 @!p0 $0x1BF5;
	p2 =	por !p2, p0  }
0x20: {  	[sflag:s8] =	ssyncset.s32 @!p0 $0xFFFFF086;
	s6 =	sadd.s32 @!p0 s3, s7;
	s7 =	simm.s32 @!p0 $0x108  }
0x21: {  	s3 =	sadd.s32 s3, s9;
	s6 =	sadd.s32 @!p0 $0x88, s6;
	s7 =	simm.s32 @p2 $0x1082  }
0x22: {  	[simem:s7], [sflag:s8] =	dma.local @!p0 [hbm:s6], $0xF7A  }
0x23: {  	s9 =	sor.u32 $0xD0000000, s2;
	s6 =	simm.s32 $0x108;
	_ =	swait.ge @!p0 [sflag:s8], $0x0  }
0x24: {  	s3 =	sadd.s32 $0x88, s3;
	s6 =	simm.s32 @!p1 $0x1082;
	[sflag:s4] =	ssyncset.s32 $0xFFFFF086  }
0x25: {  	[simem:s6], [sflag:s4] =	dma.local [hbm:s3], $0xF7A  }
0x26: {  	[smem:$0x3F9F] =	sst s1;
	(tag) =	ssettag s2;
	_ =	strace s9  }
0x27: {  	s1 =	sld [smem:$0x3FAF]  }
0x28: {  	s2 =	sld [smem:$0x3FB0]  }
0x29: {  	s4 =	sld [smem:$0x3FB2]  }
0x2a: {  	p0 =	seq.s32 s5, $0x0;
	s5 =	sld [smem:$0x3FB3]  }
0x2b: {  	s6 =	sld [smem:$0x3FB4]  }
0x2c: {  	s7 =	sld [smem:$0x3FB5]  }
0x2d: {  	s3 =	simm.s32 $0x108;
	s8 =	sld [smem:$0x3FB6]  }
0x2e: {  	s3 =	simm.s32 @!p0 $0x1082;
	s9 =	sld [smem:$0x3FB7]  }
0x2f: {  	lr =	sadd.s32 s0, s3;
	s0 =	sld [smem:$0x3FAE]  }
0x30: {  	s3 =	sld [smem:$0x3FB1]  }
0x31: {  	[smem:$0x3FBA] =	sst s10  }
0x32: {  	s10 =	sld [smem:$0x3FB8];
	_ =	sdelay $0x3  }
0x33: {  	p0 =	seq.s32 s10, $0x1;
	s10 =	sld [smem:$0x3FBA];
	_ =	sdelay $0x3  }
0x34: {  	[smem:$0x3FBA] =	sst s10  }
0x35: {  	s10 =	sld [smem:$0x3FB9];
	_ =	sdelay $0x3  }
0x36: {  	p1 =	seq.s32 s10, $0x1;
	s10 =	sld [smem:$0x3FBA];
	_ =	sdelay $0x3  }
0x37: {  	[smem:$0x3FBA] =	sst s10  }
0x38: {  	s10 =	sld [smem:$0x3FBB]  }
0x39: {  	_ = 	snop;
	(pc) =	sbr.ind lr, $3  }
0x3a: {  	_ = 	snop  }
0x3b: {  	_ = 	snop  }
0x3c: {  	p2 =	seq.s32 s10, $0x1;
	s10 =	sld [smem:$0x3FBA]  }
0x3d: {  	_ =	shalt  }
0x3e: {  	_ =	shalt  }
0x3f: {  	_ =	shalt  }
0x40: {  	_ =	shalt  }
0x41: {  	_ =	shalt  }
0x42: {  	_ =	shalt  }
0x43: {  	_ =	shalt  }
0x44: {  	_ =	shalt  }
0x45: {  	_ =	shalt  }
0x46: {  	_ =	shalt  }
0x47: {  	_ =	shalt  }
0x48: {  	_ =	shalt  }
0x49: {  	_ =	shalt  }
0x4a: {  	_ =	shalt  }
0x4b: {  	_ =	shalt  }
0x4c: {  	_ =	shalt  }
0x4d: {  	_ =	shalt  }
0x4e: {  	_ =	shalt  }
0x4f: {  	_ =	shalt  }
0x50: {  	_ =	shalt  }
0x51: {  	_ =	shalt  }
0x52: {  	_ =	shalt  }
0x53: {  	_ =	shalt  }
0x54: {  	_ =	shalt  }
0x55: {  	_ =	shalt  }
0x56: {  	_ =	shalt  }
0x57: {  	_ =	shalt  }
0x58: {  	_ =	shalt  }
0x59: {  	_ =	shalt  }
0x5a: {  	_ =	shalt  }
0x5b: {  	_ =	shalt  }
0x5c: {  	_ =	shalt  }
0x5d: {  	_ =	shalt  }
0x5e: {  	_ =	shalt  }
0x5f: {  	_ =	shalt  }
0x60: {  	_ =	shalt  }
0x61: {  	_ =	shalt  }
0x62: {  	_ =	shalt  }
0x63: {  	_ =	shalt  }
0x64: {  	_ =	shalt  }
0x65: {  	_ =	shalt  }
0x66: {  	_ =	shalt  }
0x67: {  	_ =	shalt  }
0x68: {  	_ =	shalt  }
0x69: {  	_ =	shalt  }
0x6a: {  	_ =	shalt  }
0x6b: {  	_ =	shalt  }
0x6c: {  	_ =	shalt  }
0x6d: {  	_ =	shalt  }
0x6e: {  	_ =	shalt  }
0x6f: {  	_ =	shalt  }
0x70: {  	_ =	shalt  }
0x71: {  	_ =	shalt  }
0x72: {  	_ =	shalt  }
0x73: {  	_ =	shalt  }
0x74: {  	_ =	shalt  }
0x75: {  	_ =	shalt  }
0x76: {  	_ =	shalt  }
0x77: {  	_ =	shalt  }
0x78: {  	_ =	shalt  }
0x79: {  	_ =	shalt  }
0x7a: {  	_ =	shalt  }
0x7b: {  	_ =	shalt  }
0x7c: {  	_ =	shalt  }
0x7d: {  	_ =	shalt  }
0x7e: {  	_ =	shalt  }
0x7f: {  	_ =	shalt  }
0x80: {  	_ =	shalt  }
0x81: {  	_ =	shalt  }
0x82: {  	_ =	shalt  }
0x83: {  	_ =	shalt  }
0x84: {  	_ =	shalt  }
0x85: {  	_ =	shalt  }
0x86: {  	_ =	shalt  }
0x87: {  	_ =	shalt  }
.Lfunc_end0:
.L_simem_size_0:
called_computation_lowered:
.L_overlay_start_0:
0x88: {  	s2 =	sld [smem:$0x3FD9]  }
0x89: {  	s3 =	sld [smem:$0x3FFE];
	_ =	sdelay $0x1  }
0x8a: {  	s1 =	srdreg.scid  }
0x8b: {  	s0 =	sand.u32 $0x1, s1  }
0x8c: {  	s17 =	sshll.u32 s0, $0xA;
	s2 =	sadd.s32 s3, s2  }
0x8d: {  	s2 =	sadd.s32 s2, s17  }
0x8e: {  	[smem:$0x3FC6] =	sst s2  }
0x8f: {  	_ = 	snop  }
0x90: {  	s2 =	sld [smem:$0x3FC9]  }
0x91: {  	s18 =	sld [smem:$0x3FC8];
	(tm) =	ssettm $0x1  }
0x92: {  	s4 =	sld [smem:$0x3FFB];
	_ =	sdelay $0x3  }
0x93: {  	_ =	strace s4  }
0x94: {  	s4 =	sld [smem:$0x3FFC];
	_ =	sdelay $0x3  }
0x95: {  	_ =	strace s4  }
0x96: {  	s4 =	sld [smem:$0x3FFD];
	_ =	sdelay $0x3  }
0x97: {  	_ =	strace s4  }
0x98: {  	_ =	strace $0x8FFFFFFF  }
0x99: {  	s19 =	sld [smem:$0x3FDB];
	_ =	sdelay $0x1  }
0x9a: {  	s5 =	simm.s32 $_scs_section_size  }
0x9b: {  	s6 =	simm.s32 $_size__tile_overlayer_lowered;
	s7 =	simm.s32 $_tile_overlayer_lowered  }
0x9c: {  	s22 =	simm.s32 $0x1BFF;
	s21 =	sshll.u32 s7, $0x1;
	s4 =	sadd.s32 s5, s19  }
0x9d: {  	s8 =	simm.s32 $0x0;
	s20 =	sshll.u32 s6, $0x1;
	s6 =	sadd.s32 s21, s4  }
0x9e: {  	[timem:s8], [sflag:s22] =	dma.local [hbm:s6], s20  }
0x9f: {  	_ =	swait.ge [sflag:s22], s20  }
0xa0: {  	s5 =	ssub.s32 $0x0, s20;
	[sflag:s22] =	ssyncset.done $0x0  }
0xa1: {  	[sflag:s22] =	ssyncadd.s32 s5;
	_ =	sdelay $0x1  }
0xa2: {  	s23 =	simm.s32 $0x1B8B  }
0xa3: {  	_ =	swait.ge [sflag:s23], $0x1  }
0xa4: {  	[sflag:s23] =	ssyncset.done $0x0  }
0xa5: {  	s25 =	simm.s32 $0x1B8E;
	s24 =	sld [smem:$0x3FFE];
	[sflag:s23] =	ssyncadd.s32 $0xFFFFFFFF  }
0xa6: {  	s26 =	simm.s32 $execute0_lowered;
	[smem:$0x3FD2] =	sst s25  }
0xa7: {  	s6 =	sshll.u32 s26, $0x1;
	_ =	strace $0x80000046;
	[dreg:$0x1] =	wrdreg $0xFFFFFFFF  }
0xa8: {  	s28 =	simm.s32 $_size_execute0_lowered;
	s4 =	sadd.s32 s4, s6;
	[dreg:$0x0] =	wrdreg $0x0  }
0xa9: {  	s6 =	sshll.u32 s28, $0x1;
	[dreg:$0x2] =	wrdreg s4  }
0xaa: {  	[dreg:$0x3] =	wrdreg s6  }
0xab: {  	[dreg:$0x4] =	wrdreg $0xC0  }
0xac: {  	_ =	task [dreg:s8], $0x5FFFF  }
0xad: {  	[dreg:$0x1] =	wrdreg $0xFFFFFFFF  }
0xae: {  	[dreg:$0x0] =	wrdreg $0x60  }
0xaf: {  	[dreg:$0x2] =	wrdreg s2  }
0xb0: {  	[dreg:$0x3] =	wrdreg s18  }
0xb1: {  	[dreg:$0x4] =	wrdreg s24  }
0xb2: {  	[dreg:$0x5] =	wrdreg $0x9  }
0xb3: {  	_ =	task.clear_ibuf [dreg:s8], $0x6FFFF;
	_ =	strace $0x90000046  }
0xb4: {  	s29 =	simm.s32 $0x9;
	_ =	strace $0x80000048  }
0xb5: {  	_ =	swait.ge [sflag:s29], $0x1  }
0xb6: {  	[sflag:s29] =	ssyncadd.s32 $0xFFFFFFFF  }
0xb7: {  	_ =	strace $0x90000048  }
0xb8: {  	_ =	sfence  }
0xb9: {  	s30 =	sld [smem:$0x0];
	_ =	sdelay $0x2  }
0xba: {  	s31 =	sshll.u32 s1, $0xD;
	s1 =	sshrl.u32 s1, $0x2  }
0xbb: {  	s3 =	sand.u32 $0x4000, s31;
	s1 =	sadd.s32 s1, s30  }
0xbc: {  	s0 =	sor.u32 s3, s0;
	s1 =	sshll.u32 s1, $0x11  }
0xbd: {  	s0 =	sor.u32 s1, s0  }
0xbe: {  	s0 =	sadd.s32 $0x8F2B, s0  }
0xbf: {  	[sflag:s0] =	ssyncadd.remote.s32 $0x1  }
0xc0: {  	_ =	sfence.sel $0xFFFF  }
0xc1: {  	[dreg:$0x0] =	wrdreg $0xFFFFFFFF;
	(pc) =	sbr.abs _section_cstart, $3  }
0xc2: {  	[dreg:$0x1] =	wrdreg $0xFFFFFFFF  }
0xc3: {  	_ =	task.clear_ibuf [dreg:s8], $0x2FFFF;
	_ =	strace $0x9FFFFFFF  }
0xc4: {  	(tm) =	ssettm $0x7FFFFFFF  }
0xc5: {  	_ =	shalt  }
tec
execute0_lowered:
.L_overlay_start_1:
0x0: {  	(tag) =	ssettag $0x1  }
0x1: {  	s1 =	rddreg [dreg:$0x0]  }
0x2: {  	s3 =	rddreg [dreg:$0x1];
	s2 =	srdreg.scid  }
0x3: {  	s0 =	stileid.u32;
	s6 =	rddreg [dreg:$0x2];
	s4 =	simm.s32 $0x0  }
0x4: {  	s9 =	simm.s32 $0x1;
	s10 =	simm.s32 $0x783C00;
	s17 =	simm.s32 $0xF000  }
0x5: {  	s18 =	simm.s32 $0x7800;
	s19 =	simm.s32 $0x16800;
	s20 =	simm.s32 $0x3  }
0x6: {  	s21 =	simm.s32 $0x1E000;
	s22 =	simm.s32 $0x1E200;
	s23 =	simm.s32 $0x2  }
0x7: {  	s24 =	simm.s32 $0x4;
	s7 =	sand.u32 $0x1, s2;
	s5 =	sshll.u32 s0, $0x1  }
0x8: {  	s25 =	simm.s32 $0x1E400;
	s26 =	simm.s32 $0x5;
	s5 =	sor.u32 s7, s5  }
0x9: {  	[smem:$0x7FF] =	sst s4;
	p0 =	seq.s32 s7, $0x1;
	p1 =	seq.s32 s5, $0x0  }
0xa: {  	s28 =	simm.s32 $0x0;
	_ =	strace $0x80000047;
	p1 =	por !p1, !p0  }
0xb: {  	s30 =	ssub.s32 $0x2, s7;
	s8 =	sshll.u32 s5, $0x4;
	p1 =	por !p1, !p1  }
0xc: {  	s7 =	sshrl.u32 s30, $0x1;
	s31 =	smul.u32 $0xF00, s5;
	s9 =	simm.s32 @!p1 $0x0  }
0xd: {  	s10 =	simm.s32 @!p0 $0x780000;
	s15 =	sadd.s32 s8, s6;
	s9 =	ssub.s32 s0, s9  }
0xe: {  	s16 =	ssub.s32 s30, s7;
	p0 =	sgt.u32 s0, $0xD;
	s9 =	smul.u32 $0x7800, s9  }
.Ltmp0:
0xf: {  	s6 =	sadd.s32 s1, s31;
	s11 =	sadd.s32 $0x1E000, s31;
	(pc) =	sbr.rel .LBB2_1-.Ltmp0, $4  }
0x10: {  	v0 =	vlaneseq.u32;
	s7 =	sadd.s32 s3, s31;
	s14 =	sadd.s32 $0xE00, s15;
	s15 =	sadd.s32 $0x1000, s15  }
0x11: {  	v1 =	vmul.u32 $0x10, v0;
	s16 =	smax.u32 s16, $0x1;
	s8 =	sadd.s32 s1, s11;
	s12 =	sadd.s32 s9, s10  }
0x12: {  	v2 =	vimm.f32 $1.000000000e+00;
	v3 =	vimm.f32 $0.0e+00;
	s9 =	sadd.s32 s3, s11;
	s10 =	sor.u32 $0x60, s5;
	s13 =	sshrl.u32 s12, $0x3  }
0x13: {  	v4 =	vor.u32 $0x1, v1;
	v5 =	vor.u32 $0x2, v1;
	v6 =	vor.u32 $0x3, v1;
	s11 =	simm.s32 $0x1;
	s12 =	sadd.s32 s1, s13;
	s13 =	sadd.s32 s3, s13  }
.LBB2_12:
0x14: {  	[tilespmem:$0x1E400] =	vst v3  }
0x15: {  	[tilespmem:$0x1E410] =	vst v3  }
0x16: {  	[tilespmem:$0x1E420] =	vst v3  }
0x17: {  	[tilespmem:$0x1E430] =	vst v3  }
0x18: {  	[tilespmem:$0x1E440] =	vst v3  }
0x19: {  	[tilespmem:$0x1E450] =	vst v3  }
0x1a: {  	[tilespmem:$0x1E460] =	vst v3  }
0x1b: {  	[tilespmem:$0x1E470] =	vst v3  }
0x1c: {  	v8 =	vld.idx.msk [tilespmem:v1+s21+$0x0], $0xffff;
	_ =	sdelay $0x1  }
0x1d: {  	v10 =	vld.idx.msk [tilespmem:v4+s21+$0x0], $0xffff  }
0x1e: {  	v11 =	vor.u32 $0x4, v1  }
0x1f: {  	v12 =	vld.idx.msk [tilespmem:v5+s21+$0x0], $0xffff  }
0x20: {  	v13 =	vor.u32 $0x5, v1;
	v8 =	vadd.f32 $0.0e+00, v8  }
0x21: {  	v14 =	vld.idx.msk [tilespmem:v6+s21+$0x0], $0xffff  }
0x22: {  	v8 =	vadd.f32 v10, v8;
	v10 =	vor.u32 $0x6, v1  }
0x23: {  	v15 =	vld.idx.msk [tilespmem:v11+s21+$0x0], $0xffff  }
0x24: {  	v45 =	vor.u32 $0x7, v1;
	v8 =	vadd.f32 v12, v8  }
0x25: {  	v16 =	vld.idx.msk [tilespmem:v13+s21+$0x0], $0xffff  }
0x26: {  	v46 =	vor.u32 $0x8, v1;
	v8 =	vadd.f32 v14, v8  }
0x27: {  	v17 =	vld.idx.msk [tilespmem:v10+s21+$0x0], $0xffff  }
0x28: {  	v47 =	vor.u32 $0x9, v1;
	v8 =	vadd.f32 v15, v8  }
0x29: {  	v18 =	vld.idx.msk [tilespmem:v45+s21+$0x0], $0xffff  }
0x2a: {  	v48 =	vor.u32 $0xA, v1;
	v8 =	vadd.f32 v16, v8  }
0x2b: {  	v19 =	vld.idx.msk [tilespmem:v46+s21+$0x0], $0xffff  }
0x2c: {  	v49 =	vor.u32 $0xB, v1;
	v8 =	vadd.f32 v17, v8  }
0x2d: {  	v20 =	vld.idx.msk [tilespmem:v47+s21+$0x0], $0xffff  }
0x2e: {  	v50 =	vor.u32 $0xC, v1;
	v8 =	vadd.f32 v18, v8  }
0x2f: {  	v21 =	vld.idx.msk [tilespmem:v48+s21+$0x0], $0xffff  }
0x30: {  	v51 =	vor.u32 $0xD, v1;
	v8 =	vadd.f32 v19, v8  }
0x31: {  	v22 =	vld.idx.msk [tilespmem:v49+s21+$0x0], $0xffff  }
0x32: {  	v8 =	vadd.f32 v20, v8;
	v20 =	vor.u32 $0xE, v1  }
0x33: {  	v23 =	vld.idx.msk [tilespmem:v50+s21+$0x0], $0xffff  }
0x34: {  	v8 =	vadd.f32 v21, v8;
	v21 =	vor.u32 $0xF, v1  }
0x35: {  	v24 =	vld.idx.msk [tilespmem:v51+s21+$0x0], $0xffff  }
0x36: {  	v8 =	vadd.f32 v22, v8  }
0x37: {  	v52 =	vld.idx.msk [tilespmem:v20+s21+$0x0], $0xffff  }
0x38: {  	v8 =	vadd.f32 v23, v8  }
0x39: {  	v53 =	vld.idx.msk [tilespmem:v21+s21+$0x0], $0xffff  }
0x3a: {  	v8 =	vadd.f32 v24, v8;
	_ =	sdelay $0x1  }
0x3b: {  	v54 =	vor.u32 $0x100, v1;
	v8 =	vadd.f32 v52, v8;
	_ =	sdelay $0x1  }
0x3c: {  	v55 =	vor.u32 $0x101, v1;
	v8 =	vadd.f32 v53, v8;
	_ =	sdelay $0x1  }
0x3d: {  	[tilespmem:$0x1E400] =	vst v8;
	v8 =	vor.u32 $0x102, v1  }
0x3e: {  	v56 =	vld.idx.msk [tilespmem:v54+s21+$0x0], $0xffff  }
0x3f: {  	v25 =	vor.u32 $0x103, v1  }
0x40: {  	v26 =	vld.idx.msk [tilespmem:v55+s21+$0x0], $0xffff  }
0x41: {  	v27 =	vor.u32 $0x104, v1  }
0x42: {  	v28 =	vld.idx.msk [tilespmem:v8+s21+$0x0], $0xffff  }
0x43: {  	v29 =	vor.u32 $0x105, v1;
	v24 =	vadd.f32 $0.0e+00, v56  }
0x44: {  	v30 =	vld.idx.msk [tilespmem:v25+s21+$0x0], $0xffff  }
0x45: {  	v57 =	vor.u32 $0x106, v1;
	v24 =	vadd.f32 v26, v24  }
0x46: {  	v31 =	vld.idx.msk [tilespmem:v27+s21+$0x0], $0xffff  }
0x47: {  	v58 =	vor.u32 $0x107, v1;
	v24 =	vadd.f32 v28, v24  }
0x48: {  	v32 =	vld.idx.msk [tilespmem:v29+s21+$0x0], $0xffff  }
0x49: {  	v24 =	vadd.f32 v30, v24;
	v30 =	vor.u32 $0x108, v1  }
0x4a: {  	v33 =	vld.idx.msk [tilespmem:v57+s21+$0x0], $0xffff  }
0x4b: {  	v59 =	vor.u32 $0x109, v1;
	v24 =	vadd.f32 v31, v24  }
0x4c: {  	v34 =	vld.idx.msk [tilespmem:v58+s21+$0x0], $0xffff  }
0x4d: {  	v60 =	vor.u32 $0x10A, v1;
	v24 =	vadd.f32 v32, v24  }
0x4e: {  	v35 =	vld.idx.msk [tilespmem:v30+s21+$0x0], $0xffff  }
0x4f: {  	v24 =	vadd.f32 v33, v24;
	v33 =	vor.u32 $0x10B, v1  }
0x50: {  	v36 =	vld.idx.msk [tilespmem:v59+s21+$0x0], $0xffff  }
0x51: {  	v61 =	vor.u32 $0x10C, v1;
	v24 =	vadd.f32 v34, v24  }
0x52: {  	v37 =	vld.idx.msk [tilespmem:v60+s21+$0x0], $0xffff  }
0x53: {  	v24 =	vadd.f32 v35, v24;
	v35 =	vor.u32 $0x10D, v1  }
0x54: {  	v38 =	vld.idx.msk [tilespmem:v33+s21+$0x0], $0xffff  }
0x55: {  	v24 =	vadd.f32 v36, v24;
	v36 =	vor.u32 $0x10E, v1  }
0x56: {  	v39 =	vld.idx.msk [tilespmem:v61+s21+$0x0], $0xffff  }
0x57: {  	v24 =	vadd.f32 v37, v24;
	v37 =	vor.u32 $0x10F, v1  }
0x58: {  	v40 =	vld.idx.msk [tilespmem:v35+s21+$0x0], $0xffff  }
0x59: {  	v24 =	vadd.f32 v38, v24  }
0x5a: {  	v62 =	vld.idx.msk [tilespmem:v36+s21+$0x0], $0xffff  }
0x5b: {  	v24 =	vadd.f32 v39, v24  }
0x5c: {  	v63 =	vld.idx.msk [tilespmem:v37+s21+$0x0], $0xffff  }
0x5d: {  	v24 =	vadd.f32 v40, v24;
	_ =	sdelay $0x1  }
0x5e: {  	v24 =	vadd.f32 v62, v24;
	_ =	sdelay $0x1  }
0x5f: {  	[tilespmem:$0x1E440] =	vst v7;
	v24 =	vadd.f32 v63, v24  }
0x60: {  	[tilespmem:$0x1E450] =	vst v9  }
0x61: {  	[tilespmem:$0x1E410] =	vst v24  }
0x62: {  	[hbm4b:s14+s4] =	stream.linear.scatter [tilespmem:s25], [sflag:$0x5], $0x80, $0x38;
	[tilespmem:$0x1E480] =	vst v63  }
0x63: {  	_ =	swait.ge [sflag:s26], $0x80  }
0x64: {  	[sflag:s26] =	ssyncset.done $0x0  }
0x65: {  	[sflag:s26] =	ssyncadd.s32 $0xFFFFFF80  }
0x66: {  	[tilespmem:$0x1E400] =	vst v3  }
0x67: {  	[tilespmem:$0x1E410] =	vst v3  }
0x68: {  	[tilespmem:$0x1E420] =	vst v3  }
0x69: {  	[tilespmem:$0x1E430] =	vst v3  }
0x6a: {  	[tilespmem:$0x1E440] =	vst v3  }
0x6b: {  	[tilespmem:$0x1E450] =	vst v3  }
0x6c: {  	[tilespmem:$0x1E460] =	vst v3  }
0x6d: {  	[tilespmem:$0x1E470] =	vst v3  }
0x6e: {  	v7 =	vld.idx.msk [tilespmem:v1+s22+$0x0], $0xffff;
	_ =	sdelay $0x1  }
0x6f: {  	v40 =	vld.idx.msk [tilespmem:v4+s22+$0x0], $0xffff;
	_ =	sdelay $0x1  }
0x70: {  	v41 =	vld.idx.msk [tilespmem:v5+s22+$0x0], $0xffff  }
0x71: {  	v7 =	vadd.f32 $0.0e+00, v7  }
0x72: {  	v42 =	vld.idx.msk [tilespmem:v6+s22+$0x0], $0xffff  }
0x73: {  	v7 =	vadd.f32 v40, v7  }
0x74: {  	v43 =	vld.idx.msk [tilespmem:v11+s22+$0x0], $0xffff  }
0x75: {  	v7 =	vadd.f32 v41, v7  }
0x76: {  	v44 =	vld.idx.msk [tilespmem:v13+s22+$0x0], $0xffff  }
0x77: {  	v7 =	vadd.f32 v42, v7  }
0x78: {  	v10 =	vld.idx.msk [tilespmem:v10+s22+$0x0], $0xffff  }
0x79: {  	v7 =	vadd.f32 v43, v7  }
0x7a: {  	v45 =	vld.idx.msk [tilespmem:v45+s22+$0x0], $0xffff  }
0x7b: {  	v7 =	vadd.f32 v44, v7  }
0x7c: {  	v46 =	vld.idx.msk [tilespmem:v46+s22+$0x0], $0xffff  }
0x7d: {  	v7 =	vadd.f32 v10, v7  }
0x7e: {  	v47 =	vld.idx.msk [tilespmem:v47+s22+$0x0], $0xffff  }
0x7f: {  	v7 =	vadd.f32 v45, v7  }
0x80: {  	v48 =	vld.idx.msk [tilespmem:v48+s22+$0x0], $0xffff  }
0x81: {  	v7 =	vadd.f32 v46, v7  }
0x82: {  	v49 =	vld.idx.msk [tilespmem:v49+s22+$0x0], $0xffff  }
0x83: {  	v7 =	vadd.f32 v47, v7  }
0x84: {  	v50 =	vld.idx.msk [tilespmem:v50+s22+$0x0], $0xffff  }
0x85: {  	v7 =	vadd.f32 v48, v7  }
0x86: {  	v51 =	vld.idx.msk [tilespmem:v51+s22+$0x0], $0xffff  }
0x87: {  	v7 =	vadd.f32 v49, v7  }
0x88: {  	v52 =	vld.idx.msk [tilespmem:v20+s22+$0x0], $0xffff  }
0x89: {  	v7 =	vadd.f32 v50, v7  }
0x8a: {  	v53 =	vld.idx.msk [tilespmem:v21+s22+$0x0], $0xffff  }
0x8b: {  	v7 =	vadd.f32 v51, v7;
	_ =	sdelay $0x1  }
0x8c: {  	v7 =	vadd.f32 v52, v7;
	_ =	sdelay $0x1  }
0x8d: {  	v7 =	vadd.f32 v53, v7;
	_ =	sdelay $0x1  }
0x8e: {  	[tilespmem:$0x1E400] =	vst v7  }
0x8f: {  	v7 =	vld.idx.msk [tilespmem:v54+s22+$0x0], $0xffff;
	_ =	sdelay $0x1  }
0x90: {  	v54 =	vld.idx.msk [tilespmem:v55+s22+$0x0], $0xffff;
	_ =	sdelay $0x1  }
0x91: {  	v8 =	vld.idx.msk [tilespmem:v8+s22+$0x0], $0xffff  }
0x92: {  	v7 =	vadd.f32 $0.0e+00, v7  }
0x93: {  	v55 =	vld.idx.msk [tilespmem:v25+s22+$0x0], $0xffff  }
0x94: {  	v7 =	vadd.f32 v54, v7  }
0x95: {  	v56 =	vld.idx.msk [tilespmem:v27+s22+$0x0], $0xffff  }
0x96: {  	v7 =	vadd.f32 v8, v7  }
0x97: {  	v8 =	vld.idx.msk [tilespmem:v29+s22+$0x0], $0xffff  }
0x98: {  	v7 =	vadd.f32 v55, v7  }
0x99: {  	v57 =	vld.idx.msk [tilespmem:v57+s22+$0x0], $0xffff  }
0x9a: {  	v7 =	vadd.f32 v56, v7  }
0x9b: {  	v58 =	vld.idx.msk [tilespmem:v58+s22+$0x0], $0xffff  }
0x9c: {  	v7 =	vadd.f32 v8, v7  }
0x9d: {  	v8 =	vld.idx.msk [tilespmem:v30+s22+$0x0], $0xffff  }
0x9e: {  	v7 =	vadd.f32 v57, v7  }
0x9f: {  	v59 =	vld.idx.msk [tilespmem:v59+s22+$0x0], $0xffff  }
0xa0: {  	v7 =	vadd.f32 v58, v7  }
0xa1: {  	v60 =	vld.idx.msk [tilespmem:v60+s22+$0x0], $0xffff  }
0xa2: {  	v7 =	vadd.f32 v8, v7  }
0xa3: {  	v8 =	vld.idx.msk [tilespmem:v33+s22+$0x0], $0xffff  }
0xa4: {  	v7 =	vadd.f32 v59, v7  }
0xa5: {  	v61 =	vld.idx.msk [tilespmem:v61+s22+$0x0], $0xffff  }
0xa6: {  	v7 =	vadd.f32 v60, v7  }
0xa7: {  	v62 =	vld.idx.msk [tilespmem:v35+s22+$0x0], $0xffff  }
0xa8: {  	v7 =	vadd.f32 v8, v7  }
0xa9: {  	v8 =	vld.idx.msk [tilespmem:v36+s22+$0x0], $0xffff  }
0xaa: {  	v7 =	vadd.f32 v61, v7  }
0xab: {  	v63 =	vld.idx.msk [tilespmem:v37+s22+$0x0], $0xffff  }
0xac: {  	v7 =	vadd.f32 v62, v7;
	_ =	sdelay $0x1  }
0xad: {  	v7 =	vadd.f32 v8, v7;
	_ =	sdelay $0x1  }
0xae: {  	s28 =	sadd.s32 $0x1, s28;
	v7 =	vadd.f32 v63, v7  }
0xaf: {  	p1 =	sne.s32 s28, s16  }
.Ltmp1:
0xb0: {  	[tilespmem:$0x1E410] =	vst v7;
	(pc) =	sbr.rel @!p1 .LBB2_13-.Ltmp1, $4  }
0xb1: {  	[hbm4b:s15+s4] =	stream.linear.scatter [tilespmem:s25], [sflag:$0x5], $0x80, $0x38;
	[tilespmem:$0x1E480] =	vst v63  }
0xb2: {  	_ =	swait.ge [sflag:s26], $0x80  }
0xb3: {  	[sflag:s26] =	ssyncset.done $0x0  }
0xb4: {  	[sflag:s26] =	ssyncadd.s32 $0xFFFFFF80  }
.LBB2_1:
0xb5: {  	[tilespmem:$0x1E000] =	vst v3  }
0xb6: {  	[tilespmem:$0x1E200] =	vst v3  }
0xb7: {  	[tilespmem:$0x1E010] =	vst v3  }
0xb8: {  	[tilespmem:$0x1E210] =	vst v3  }
0xb9: {  	[tilespmem:$0x1E020] =	vst v3  }
0xba: {  	[tilespmem:$0x1E220] =	vst v3  }
0xbb: {  	[tilespmem:$0x1E030] =	vst v3  }
0xbc: {  	[tilespmem:$0x1E230] =	vst v3  }
0xbd: {  	[tilespmem:$0x1E040] =	vst v3  }
0xbe: {  	[tilespmem:$0x1E240] =	vst v3  }
0xbf: {  	[tilespmem:$0x1E050] =	vst v3  }
0xc0: {  	[tilespmem:$0x1E250] =	vst v3  }
0xc1: {  	[tilespmem:$0x1E060] =	vst v3  }
0xc2: {  	[tilespmem:$0x1E260] =	vst v3  }
0xc3: {  	[tilespmem:$0x1E070] =	vst v3  }
0xc4: {  	[tilespmem:$0x1E270] =	vst v3  }
0xc5: {  	[tilespmem:$0x1E080] =	vst v3  }
0xc6: {  	[tilespmem:$0x1E280] =	vst v3  }
0xc7: {  	[tilespmem:$0x1E090] =	vst v3  }
0xc8: {  	[tilespmem:$0x1E290] =	vst v3  }
0xc9: {  	[tilespmem:$0x1E0A0] =	vst v3  }
0xca: {  	[tilespmem:$0x1E2A0] =	vst v3  }
0xcb: {  	[tilespmem:$0x1E0B0] =	vst v3  }
0xcc: {  	[tilespmem:$0x1E2B0] =	vst v3  }
0xcd: {  	[tilespmem:$0x1E0C0] =	vst v3  }
0xce: {  	[tilespmem:$0x1E2C0] =	vst v3  }
0xcf: {  	[tilespmem:$0x1E0D0] =	vst v3  }
0xd0: {  	[tilespmem:$0x1E2D0] =	vst v3  }
0xd1: {  	[tilespmem:$0x1E0E0] =	vst v3  }
0xd2: {  	[tilespmem:$0x1E2E0] =	vst v3  }
0xd3: {  	[tilespmem:$0x1E0F0] =	vst v3  }
0xd4: {  	[tilespmem:$0x1E2F0] =	vst v3  }
0xd5: {  	[tilespmem:$0x1E100] =	vst v3  }
0xd6: {  	[tilespmem:$0x1E300] =	vst v3  }
0xd7: {  	[tilespmem:$0x1E110] =	vst v3  }
0xd8: {  	[tilespmem:$0x1E310] =	vst v3  }
0xd9: {  	[tilespmem:$0x1E120] =	vst v3  }
0xda: {  	[tilespmem:$0x1E320] =	vst v3  }
0xdb: {  	[tilespmem:$0x1E130] =	vst v3  }
0xdc: {  	[tilespmem:$0x1E330] =	vst v3  }
0xdd: {  	[tilespmem:$0x1E140] =	vst v3  }
0xde: {  	[tilespmem:$0x1E340] =	vst v3  }
0xdf: {  	[tilespmem:$0x1E150] =	vst v3  }
0xe0: {  	[tilespmem:$0x1E350] =	vst v3  }
0xe1: {  	[tilespmem:$0x1E160] =	vst v3  }
0xe2: {  	[tilespmem:$0x1E360] =	vst v3  }
0xe3: {  	[tilespmem:$0x1E170] =	vst v3  }
0xe4: {  	[tilespmem:$0x1E370] =	vst v3  }
0xe5: {  	[tilespmem:$0x1E180] =	vst v3  }
0xe6: {  	[tilespmem:$0x1E380] =	vst v3  }
0xe7: {  	[tilespmem:$0x1E190] =	vst v3  }
0xe8: {  	[tilespmem:$0x1E390] =	vst v3  }
0xe9: {  	[tilespmem:$0x1E1A0] =	vst v3  }
0xea: {  	[tilespmem:$0x1E3A0] =	vst v3  }
0xeb: {  	[tilespmem:$0x1E1B0] =	vst v3  }
0xec: {  	[tilespmem:$0x1E3B0] =	vst v3  }
0xed: {  	[tilespmem:$0x1E1C0] =	vst v3  }
0xee: {  	[tilespmem:$0x1E3C0] =	vst v3  }
0xef: {  	[tilespmem:$0x1E1D0] =	vst v3  }
0xf0: {  	[tilespmem:$0x1E3D0] =	vst v3  }
0xf1: {  	[tilespmem:$0x1E1E0] =	vst v3  }
0xf2: {  	[tilespmem:$0x1E3E0] =	vst v3  }
0xf3: {  	[tilespmem:$0x1E1F0] =	vst v3  }
0xf4: {  	[tilespmem:$0x1E3F0] =	vst v3  }
0xf5: {  	[tilespmem:s4], [sflag:$0x1] =	stream.linear.gather [hbm4b:s6+s4], $0x7800, $0x38;
	[tilespmem:$0x1E480] =	vst v63  }
0xf6: {  	_ = 	snop  }
0xf7: {  	[tilespmem:s17], [sflag:$0x3] =	stream.linear.gather [hbm4b:s7+s4], $0x7800, $0x38;
	[tilespmem:$0x1E480] =	vst v63  }
0xf8: {  	_ = 	snop  }
0xf9: {  	[tilespmem:s18], [sflag:$0x2] =	stream.linear.gather [hbm4b:s8+s4], $0x7800, $0x38;
	[tilespmem:$0x1E480] =	vst v63  }
0xfa: {  	s29 =	simm.s32 $0x0  }
0xfb: {  	v9 =	vimm.f32 $0.0e+00;
	v7 =	vimm.f32 $0.0e+00;
	[tilespmem:s19], [sflag:$0x4] =	stream.linear.gather [hbm4b:s9+s4], $0x7800, $0x38;
	[tilespmem:$0x1E480] =	vst v63  }
.LBB2_2:
0xfc: {  	s30 =	simm.s32 $0x0  }
0xfd: {  	s30 =	smul.u32 $0x8889, s30;
	_ =	sdelay $0x1  }
0xfe: {  	s31 =	sshrl.u32 s30, $0x17  }
0xff: {  	s31 =	smul.u32 $0xF0, s31  }
0x100: {  	_ =	swait.ge [sflag:s11], $0x7800  }
0x101: {  	[sflag:s11] =	ssyncset.done $0x0;
	s2 =	sshrl.u32 s30, $0x1A;
	s31 =	ssub.s32 $0x0, s31  }
0x102: {  	[sflag:s11] =	ssyncadd.s32 $0xFFFF8800;
	s2 =	smul.u32 $0x7800, s2;
	s31 =	sshll.u32 s31, $0x7  }
0x103: {  	_ =	swait.ge [sflag:s20], $0x7800;
	s30 =	sshrl.u32 s30, $0x10;
	s31 =	sand.u32 $0xFF80, s31  }
0x104: {  	[sflag:s20] =	ssyncset.done $0x0;
	s30 =	sand.u32 $0x380, s30;
	s2 =	sadd.s32 s31, s2  }
0x105: {  	[sflag:s20] =	ssyncadd.s32 $0xFFFF8800;
	s2 =	sor.u32 s30, s2  }
0x106: {  	v8 =	vld [tilespmem:s2+$0x0]  }
0x107: {  	v10 =	vld [tilespmem:s2+$0x10]  }
0x108: {  	v11 =	vld [tilespmem:s2+$0x20]  }
0x109: {  	v12 =	vld [tilespmem:s2+$0x30]  }
0x10a: {  	v13 =	vld [tilespmem:s2+$0x40]  }
0x10b: {  	v14 =	vld [tilespmem:s2+$0xF000]  }
0x10c: {  	v15 =	vld [tilespmem:s2+$0xF010]  }
0x10d: {  	v16 =	vld [tilespmem:s2+$0xF020]  }
0x10e: {  	v18 =	vld [tilespmem:s2+$0xF040]  }
0x10f: {  	v19 =	vld [tilespmem:s2+$0x50]  }
0x110: {  	v21 =	vld [tilespmem:s2+$0x60]  }
0x111: {  	v17 =	vld [tilespmem:s2+$0xF030]  }
0x112: {  	v20 =	vsub.f32 v8, v14;
	v22 =	vsub.f32 v10, v15  }
0x113: {  	v26 =	vsub.f32 v13, v18;
	v27 =	vadd.f32 v10, v8  }
0x114: {  	v28 =	vadd.f32 v19, v13;
	v10 =	vmul.f32 $3.100000000e+01, v10;
	v13 =	vmul.f32 $3.100000000e+01, v13  }
0x115: {  	v24 =	vsub.f32 v11, v16;
	v31 =	vmul.f32 $3.100000000e+01, v19;
	v32 =	vmul.f32 $3.100000000e+01, v21  }
0x116: {  	s30 =	simm.s32 $0x8;
	v23 =	vld [tilespmem:s2+$0x70];
	v25 =	vsub.f32 v12, v17;
	v14 =	vmul.f32 $3.100000000e+01, v14;
	v33 =	vmul.f32 $3.100000000e+01, v17  }
0x117: {  	s31 =	smul.u32 $0x8889, s30;
	v34 =	vmul.f32 $3.100000000e+01, v18;
	v20 =	vand.u32 $0x7FFFFFFF, v20;
	v22 =	vand.u32 $0x7FFFFFFF, v22  }
0x118: {  	v30 =	vld [tilespmem:s2+$0xF070];
	v24 =	vand.u32 $0x7FFFFFFF, v24;
	v35 =	vtrunc.f32 v13;
	v31 =	vtrunc.f32 v31  }
0x119: {  	s0 =	sshrl.u32 s31, $0x17;
	v25 =	vand.u32 $0x7FFFFFFF, v25;
	v32 =	vtrunc.f32 v32;
	v37 =	vtrunc.f32 v14  }
0x11a: {  	v29 =	vld [tilespmem:s2+$0xF050];
	s0 =	smul.u32 $0xF0, s0;
	v56 =	vtrunc.f32 v34;
	v20 =	vadd.f32 v22, v20;
	v22 =	vadd.f32 v12, v11  }
0x11b: {  	v24 =	vadd.f32 v25, v24;
	v25 =	vmul.f32 $3.100000000e+01, v8;
	v8 =	vadd.f32 v23, v21  }
0x11c: {  	s0 =	ssub.s32 $0x8, s0;
	v11 =	vmul.f32 $3.100000000e+01, v11;
	v12 =	vmul.f32 $3.100000000e+01, v12;
	v22 =	vadd.f32 v22, v27;
	v27 =	vld [tilespmem:s2+$0xF060];
	s2 =	sshrl.u32 s31, $0x1A  }
0x11d: {  	v17 =	vsub.f32 v23, v30;
	s0 =	sshll.u32 s0, $0x7;
	v35 =	vcvt.f32.s32 v35;
	v31 =	vcvt.f32.s32 v31;
	s2 =	smul.u32 $0x7800, s2  }
0x11e: {  	s0 =	sand.u32 $0xFF80, s0;
	v32 =	vcvt.f32.s32 v32;
	v28 =	vadd.f32 v8, v28;
	v8 =	vadd.f32 v24, v20;
	s31 =	sshrl.u32 s31, $0x10  }
0x11f: {  	v20 =	vmul.f32 $3.100000000e+01, v23;
	v24 =	vmul.f32 $3.100000000e+01, v15;
	v15 =	vsub.f32 v19, v29;
	s0 =	sadd.s32 s0, s2;
	s2 =	sand.u32 $0x380, s31  }
0x120: {  	v23 =	vtrunc.f32 v10;
	v22 =	vadd.f32 v28, v22;
	v28 =	vmul.f32 $3.100000000e+01, v16;
	s31 =	sor.u32 s2, s0  }
0x121: {  	v10 =	vand.u32 $0x7FFFFFFF, v15;
	v16 =	vsub.f32 v21, v27;
	v21 =	vtrunc.f32 v25;
	v15 =	vld [tilespmem:s31+$0x0]  }
0x122: {  	v25 =	vmul.f32 $3.100000000e+01, v30;
	v30 =	vtrunc.f32 v12;
	v12 =	vand.u32 $0x7FFFFFFF, v17;
	v17 =	vld [tilespmem:s31+$0x20]  }
0x123: {  	v26 =	vand.u32 $0x7FFFFFFF, v26;
	v23 =	vcvt.f32.s32 v23;
	v24 =	vtrunc.f32 v24;
	v18 =	vld [tilespmem:s31+$0x30]  }
0x124: {  	v36 =	vtrunc.f32 v20;
	v10 =	vadd.f32 v10, v26;
	v24 =	vcvt.f32.s32 v24;
	v20 =	vld [tilespmem:s31+$0x40]  }
0x125: {  	v38 =	vshll.u32 v23, $0x4;
	v26 =	vtrunc.f32 v28;
	v9 =	vadd.f32 v22, v9;
	v23 =	vld [tilespmem:s31+$0xF020]  }
0x126: {  	v22 =	vcvt.f32.s32 v37;
	v39 =	vshll.u32 v24, $0x4;
	v24 =	vld [tilespmem:s31+$0xF030];
	v21 =	vcvt.f32.s32 v21  }
0x127: {  	v19 =	vmul.f32 $3.100000000e+01, v29;
	v35 =	vshll.u32 v35, $0x4;
	v40 =	vcvt.f32.s32 v26;
	v26 =	vld [tilespmem:s31+$0xF040]  }
0x128: {  	v29 =	vmul.f32 $3.100000000e+01, v27;
	v37 =	vshll.u32 v22, $0x4;
	v22 =	vld [tilespmem:s31+$0xF010];
	v57 =	vshll.u32 v21, $0x4  }
0x129: {  	v27 =	vtrunc.f32 v11;
	v11 =	vand.u32 $0x7FFFFFFF, v16;
	v16 =	vld [tilespmem:s31+$0x10];
	v34 =	vor.u32 v0, v57  }
0x12a: {  	v27 =	vcvt.f32.s32 v27;
	v37 =	vor.u32 v0, v37;
	v12 =	vadd.f32 v12, v11;
	v11 =	vld [tilespmem:s31+$0x50]  }
0x12b: {  	v28 =	vtrunc.f32 v33;
	v38 =	vor.u32 v0, v38;
	v30 =	vcvt.f32.s32 v30;
	v21 =	vld [tilespmem:s31+$0xF000]  }
0x12c: {  	v39 =	vor.u32 v0, v39;
	v27 =	vshll.u32 v27, $0x4;
	v13 =	vadd.f32 v12, v10;
	v10 =	vld [tilespmem:s31+$0x60]  }
0x12d: {  	v28 =	vcvt.f32.s32 v28;
	v40 =	vshll.u32 v40, $0x4;
	v27 =	vor.u32 v0, v27;
	v12 =	vld [tilespmem:s31+$0x70]  }
0x12e: {  	v31 =	vshll.u32 v31, $0x4;
	v30 =	vshll.u32 v30, $0x4;
	v58 =	vor.u32 v0, v40;
	[tilespmem:v34+s21+$0x0] =	vst.idx.add.f32.msk $0xffff, v2  }
0x12f: {  	v33 =	vcvt.f32.s32 v56;
	v28 =	vshll.u32 v28, $0x4;
	v30 =	vor.u32 v0, v30;
	[tilespmem:v37+s22+$0x0] =	vst.idx.add.f32.msk $0xffff, v2  }
0x130: {  	v32 =	vshll.u32 v32, $0x4;
	v19 =	vtrunc.f32 v19;
	v28 =	vor.u32 v0, v28;
	[tilespmem:v38+s21+$0x0] =	vst.idx.add.f32.msk $0xffff, v2  }
0x131: {  	v35 =	vor.u32 v0, v35;
	v19 =	vcvt.f32.s32 v19;
	v33 =	vshll.u32 v33, $0x4;
	[tilespmem:v39+s22+$0x0] =	vst.idx.add.f32.msk $0xffff, v2  }
0x132: {  	v31 =	vor.u32 v0, v31;
	v29 =	vtrunc.f32 v29;
	[tilespmem:v27+s21+$0x0] =	vst.idx.add.f32.msk $0xffff, v2;
	v27 =	vor.u32 v0, v33  }
0x133: {  	v19 =	vshll.u32 v19, $0x4;
	v25 =	vtrunc.f32 v25;
	v29 =	vcvt.f32.s32 v29;
	[tilespmem:v58+s22+$0x0] =	vst.idx.add.f32.msk $0xffff, v2  }
0x134: {  	v59 =	vcvt.f32.s32 v36;
	v19 =	vor.u32 v0, v19;
	v25 =	vcvt.f32.s32 v25;
	[tilespmem:v30+s21+$0x0] =	vst.idx.add.f32.msk $0xffff, v2  }
0x135: {  	v29 =	vshll.u32 v29, $0x4;
	v62 =	vsub.f32 v18, v24;
	v30 =	vor.u32 v0, v32;
	[tilespmem:v28+s22+$0x0] =	vst.idx.add.f32.msk $0xffff, v2  }
0x136: {  	v60 =	vshll.u32 v59, $0x4;
	v61 =	vor.u32 v0, v29;
	v28 =	vsub.f32 v15, v21;
	[tilespmem:v35+s21+$0x0] =	vst.idx.add.f32.msk $0xffff, v2  }
0x137: {  	v25 =	vshll.u32 v25, $0x4;
	v29 =	vsub.f32 v16, v22;
	v32 =	vor.u32 v0, v60;
	[tilespmem:v27+s22+$0x0] =	vst.idx.add.f32.msk $0xffff, v2  }
0x138: {  	v27 =	vand.u32 $0x7FFFFFFF, v28;
	v28 =	vsub.f32 v17, v23;
	[tilespmem:v31+s21+$0x0] =	vst.idx.add.f32.msk $0xffff, v2;
	v31 =	vor.u32 v0, v25  }
0x139: {  	v63 =	vsub.f32 v20, v26;
	v14 =	vadd.f32 v16, v15;
	v25 =	vand.u32 $0x7FFFFFFF, v29;
	[tilespmem:v19+s22+$0x0] =	vst.idx.add.f32.msk $0xffff, v2  }
0x13a: {  	v29 =	vand.u32 $0x7FFFFFFF, v28;
	v25 =	vadd.f32 v25, v27;
	v28 =	vadd.f32 v18, v17;
	[tilespmem:v30+s21+$0x0] =	vst.idx.add.f32.msk $0xffff, v2  }
0x13b: {  	v19 =	vand.u32 $0x7FFFFFFF, v63;
	v27 =	vadd.f32 v11, v20;
	v30 =	vand.u32 $0x7FFFFFFF, v62;
	[tilespmem:v61+s22+$0x0] =	vst.idx.add.f32.msk $0xffff, v2  }
.LBB2_3:
0x13c: {  	s30 =	sadd.s32 $0x8, s30;
	v29 =	vadd.f32 v30, v29;
	v30 =	vadd.f32 v12, v10;
	[tilespmem:v32+s21+$0x0] =	vst.idx.add.f32.msk $0xffff, v2  }
0x13d: {  	v15 =	vmul.f32 $3.100000000e+01, v15;
	v14 =	vadd.f32 v28, v14;
	v13 =	vadd.f32 v13, v8;
	s0 =	smul.u32 $0x8889, s30;
	p1 =	slt.u32 s30, $0x778;
	[tilespmem:v31+s22+$0x0] =	vst.idx.add.f32.msk $0xffff, v2  }
0x13e: {  	v16 =	vmul.f32 $3.100000000e+01, v16;
	v17 =	vmul.f32 $3.100000000e+01, v17;
	v28 =	vld [tilespmem:s31+$0xF050];
	v8 =	vadd.f32 v29, v25  }
0x13f: {  	v18 =	vmul.f32 $3.100000000e+01, v18;
	v20 =	vmul.f32 $3.100000000e+01, v20;
	v27 =	vadd.f32 v30, v27;
	s2 =	sshrl.u32 s0, $0x17;
	v25 =	vld [tilespmem:s31+$0xF060]  }
0x140: {  	v31 =	vmul.f32 $3.100000000e+01, v10;
	v30 =	vmul.f32 $3.100000000e+01, v11;
	v7 =	vadd.f32 v13, v7;
	s2 =	smul.u32 $0xF0, s2;
	v29 =	vld [tilespmem:s31+$0xF070]  }
0x141: {  	v21 =	vmul.f32 $3.100000000e+01, v21;
	v13 =	vmul.f32 $3.100000000e+01, v12;
	v14 =	vadd.f32 v27, v14  }
0x142: {  	v22 =	vmul.f32 $3.100000000e+01, v22;
	v23 =	vmul.f32 $3.100000000e+01, v23;
	s31 =	sshrl.u32 s0, $0x1A;
	s2 =	ssub.s32 s30, s2  }
0x143: {  	v24 =	vmul.f32 $3.100000000e+01, v24;
	v26 =	vmul.f32 $3.100000000e+01, v26;
	s31 =	smul.u32 $0x7800, s31;
	s2 =	sshll.u32 s2, $0x7;
	v11 =	vsub.f32 v11, v28  }
0x144: {  	s0 =	sshrl.u32 s0, $0x10;
	v27 =	vmul.f32 $3.100000000e+01, v28;
	s2 =	sand.u32 $0xFF80, s2;
	v28 =	vmul.f32 $3.100000000e+01, v25;
	v10 =	vsub.f32 v10, v25  }
0x145: {  	s0 =	sand.u32 $0x380, s0;
	v25 =	vtrunc.f32 v15;
	s2 =	sadd.s32 s2, s31;
	v32 =	vmul.f32 $3.100000000e+01, v29;
	v12 =	vsub.f32 v12, v29  }
0x146: {  	v33 =	vtrunc.f32 v17;
	v29 =	vtrunc.f32 v16;
	v11 =	vand.u32 $0x7FFFFFFF, v11;
	s31 =	sor.u32 s0, s2  }
0x147: {  	v34 =	vtrunc.f32 v18;
	v35 =	vtrunc.f32 v20;
	v10 =	vand.u32 $0x7FFFFFFF, v10;
	v15 =	vld [tilespmem:s31+$0x0]  }
0x148: {  	v31 =	vtrunc.f32 v31;
	v30 =	vtrunc.f32 v30;
	v12 =	vand.u32 $0x7FFFFFFF, v12;
	v16 =	vld [tilespmem:s31+$0x10]  }
0x149: {  	v21 =	vtrunc.f32 v21;
	v36 =	vtrunc.f32 v13;
	v13 =	vadd.f32 v11, v19;
	v17 =	vld [tilespmem:s31+$0x20]  }
0x14a: {  	v37 =	vtrunc.f32 v23;
	v19 =	vtrunc.f32 v22;
	v10 =	vadd.f32 v12, v10;
	v18 =	vld [tilespmem:s31+$0x30]  }
0x14b: {  	v38 =	vtrunc.f32 v24;
	v39 =	vtrunc.f32 v26;
	v9 =	vadd.f32 v14, v9;
	v20 =	vld [tilespmem:s31+$0x40]  }
0x14c: {  	v22 =	vcvt.f32.s32 v25;
	v25 =	vtrunc.f32 v27;
	v13 =	vadd.f32 v10, v13;
	v11 =	vld [tilespmem:s31+$0x50]  }
0x14d: {  	v23 =	vcvt.f32.s32 v21;
	v27 =	vtrunc.f32 v28;
	v10 =	vld [tilespmem:s31+$0x60];
	v14 =	vadd.f32 v16, v15  }
0x14e: {  	v24 =	vcvt.f32.s32 v29;
	v28 =	vtrunc.f32 v32;
	v22 =	vshll.u32 v22, $0x4;
	v12 =	vld [tilespmem:s31+$0x70]  }
0x14f: {  	v23 =	vshll.u32 v23, $0x4;
	v19 =	vcvt.f32.s32 v19;
	v29 =	vor.u32 v0, v22;
	v21 =	vld [tilespmem:s31+$0xF000]  }
0x150: {  	v26 =	vcvt.f32.s32 v33;
	v32 =	vor.u32 v0, v23;
	v24 =	vshll.u32 v24, $0x4;
	v22 =	vld [tilespmem:s31+$0xF010]  }
0x151: {  	v33 =	vcvt.f32.s32 v37;
	v19 =	vshll.u32 v19, $0x4;
	v37 =	vor.u32 v0, v24;
	v23 =	vld [tilespmem:s31+$0xF020]  }
0x152: {  	v34 =	vcvt.f32.s32 v34;
	v40 =	vshll.u32 v26, $0x4;
	v19 =	vor.u32 v0, v19;
	v24 =	vld [tilespmem:s31+$0xF030]  }
0x153: {  	v38 =	vcvt.f32.s32 v38;
	v33 =	vshll.u32 v33, $0x4;
	v40 =	vor.u32 v0, v40;
	v26 =	vld [tilespmem:s31+$0xF040]  }
0x154: {  	v35 =	vcvt.f32.s32 v35;
	v34 =	vshll.u32 v34, $0x4;
	[tilespmem:v29+s21+$0x0] =	vst.idx.add.f32.msk $0xffff, v2;
	v29 =	vor.u32 v0, v33  }
0x155: {  	v33 =	vshll.u32 v38, $0x4;
	v38 =	vcvt.f32.s32 v39;
	[tilespmem:v32+s22+$0x0] =	vst.idx.add.f32.msk $0xffff, v2;
	v32 =	vor.u32 v0, v34  }
0x156: {  	v30 =	vcvt.f32.s32 v30;
	v34 =	vshll.u32 v35, $0x4;
	v33 =	vor.u32 v0, v33;
	[tilespmem:v37+s21+$0x0] =	vst.idx.add.f32.msk $0xffff, v2  }
0x157: {  	v25 =	vcvt.f32.s32 v25;
	v35 =	vshll.u32 v38, $0x4;
	[tilespmem:v19+s22+$0x0] =	vst.idx.add.f32.msk $0xffff, v2;
	v19 =	vor.u32 v0, v34  }
0x158: {  	v31 =	vcvt.f32.s32 v31;
	v30 =	vshll.u32 v30, $0x4;
	v34 =	vor.u32 v0, v35;
	[tilespmem:v40+s21+$0x0] =	vst.idx.add.f32.msk $0xffff, v2  }
0x159: {  	v27 =	vcvt.f32.s32 v27;
	v25 =	vshll.u32 v25, $0x4;
	[tilespmem:v29+s22+$0x0] =	vst.idx.add.f32.msk $0xffff, v2;
	v29 =	vor.u32 v0, v30  }
0x15a: {  	v25 =	vor.u32 v0, v25;
	v30 =	vshll.u32 v31, $0x4;
	v31 =	vcvt.f32.s32 v36;
	[tilespmem:v32+s21+$0x0] =	vst.idx.add.f32.msk $0xffff, v2  }
0x15b: {  	v28 =	vcvt.f32.s32 v28;
	v27 =	vshll.u32 v27, $0x4;
	v30 =	vor.u32 v0, v30;
	[tilespmem:v33+s22+$0x0] =	vst.idx.add.f32.msk $0xffff, v2  }
0x15c: {  	v35 =	vor.u32 v0, v27;
	v33 =	vsub.f32 v15, v21;
	v31 =	vshll.u32 v31, $0x4;
	[tilespmem:v19+s21+$0x0] =	vst.idx.add.f32.msk $0xffff, v2  }
.Ltmp2:
0x15d: {  	v27 =	vshll.u32 v28, $0x4;
	v19 =	vsub.f32 v16, v22;
	v32 =	vor.u32 v0, v31;
	[tilespmem:v34+s22+$0x0] =	vst.idx.add.f32.msk $0xffff, v2;
	(pc) =	sbr.rel @p1 .LBB2_3-.Ltmp2, $4  }
0x15e: {  	v31 =	vor.u32 v0, v27;
	v28 =	vand.u32 $0x7FFFFFFF, v33;
	v33 =	vsub.f32 v17, v23;
	[tilespmem:v29+s21+$0x0] =	vst.idx.add.f32.msk $0xffff, v2  }
0x15f: {  	v27 =	vsub.f32 v18, v24;
	v34 =	vsub.f32 v20, v26;
	v19 =	vand.u32 $0x7FFFFFFF, v19;
	[tilespmem:v25+s22+$0x0] =	vst.idx.add.f32.msk $0xffff, v2  }
0x160: {  	v29 =	vand.u32 $0x7FFFFFFF, v33;
	v25 =	vadd.f32 v19, v28;
	v28 =	vadd.f32 v18, v17;
	[tilespmem:v30+s21+$0x0] =	vst.idx.add.f32.msk $0xffff, v2  }
0x161: {  	v19 =	vand.u32 $0x7FFFFFFF, v34;
	v30 =	vand.u32 $0x7FFFFFFF, v27;
	v27 =	vadd.f32 v11, v20;
	[tilespmem:v35+s22+$0x0] =	vst.idx.add.f32.msk $0xffff, v2  }
0x162: {  	v33 =	vmul.f32 $3.100000000e+01, v15  }
0x163: {  	v34 =	vmul.f32 $3.100000000e+01, v16;
	v35 =	vmul.f32 $3.100000000e+01, v17  }
0x164: {  	v18 =	vmul.f32 $3.100000000e+01, v18;
	v20 =	vmul.f32 $3.100000000e+01, v20  }
0x165: {  	v36 =	vmul.f32 $3.100000000e+01, v11;
	v37 =	vmul.f32 $3.100000000e+01, v10  }
0x166: {  	v38 =	vmul.f32 $3.100000000e+01, v12;
	v21 =	vmul.f32 $3.100000000e+01, v21  }
0x167: {  	v22 =	vmul.f32 $3.100000000e+01, v22;
	v23 =	vmul.f32 $3.100000000e+01, v23  }
0x168: {  	v24 =	vmul.f32 $3.100000000e+01, v24;
	v26 =	vmul.f32 $3.100000000e+01, v26  }
0x169: {  	v33 =	vtrunc.f32 v33;
	v34 =	vtrunc.f32 v34  }
0x16a: {  	v35 =	vtrunc.f32 v35;
	v18 =	vtrunc.f32 v18  }
0x16b: {  	v20 =	vtrunc.f32 v20;
	v36 =	vtrunc.f32 v36  }
0x16c: {  	v37 =	vtrunc.f32 v37;
	v38 =	vtrunc.f32 v38  }
0x16d: {  	v21 =	vtrunc.f32 v21;
	v22 =	vtrunc.f32 v22  }
0x16e: {  	v23 =	vtrunc.f32 v23;
	v24 =	vtrunc.f32 v24  }
0x16f: {  	v26 =	vtrunc.f32 v26;
	v33 =	vcvt.f32.s32 v33  }
0x170: {  	v15 =	vld [tilespmem:s31+$0xF050];
	v21 =	vcvt.f32.s32 v21;
	v34 =	vcvt.f32.s32 v34  }
0x171: {  	v16 =	vld [tilespmem:s31+$0xF060];
	v22 =	vcvt.f32.s32 v22;
	v35 =	vcvt.f32.s32 v35  }
0x172: {  	v17 =	vld [tilespmem:s31+$0xF070];
	v23 =	vcvt.f32.s32 v23;
	v18 =	vcvt.f32.s32 v18  }
0x173: {  	v24 =	vcvt.f32.s32 v24;
	v20 =	vcvt.f32.s32 v20;
	v33 =	vshll.u32 v33, $0x4  }
0x174: {  	v26 =	vcvt.f32.s32 v26;
	v21 =	vshll.u32 v21, $0x4;
	v33 =	vor.u32 v0, v33  }
0x175: {  	v39 =	vmul.f32 $3.100000000e+01, v15;
	v34 =	vshll.u32 v34, $0x4;
	v21 =	vor.u32 v0, v21  }
0x176: {  	v40 =	vmul.f32 $3.100000000e+01, v16;
	v22 =	vshll.u32 v22, $0x4;
	v34 =	vor.u32 v0, v34  }
0x177: {  	[tilespmem:v32+s21+$0x0] =	vst.idx.add.f32.msk $0xffff, v2;
	v41 =	vmul.f32 $3.100000000e+01, v17;
	v56 =	vshll.u32 v35, $0x4;
	v22 =	vor.u32 v0, v22  }
0x178: {  	[tilespmem:v31+s22+$0x0] =	vst.idx.add.f32.msk $0xffff, v2;
	v23 =	vshll.u32 v23, $0x4;
	v18 =	vshll.u32 v18, $0x4;
	v31 =	vor.u32 v0, v56  }
0x179: {  	v24 =	vshll.u32 v24, $0x4;
	v20 =	vshll.u32 v20, $0x4;
	v23 =	vor.u32 v0, v23;
	[tilespmem:v33+s21+$0x0] =	vst.idx.add.f32.msk $0xffff, v2  }
0x17a: {  	v26 =	vshll.u32 v26, $0x4;
	v18 =	vor.u32 v0, v18;
	v24 =	vor.u32 v0, v24;
	[tilespmem:v21+s22+$0x0] =	vst.idx.add.f32.msk $0xffff, v2  }
0x17b: {  	v20 =	vor.u32 v0, v20;
	v39 =	vtrunc.f32 v39;
	v21 =	vcvt.f32.s32 v36;
	[tilespmem:v34+s21+$0x0] =	vst.idx.add.f32.msk $0xffff, v2  }
0x17c: {  	v26 =	vor.u32 v0, v26;
	v40 =	vtrunc.f32 v40;
	v57 =	vcvt.f32.s32 v39;
	[tilespmem:v22+s22+$0x0] =	vst.idx.add.f32.msk $0xffff, v2  }
0x17d: {  	v41 =	vtrunc.f32 v41;
	v21 =	vshll.u32 v21, $0x4;
	v22 =	vcvt.f32.s32 v37;
	[tilespmem:v31+s21+$0x0] =	vst.idx.add.f32.msk $0xffff, v2  }
0x17e: {  	v58 =	vcvt.f32.s32 v40;
	v31 =	vshll.u32 v57, $0x4;
	v21 =	vor.u32 v0, v21;
	[tilespmem:v23+s22+$0x0] =	vst.idx.add.f32.msk $0xffff, v2  }
0x17f: {  	v22 =	vshll.u32 v22, $0x4;
	v23 =	vcvt.f32.s32 v38;
	[tilespmem:v18+s21+$0x0] =	vst.idx.add.f32.msk $0xffff, v2;
	v18 =	vor.u32 v0, v31  }
0x180: {  	v59 =	vcvt.f32.s32 v41;
	v31 =	vshll.u32 v58, $0x4;
	v22 =	vor.u32 v0, v22;
	[tilespmem:v24+s22+$0x0] =	vst.idx.add.f32.msk $0xffff, v2  }
0x181: {  	v23 =	vshll.u32 v23, $0x4;
	[tilespmem:v20+s21+$0x0] =	vst.idx.add.f32.msk $0xffff, v2;
	v20 =	vor.u32 v0, v31  }
0x182: {  	s0 =	sshll.u32 s29, $0x1;
	v24 =	vshll.u32 v59, $0x4;
	v23 =	vor.u32 v0, v23;
	[tilespmem:v26+s22+$0x0] =	vst.idx.add.f32.msk $0xffff, v2  }
0x183: {  	p1 =	seq.s32 s29, $0x3;
	s0 =	sadd.s32 $0x2, s0;
	[tilespmem:v21+s21+$0x0] =	vst.idx.add.f32.msk $0xffff, v2;
	v21 =	vor.u32 v0, v24  }
0x184: {  	s2 =	sshll.u32 @!p1 s0, $0x5;
	[tilespmem:v18+s22+$0x0] =	vst.idx.add.f32.msk $0xffff, v2  }
0x185: {  	s2 =	sor.u32 @!p1 s5, s2;
	[tilespmem:v22+s21+$0x0] =	vst.idx.add.f32.msk $0xffff, v2  }
0x186: {  	s2 =	smul.u32 @!p1 $0xF00, s2;
	[tilespmem:v20+s22+$0x0] =	vst.idx.add.f32.msk $0xffff, v2  }
0x187: {  	[tilespmem:v23+s21+$0x0] =	vst.idx.add.f32.msk $0xffff, v2  }
0x188: {  	s31 =	simm.s32 @!p1 $0x0;
	p2 =	sne.s32 @!p0 s0, $0x8;
	s30 =	sadd.s32 @!p1 s1, s2;
	[tilespmem:v21+s22+$0x0] =	vst.idx.add.f32.msk $0xffff, v2  }
0x189: {  	[tilespmem:s31], [sflag:$0x1] =	stream.linear.gather @!p1 [hbm4b:s30+s31], $0x7800, $0x38;
	[tilespmem:$0x1E480] =	vst v63  }
0x18a: {  	p2 =	por p2, p0;
	s2 =	sadd.s32 @!p1 s3, s2;
	s30 =	simm.s32 @!p1 $0xF000  }
0x18b: {  	[tilespmem:s30], [sflag:$0x3] =	stream.linear.gather @!p1 [hbm4b:s2+s31], $0x7800, $0x38;
	[tilespmem:$0x1E480] =	vst v63  }
0x18c: {  	s0 =	simm.s32 @!p2 $0x0;
	s2 =	simm.s32 $0x0  }
0x18d: {  	[tilespmem:s0], [sflag:$0x1] =	stream.linear.gather @!p2 [hbm4b:s12+s0], $0x3C00, $0x38;
	[tilespmem:$0x1E480] =	vst v63  }
0x18e: {  	s30 =	simm.s32 @!p2 $0xF000;
	s2 =	smul.u32 $0x8889, s2  }
0x18f: {  	[tilespmem:s30], [sflag:$0x3] =	stream.linear.gather @!p2 [hbm4b:s13+s0], $0x3C00, $0x38;
	[tilespmem:$0x1E480] =	vst v63  }
0x190: {  	s0 =	sshrl.u32 s2, $0x17  }
0x191: {  	s0 =	smul.u32 $0xF0, s0  }
0x192: {  	_ =	swait.ge [sflag:s23], $0x7800  }
0x193: {  	s30 =	sshrl.u32 s2, $0x1A;
	[sflag:s23] =	ssyncset.done $0x0;
	s0 =	ssub.s32 $0x0, s0  }
0x194: {  	s30 =	smul.u32 $0x7800, s30;
	[sflag:s23] =	ssyncadd.s32 $0xFFFF8800;
	s0 =	sshll.u32 s0, $0x7  }
0x195: {  	s2 =	sshrl.u32 s2, $0x10;
	_ =	swait.ge [sflag:s24], $0x7800;
	s0 =	sand.u32 $0xFF80, s0  }
0x196: {  	s2 =	sand.u32 $0x380, s2;
	[sflag:s24] =	ssyncset.done $0x0;
	s0 =	sadd.s32 s0, s30  }
0x197: {  	[sflag:s24] =	ssyncadd.s32 $0xFFFF8800;
	s31 =	sor.u32 s2, s0  }
0x198: {  	v18 =	vld [tilespmem:s31+$0x7800]  }
0x199: {  	v11 =	vsub.f32 v11, v15;
	v20 =	vld [tilespmem:s31+$0x7810]  }
0x19a: {  	v16 =	vsub.f32 v10, v16;
	v17 =	vsub.f32 v12, v17;
	v21 =	vld [tilespmem:s31+$0x7820]  }
0x19b: {  	v10 =	vadd.f32 v12, v10;
	v12 =	vadd.f32 v28, v14;
	v11 =	vand.u32 $0x7FFFFFFF, v11;
	v15 =	vld [tilespmem:s31+$0x7830]  }
0x19c: {  	v16 =	vand.u32 $0x7FFFFFFF, v16;
	v17 =	vand.u32 $0x7FFFFFFF, v17;
	v11 =	vadd.f32 v11, v19;
	v23 =	vld [tilespmem:s31+$0x7840]  }
0x19d: {  	v16 =	vadd.f32 v17, v16;
	v22 =	vadd.f32 v30, v29;
	v14 =	vld [tilespmem:s31+$0x16800]  }
0x19e: {  	v8 =	vadd.f32 v13, v8;
	v10 =	vadd.f32 v10, v27;
	v24 =	vld [tilespmem:s31+$0x16810]  }
0x19f: {  	v11 =	vadd.f32 v16, v11;
	v19 =	vadd.f32 v22, v25;
	v17 =	vld [tilespmem:s31+$0x16820]  }
0x1a0: {  	v7 =	vadd.f32 v8, v7;
	v16 =	vld [tilespmem:s31+$0x16840]  }
0x1a1: {  	v8 =	vadd.f32 v10, v12;
	v10 =	vadd.f32 v11, v19;
	v11 =	vld [tilespmem:s31+$0x7850]  }
0x1a2: {  	v19 =	vld [tilespmem:s31+$0x7860]  }
0x1a3: {  	v8 =	vadd.f32 v8, v9;
	v7 =	vadd.f32 v10, v7;
	v13 =	vld [tilespmem:s31+$0x16830]  }
0x1a4: {  	v29 =	vld [tilespmem:s31+$0x16850];
	v12 =	vsub.f32 v18, v14;
	v9 =	vsub.f32 v20, v24  }
0x1a5: {  	v26 =	vsub.f32 v23, v16;
	v27 =	vadd.f32 v20, v18;
	v18 =	vmul.f32 $3.100000000e+01, v18  }
0x1a6: {  	v28 =	vadd.f32 v11, v23;
	v20 =	vmul.f32 $3.100000000e+01, v20;
	v23 =	vmul.f32 $3.100000000e+01, v23  }
0x1a7: {  	v22 =	vsub.f32 v21, v17;
	v30 =	vmul.f32 $3.100000000e+01, v11;
	v31 =	vmul.f32 $3.100000000e+01, v19  }
0x1a8: {  	v10 =	vld [tilespmem:s31+$0x7870];
	v25 =	vsub.f32 v15, v13;
	v60 =	vmul.f32 $3.100000000e+01, v14;
	v24 =	vmul.f32 $3.100000000e+01, v24  }
0x1a9: {  	s30 =	simm.s32 $0x8;
	v17 =	vmul.f32 $3.100000000e+01, v17;
	v61 =	vmul.f32 $3.100000000e+01, v16;
	v11 =	vsub.f32 v11, v29  }
0x1aa: {  	s0 =	smul.u32 $0x8889, s30;
	v29 =	vmul.f32 $3.100000000e+01, v29;
	v12 =	vand.u32 $0x7FFFFFFF, v12;
	v9 =	vand.u32 $0x7FFFFFFF, v9  }
0x1ab: {  	v22 =	vand.u32 $0x7FFFFFFF, v22;
	v25 =	vand.u32 $0x7FFFFFFF, v25;
	v26 =	vand.u32 $0x7FFFFFFF, v26  }
0x1ac: {  	s2 =	sshrl.u32 s0, $0x17;
	v18 =	vtrunc.f32 v18;
	v9 =	vadd.f32 v9, v12;
	v12 =	vadd.f32 v15, v21  }
0x1ad: {  	s2 =	smul.u32 $0xF0, s2;
	v20 =	vtrunc.f32 v20;
	v22 =	vadd.f32 v25, v22;
	v25 =	vadd.f32 v10, v19  }
0x1ae: {  	v44 =	vtrunc.f32 v23;
	v30 =	vtrunc.f32 v30;
	v12 =	vadd.f32 v12, v27;
	v27 =	vld [tilespmem:s31+$0x16860]  }
0x1af: {  	s2 =	ssub.s32 $0x8, s2;
	v31 =	vtrunc.f32 v31;
	v23 =	vtrunc.f32 v17;
	v25 =	vadd.f32 v25, v28;
	v28 =	vld [tilespmem:s31+$0x16870];
	s31 =	sshrl.u32 s0, $0x1A  }
0x1b0: {  	s2 =	sshll.u32 s2, $0x7;
	v11 =	vand.u32 $0x7FFFFFFF, v11;
	v29 =	vtrunc.f32 v29;
	v21 =	vmul.f32 $3.100000000e+01, v21;
	s31 =	smul.u32 $0x7800, s31  }
0x1b1: {  	s2 =	sand.u32 $0xFF80, s2;
	v15 =	vmul.f32 $3.100000000e+01, v15;
	v11 =	vadd.f32 v11, v26;
	v26 =	vtrunc.f32 v61;
	s0 =	sshrl.u32 s0, $0x10  }
0x1b2: {  	v47 =	vcvt.f32.s32 v20;
	v9 =	vadd.f32 v22, v9;
	v22 =	vmul.f32 $3.100000000e+01, v10;
	s0 =	sand.u32 $0x380, s0;
	s2 =	sadd.s32 s2, s31  }
0x1b3: {  	v53 =	vcvt.f32.s32 v23;
	v63 =	vtrunc.f32 v15;
	s31 =	sor.u32 s0, s2  }
0x1b4: {  	v12 =	vadd.f32 v25, v12;
	v25 =	vmul.f32 $3.100000000e+01, v13;
	v45 =	vtrunc.f32 v22;
	v13 =	vld [tilespmem:s31+$0x7800]  }
0x1b5: {  	v22 =	vtrunc.f32 v24;
	v24 =	vcvt.f32.s32 v18;
	v15 =	vld [tilespmem:s31+$0x7820]  }
0x1b6: {  	v36 =	vcvt.f32.s32 v44;
	v30 =	vcvt.f32.s32 v30;
	v16 =	vld [tilespmem:s31+$0x7830]  }
0x1b7: {  	v49 =	vcvt.f32.s32 v22;
	v8 =	vadd.f32 v12, v8;
	v24 =	vshll.u32 v24, $0x4;
	v17 =	vld [tilespmem:s31+$0x7840]  }
0x1b8: {  	v62 =	vmul.f32 $3.100000000e+01, v27;
	v14 =	vsub.f32 v19, v27;
	v27 =	vmul.f32 $3.100000000e+01, v28;
	v12 =	vld [tilespmem:s31+$0x7850]  }
0x1b9: {  	v10 =	vsub.f32 v10, v28;
	v28 =	vtrunc.f32 v21;
	v21 =	vtrunc.f32 v60;
	v20 =	vld [tilespmem:s31+$0x16800]  }
0x1ba: {  	v50 =	vor.u32 v0, v24;
	v24 =	vshll.u32 v47, $0x4;
	v22 =	vld [tilespmem:s31+$0x16820];
	v21 =	vcvt.f32.s32 v21  }
0x1bb: {  	v29 =	vcvt.f32.s32 v29;
	v31 =	vcvt.f32.s32 v31;
	v23 =	vld [tilespmem:s31+$0x16830];
	v54 =	vor.u32 v0, v24  }
0x1bc: {  	v24 =	vld [tilespmem:s31+$0x16840];
	v19 =	vand.u32 $0x7FFFFFFF, v14;
	v10 =	vand.u32 $0x7FFFFFFF, v10;
	v48 =	vshll.u32 v21, $0x4  }
0x1bd: {  	v28 =	vcvt.f32.s32 v28;
	v14 =	vld [tilespmem:s31+$0x7810];
	v10 =	vadd.f32 v10, v19;
	v51 =	vor.u32 v0, v48  }
0x1be: {  	v35 =	vcvt.f32.s32 v63;
	v25 =	vtrunc.f32 v25;
	v52 =	vshll.u32 v49, $0x4;
	v21 =	vld [tilespmem:s31+$0x16810]  }
0x1bf: {  	v34 =	vor.u32 v0, v52;
	v28 =	vshll.u32 v28, $0x4;
	v18 =	vadd.f32 v10, v11;
	v10 =	vld [tilespmem:s31+$0x7860]  }
0x1c0: {  	v38 =	vshll.u32 v53, $0x4;
	v25 =	vcvt.f32.s32 v25;
	v28 =	vor.u32 v0, v28;
	v11 =	vld [tilespmem:s31+$0x7870]  }
0x1c1: {  	v26 =	vcvt.f32.s32 v26;
	v38 =	vor.u32 v0, v38;
	v35 =	vshll.u32 v35, $0x4;
	[tilespmem:v50+s21+$0x0] =	vst.idx.add.f32.msk $0xffff, v2  }
0x1c2: {  	v56 =	vshll.u32 v36, $0x4;
	v55 =	vor.u32 v0, v35;
	v25 =	vshll.u32 v25, $0x4;
	[tilespmem:v51+s22+$0x0] =	vst.idx.add.f32.msk $0xffff, v2  }
0x1c3: {  	v30 =	vshll.u32 v30, $0x4;
	v31 =	vshll.u32 v31, $0x4;
	v25 =	vor.u32 v0, v25;
	[tilespmem:v54+s21+$0x0] =	vst.idx.add.f32.msk $0xffff, v2  }
0x1c4: {  	v26 =	vshll.u32 v26, $0x4;
	v57 =	vor.u32 v0, v56;
	v30 =	vor.u32 v0, v30;
	[tilespmem:v34+s22+$0x0] =	vst.idx.add.f32.msk $0xffff, v2  }
0x1c5: {  	v26 =	vor.u32 v0, v26;
	v58 =	vcvt.f32.s32 v45;
	v46 =	vtrunc.f32 v62;
	[tilespmem:v28+s21+$0x0] =	vst.idx.add.f32.msk $0xffff, v2  }
0x1c6: {  	v27 =	vtrunc.f32 v27;
	v28 =	vshll.u32 v29, $0x4;
	v29 =	vcvt.f32.s32 v46;
	[tilespmem:v38+s22+$0x0] =	vst.idx.add.f32.msk $0xffff, v2  }
0x1c7: {  	v27 =	vcvt.f32.s32 v27;
	v62 =	vsub.f32 v16, v23;
	v59 =	vor.u32 v0, v28;
	[tilespmem:v55+s21+$0x0] =	vst.idx.add.f32.msk $0xffff, v2  }
0x1c8: {  	v63 =	vsub.f32 v17, v24;
	v28 =	vshll.u32 v29, $0x4;
	[tilespmem:v25+s22+$0x0] =	vst.idx.add.f32.msk $0xffff, v2;
	v25 =	vor.u32 v0, v31  }
0x1c9: {  	v61 =	vsub.f32 v14, v21;
	v29 =	vshll.u32 v58, $0x4;
	v60 =	vor.u32 v0, v28;
	[tilespmem:v57+s21+$0x0] =	vst.idx.add.f32.msk $0xffff, v2  }
0x1ca: {  	v27 =	vshll.u32 v27, $0x4;
	v31 =	vsub.f32 v13, v20;
	v29 =	vor.u32 v0, v29;
	[tilespmem:v26+s22+$0x0] =	vst.idx.add.f32.msk $0xffff, v2  }
0x1cb: {  	v19 =	vadd.f32 v14, v13;
	v28 =	vor.u32 v0, v27;
	[tilespmem:v30+s21+$0x0] =	vst.idx.add.f32.msk $0xffff, v2  }
0x1cc: {  	v27 =	vand.u32 $0x7FFFFFFF, v61;
	v26 =	vand.u32 $0x7FFFFFFF, v31;
	v31 =	vsub.f32 v15, v22;
	[tilespmem:v59+s22+$0x0] =	vst.idx.add.f32.msk $0xffff, v2  }
0x1cd: {  	v32 =	vand.u32 $0x7FFFFFFF, v62;
	v26 =	vadd.f32 v27, v26;
	v30 =	vadd.f32 v16, v15;
	[tilespmem:v25+s21+$0x0] =	vst.idx.add.f32.msk $0xffff, v2  }
0x1ce: {  	v27 =	vadd.f32 v12, v17;
	v31 =	vand.u32 $0x7FFFFFFF, v31;
	v25 =	vand.u32 $0x7FFFFFFF, v63;
	[tilespmem:v60+s22+$0x0] =	vst.idx.add.f32.msk $0xffff, v2  }
.LBB2_5:
0x1cf: {  	s30 =	sadd.s32 $0x8, s30;
	v31 =	vadd.f32 v32, v31;
	v32 =	vadd.f32 v11, v10;
	[tilespmem:v29+s21+$0x0] =	vst.idx.add.f32.msk $0xffff, v2  }
0x1d0: {  	v13 =	vmul.f32 $3.100000000e+01, v13;
	v19 =	vadd.f32 v30, v19;
	v18 =	vadd.f32 v18, v9;
	s0 =	smul.u32 $0x8889, s30;
	p2 =	slt.u32 s30, $0x778;
	[tilespmem:v28+s22+$0x0] =	vst.idx.add.f32.msk $0xffff, v2  }
0x1d1: {  	v14 =	vmul.f32 $3.100000000e+01, v14;
	v15 =	vmul.f32 $3.100000000e+01, v15;
	v28 =	vld [tilespmem:s31+$0x16850];
	v9 =	vadd.f32 v31, v26  }
0x1d2: {  	v16 =	vmul.f32 $3.100000000e+01, v16;
	v17 =	vmul.f32 $3.100000000e+01, v17;
	v27 =	vadd.f32 v32, v27;
	s2 =	sshrl.u32 s0, $0x17;
	v26 =	vld [tilespmem:s31+$0x16860]  }
0x1d3: {  	v30 =	vmul.f32 $3.100000000e+01, v12;
	v31 =	vmul.f32 $3.100000000e+01, v10;
	v7 =	vadd.f32 v18, v7;
	s2 =	smul.u32 $0xF0, s2;
	v29 =	vld [tilespmem:s31+$0x16870]  }
0x1d4: {  	v20 =	vmul.f32 $3.100000000e+01, v20;
	v18 =	vmul.f32 $3.100000000e+01, v11;
	v19 =	vadd.f32 v27, v19  }
0x1d5: {  	v21 =	vmul.f32 $3.100000000e+01, v21;
	v22 =	vmul.f32 $3.100000000e+01, v22;
	s31 =	sshrl.u32 s0, $0x1A;
	s2 =	ssub.s32 s30, s2  }
0x1d6: {  	v23 =	vmul.f32 $3.100000000e+01, v23;
	v24 =	vmul.f32 $3.100000000e+01, v24;
	s31 =	smul.u32 $0x7800, s31;
	s2 =	sshll.u32 s2, $0x7;
	v12 =	vsub.f32 v12, v28  }
0x1d7: {  	s0 =	sshrl.u32 s0, $0x10;
	v27 =	vmul.f32 $3.100000000e+01, v28;
	s2 =	sand.u32 $0xFF80, s2;
	v28 =	vmul.f32 $3.100000000e+01, v26;
	v10 =	vsub.f32 v10, v26  }
0x1d8: {  	s0 =	sand.u32 $0x380, s0;
	v26 =	vtrunc.f32 v13;
	s2 =	sadd.s32 s2, s31;
	v32 =	vmul.f32 $3.100000000e+01, v29;
	v11 =	vsub.f32 v11, v29  }
0x1d9: {  	v33 =	vtrunc.f32 v15;
	v29 =	vtrunc.f32 v14;
	v12 =	vand.u32 $0x7FFFFFFF, v12;
	s31 =	sor.u32 s0, s2  }
0x1da: {  	v34 =	vtrunc.f32 v16;
	v35 =	vtrunc.f32 v17;
	v10 =	vand.u32 $0x7FFFFFFF, v10;
	v13 =	vld [tilespmem:s31+$0x7800]  }
0x1db: {  	v30 =	vtrunc.f32 v30;
	v31 =	vtrunc.f32 v31;
	v11 =	vand.u32 $0x7FFFFFFF, v11;
	v14 =	vld [tilespmem:s31+$0x7810]  }
0x1dc: {  	v20 =	vtrunc.f32 v20;
	v36 =	vtrunc.f32 v18;
	v18 =	vadd.f32 v12, v25;
	v15 =	vld [tilespmem:s31+$0x7820]  }
0x1dd: {  	v21 =	vtrunc.f32 v21;
	v25 =	vtrunc.f32 v22;
	v10 =	vadd.f32 v11, v10;
	v16 =	vld [tilespmem:s31+$0x7830]  }
0x1de: {  	v37 =	vtrunc.f32 v23;
	v38 =	vtrunc.f32 v24;
	v8 =	vadd.f32 v19, v8;
	v17 =	vld [tilespmem:s31+$0x7840]  }
0x1df: {  	v22 =	vcvt.f32.s32 v26;
	v26 =	vtrunc.f32 v27;
	v18 =	vadd.f32 v10, v18;
	v12 =	vld [tilespmem:s31+$0x7850]  }
0x1e0: {  	v23 =	vcvt.f32.s32 v20;
	v27 =	vtrunc.f32 v28;
	v10 =	vld [tilespmem:s31+$0x7860];
	v19 =	vadd.f32 v14, v13  }
0x1e1: {  	v24 =	vcvt.f32.s32 v29;
	v28 =	vtrunc.f32 v32;
	v22 =	vshll.u32 v22, $0x4;
	v11 =	vld [tilespmem:s31+$0x7870]  }
0x1e2: {  	v23 =	vshll.u32 v23, $0x4;
	v29 =	vcvt.f32.s32 v21;
	v32 =	vor.u32 v0, v22;
	v20 =	vld [tilespmem:s31+$0x16800]  }
0x1e3: {  	v33 =	vcvt.f32.s32 v33;
	v39 =	vor.u32 v0, v23;
	v24 =	vshll.u32 v24, $0x4;
	v21 =	vld [tilespmem:s31+$0x16810]  }
0x1e4: {  	v25 =	vcvt.f32.s32 v25;
	v29 =	vshll.u32 v29, $0x4;
	v40 =	vor.u32 v0, v24;
	v22 =	vld [tilespmem:s31+$0x16820]  }
0x1e5: {  	v34 =	vcvt.f32.s32 v34;
	v33 =	vshll.u32 v33, $0x4;
	v29 =	vor.u32 v0, v29;
	v23 =	vld [tilespmem:s31+$0x16830]  }
0x1e6: {  	v37 =	vcvt.f32.s32 v37;
	v33 =	vor.u32 v0, v33;
	v25 =	vshll.u32 v25, $0x4;
	v24 =	vld [tilespmem:s31+$0x16840]  }
0x1e7: {  	v35 =	vcvt.f32.s32 v35;
	v34 =	vshll.u32 v34, $0x4;
	v25 =	vor.u32 v0, v25;
	[tilespmem:v32+s21+$0x0] =	vst.idx.add.f32.msk $0xffff, v2  }
0x1e8: {  	v34 =	vor.u32 v0, v34;
	v32 =	vshll.u32 v37, $0x4;
	v37 =	vcvt.f32.s32 v38;
	[tilespmem:v39+s22+$0x0] =	vst.idx.add.f32.msk $0xffff, v2  }
0x1e9: {  	v30 =	vcvt.f32.s32 v30;
	v35 =	vshll.u32 v35, $0x4;
	v32 =	vor.u32 v0, v32;
	[tilespmem:v40+s21+$0x0] =	vst.idx.add.f32.msk $0xffff, v2  }
0x1ea: {  	v26 =	vcvt.f32.s32 v26;
	v37 =	vshll.u32 v37, $0x4;
	[tilespmem:v29+s22+$0x0] =	vst.idx.add.f32.msk $0xffff, v2;
	v29 =	vor.u32 v0, v35  }
0x1eb: {  	v30 =	vshll.u32 v30, $0x4;
	v31 =	vcvt.f32.s32 v31;
	[tilespmem:v33+s21+$0x0] =	vst.idx.add.f32.msk $0xffff, v2;
	v33 =	vor.u32 v0, v37  }
0x1ec: {  	v27 =	vcvt.f32.s32 v27;
	v26 =	vshll.u32 v26, $0x4;
	[tilespmem:v25+s22+$0x0] =	vst.idx.add.f32.msk $0xffff, v2;
	v25 =	vor.u32 v0, v30  }
0x1ed: {  	v26 =	vor.u32 v0, v26;
	v30 =	vshll.u32 v31, $0x4;
	v31 =	vcvt.f32.s32 v36;
	[tilespmem:v34+s21+$0x0] =	vst.idx.add.f32.msk $0xffff, v2  }
0x1ee: {  	v28 =	vcvt.f32.s32 v28;
	v27 =	vshll.u32 v27, $0x4;
	[tilespmem:v32+s22+$0x0] =	vst.idx.add.f32.msk $0xffff, v2;
	v32 =	vor.u32 v0, v30  }
0x1ef: {  	v34 =	vor.u32 v0, v27;
	v30 =	vsub.f32 v13, v20;
	v31 =	vshll.u32 v31, $0x4;
	[tilespmem:v29+s21+$0x0] =	vst.idx.add.f32.msk $0xffff, v2  }
.Ltmp3:
0x1f0: {  	v28 =	vshll.u32 v28, $0x4;
	v27 =	vsub.f32 v14, v21;
	v29 =	vor.u32 v0, v31;
	[tilespmem:v33+s22+$0x0] =	vst.idx.add.f32.msk $0xffff, v2;
	(pc) =	sbr.rel @p2 .LBB2_5-.Ltmp3, $4  }
0x1f1: {  	v28 =	vor.u32 v0, v28;
	v31 =	vsub.f32 v15, v22;
	v30 =	vand.u32 $0x7FFFFFFF, v30;
	[tilespmem:v25+s21+$0x0] =	vst.idx.add.f32.msk $0xffff, v2  }
0x1f2: {  	v33 =	vsub.f32 v17, v24;
	v25 =	vand.u32 $0x7FFFFFFF, v27;
	v27 =	vsub.f32 v16, v23;
	[tilespmem:v26+s22+$0x0] =	vst.idx.add.f32.msk $0xffff, v2  }
0x1f3: {  	v31 =	vand.u32 $0x7FFFFFFF, v31;
	v26 =	vadd.f32 v25, v30;
	v30 =	vadd.f32 v16, v15;
	[tilespmem:v32+s21+$0x0] =	vst.idx.add.f32.msk $0xffff, v2  }
0x1f4: {  	v25 =	vand.u32 $0x7FFFFFFF, v33;
	v32 =	vand.u32 $0x7FFFFFFF, v27;
	v27 =	vadd.f32 v12, v17;
	[tilespmem:v34+s22+$0x0] =	vst.idx.add.f32.msk $0xffff, v2  }
0x1f5: {  	v13 =	vmul.f32 $3.100000000e+01, v13;
	v14 =	vmul.f32 $3.100000000e+01, v14  }
0x1f6: {  	v15 =	vmul.f32 $3.100000000e+01, v15;
	v16 =	vmul.f32 $3.100000000e+01, v16  }
0x1f7: {  	v17 =	vmul.f32 $3.100000000e+01, v17;
	v36 =	vmul.f32 $3.100000000e+01, v12  }
0x1f8: {  	v37 =	vmul.f32 $3.100000000e+01, v10;
	v38 =	vmul.f32 $3.100000000e+01, v11  }
0x1f9: {  	v20 =	vmul.f32 $3.100000000e+01, v20;
	v21 =	vmul.f32 $3.100000000e+01, v21  }
0x1fa: {  	v22 =	vmul.f32 $3.100000000e+01, v22;
	v23 =	vmul.f32 $3.100000000e+01, v23  }
0x1fb: {  	v24 =	vmul.f32 $3.100000000e+01, v24;
	v13 =	vtrunc.f32 v13  }
0x1fc: {  	v14 =	vtrunc.f32 v14;
	v15 =	vtrunc.f32 v15  }
0x1fd: {  	v16 =	vtrunc.f32 v16;
	v17 =	vtrunc.f32 v17  }
0x1fe: {  	v60 =	vtrunc.f32 v36;
	v61 =	vtrunc.f32 v37  }
0x1ff: {  	v62 =	vtrunc.f32 v38;
	v20 =	vtrunc.f32 v20  }
0x200: {  	v21 =	vtrunc.f32 v21;
	v22 =	vtrunc.f32 v22  }
0x201: {  	v23 =	vtrunc.f32 v23;
	v24 =	vtrunc.f32 v24  }
0x202: {  	v33 =	vld [tilespmem:s31+$0x16850];
	v13 =	vcvt.f32.s32 v13;
	v20 =	vcvt.f32.s32 v20  }
0x203: {  	v34 =	vld [tilespmem:s31+$0x16860];
	v14 =	vcvt.f32.s32 v14;
	v21 =	vcvt.f32.s32 v21  }
0x204: {  	v35 =	vld [tilespmem:s31+$0x16870];
	v15 =	vcvt.f32.s32 v15;
	v22 =	vcvt.f32.s32 v22  }
0x205: {  	v16 =	vcvt.f32.s32 v16;
	v23 =	vcvt.f32.s32 v23  }
0x206: {  	v31 =	vadd.f32 v32, v31;
	v38 =	vcvt.f32.s32 v17;
	v41 =	vcvt.f32.s32 v24  }
0x207: {  	v19 =	vadd.f32 v30, v19;
	v42 =	vcvt.f32.s32 v60;
	v47 =	vcvt.f32.s32 v61  }
0x208: {  	v9 =	vadd.f32 v18, v9;
	v53 =	vcvt.f32.s32 v62;
	v56 =	vmul.f32 $3.100000000e+01, v33  }
0x209: {  	v39 =	vmul.f32 $3.100000000e+01, v34;
	v57 =	vmul.f32 $3.100000000e+01, v35;
	v13 =	vshll.u32 v13, $0x4  }
0x20a: {  	v58 =	vsub.f32 v12, v33;
	v20 =	vshll.u32 v20, $0x4;
	v13 =	vor.u32 v0, v13  }
0x20b: {  	v59 =	vsub.f32 v10, v34;
	v14 =	vshll.u32 v14, $0x4;
	v20 =	vor.u32 v0, v20  }
0x20c: {  	v10 =	vadd.f32 v11, v10;
	v21 =	vshll.u32 v21, $0x4;
	v14 =	vor.u32 v0, v14  }
0x20d: {  	[tilespmem:v29+s21+$0x0] =	vst.idx.add.f32.msk $0xffff, v2;
	v11 =	vsub.f32 v11, v35;
	v15 =	vshll.u32 v15, $0x4;
	v21 =	vor.u32 v0, v21  }
0x20e: {  	[tilespmem:v28+s22+$0x0] =	vst.idx.add.f32.msk $0xffff, v2;
	v22 =	vshll.u32 v22, $0x4;
	v37 =	vshll.u32 v16, $0x4;
	v15 =	vor.u32 v0, v15  }
0x20f: {  	v40 =	vshll.u32 v23, $0x4;
	v63 =	vtrunc.f32 v39;
	v39 =	vor.u32 v0, v22;
	[tilespmem:v13+s21+$0x0] =	vst.idx.add.f32.msk $0xffff, v2  }
0x210: {  	v16 =	vshll.u32 v38, $0x4;
	v44 =	vshll.u32 v41, $0x4;
	v13 =	vor.u32 v0, v37;
	[tilespmem:v20+s22+$0x0] =	vst.idx.add.f32.msk $0xffff, v2  }
0x211: {  	v46 =	vshll.u32 v42, $0x4;
	v43 =	vor.u32 v0, v40;
	v32 =	vtrunc.f32 v56;
	[tilespmem:v14+s21+$0x0] =	vst.idx.add.f32.msk $0xffff, v2  }
0x212: {  	v52 =	vshll.u32 v47, $0x4;
	v16 =	vor.u32 v0, v16;
	v45 =	vcvt.f32.s32 v32;
	[tilespmem:v21+s22+$0x0] =	vst.idx.add.f32.msk $0xffff, v2  }
0x213: {  	v48 =	vor.u32 v0, v44;
	v51 =	vor.u32 v0, v46;
	v12 =	vand.u32 $0x7FFFFFFF, v58;
	[tilespmem:v15+s21+$0x0] =	vst.idx.add.f32.msk $0xffff, v2  }
0x214: {  	v18 =	vand.u32 $0x7FFFFFFF, v59;
	v50 =	vcvt.f32.s32 v63;
	v49 =	vshll.u32 v45, $0x4;
	[tilespmem:v39+s22+$0x0] =	vst.idx.add.f32.msk $0xffff, v2  }
0x215: {  	v11 =	vand.u32 $0x7FFFFFFF, v11;
	v30 =	vtrunc.f32 v57;
	v54 =	vor.u32 v0, v49;
	[tilespmem:v13+s21+$0x0] =	vst.idx.add.f32.msk $0xffff, v2  }
0x216: {  	v57 =	vor.u32 v0, v52;
	v56 =	vcvt.f32.s32 v30;
	v55 =	vshll.u32 v50, $0x4;
	[tilespmem:v43+s22+$0x0] =	vst.idx.add.f32.msk $0xffff, v2  }
0x217: {  	v58 =	vshll.u32 v53, $0x4;
	v12 =	vadd.f32 v12, v25;
	v59 =	vor.u32 v0, v55;
	[tilespmem:v16+s21+$0x0] =	vst.idx.add.f32.msk $0xffff, v2  }
0x218: {  	v11 =	vadd.f32 v11, v18;
	v61 =	vor.u32 v0, v58;
	v60 =	vshll.u32 v56, $0x4;
	[tilespmem:v48+s22+$0x0] =	vst.idx.add.f32.msk $0xffff, v2  }
0x219: {  	v62 =	vadd.f32 v31, v26;
	v63 =	vor.u32 v0, v60;
	[tilespmem:v51+s21+$0x0] =	vst.idx.add.f32.msk $0xffff, v2  }
.Ltmp4:
0x21a: {  	v10 =	vadd.f32 v10, v27;
	v11 =	vadd.f32 v11, v12;
	[tilespmem:v54+s22+$0x0] =	vst.idx.add.f32.msk $0xffff, v2;
	(pc) =	sbr.rel @p1 .LBB2_8-.Ltmp4, $4  }
0x21b: {  	v7 =	vadd.f32 v9, v7;
	[tilespmem:v57+s21+$0x0] =	vst.idx.add.f32.msk $0xffff, v2  }
0x21c: {  	v9 =	vadd.f32 v10, v19;
	v10 =	vadd.f32 v11, v62;
	[tilespmem:v59+s22+$0x0] =	vst.idx.add.f32.msk $0xffff, v2  }
0x21d: {  	[tilespmem:v61+s21+$0x0] =	vst.idx.add.f32.msk $0xffff, v2  }
0x21e: {  	v9 =	vadd.f32 v9, v8;
	v7 =	vadd.f32 v10, v7;
	[tilespmem:v63+s22+$0x0] =	vst.idx.add.f32.msk $0xffff, v2  }
0x21f: {  	s0 =	sshll.u32 s29, $0x6  }
0x220: {  	s0 =	sadd.s32 s10, s0  }
0x221: {  	s0 =	smul.u32 $0xF00, s0  }
.Ltmp5:
0x222: {  	_ = 	snop;
	(pc) =	sbr.rel .LBB2_2-.Ltmp5, $4  }
0x223: {  	s2 =	sadd.s32 s1, s0  }
0x224: {  	[tilespmem:s18], [sflag:$0x2] =	stream.linear.gather [hbm4b:s2+s4], $0x7800, $0x38;
	[tilespmem:$0x1E480] =	vst v63  }
0x225: {  	s29 =	sadd.s32 $0x1, s29;
	s0 =	sadd.s32 s3, s0  }
0x226: {  	[tilespmem:s19], [sflag:$0x4] =	stream.linear.gather [hbm4b:s0+s4], $0x7800, $0x38;
	[tilespmem:$0x1E480] =	vst v63  }
.LBB2_8:
.Ltmp6:
0x227: {  	(pc) =	sbr.rel @p0 .LBB2_12-.Ltmp6, $1  }
0x228: {  	_ =	sdelay $0x3  }
0x229: {  	s0 =	simm.s32 $0x0  }
0x22a: {  	s0 =	smul.u32 $0x8889, s0;
	_ =	sdelay $0x1  }
0x22b: {  	s2 =	sshrl.u32 s0, $0x16  }
0x22c: {  	s2 =	smul.u32 $0x78, s2  }
0x22d: {  	_ =	swait.ge [sflag:s11], $0x3C00  }
0x22e: {  	[sflag:s11] =	ssyncset.done $0x0;
	s29 =	sshrl.u32 s0, $0x19;
	s2 =	ssub.s32 $0x0, s2  }
0x22f: {  	[sflag:s11] =	ssyncadd.s32 $0xFFFFC400;
	s29 =	smul.u32 $0x7800, s29;
	s2 =	sshll.u32 s2, $0x7  }
0x230: {  	_ =	swait.ge [sflag:s20], $0x3C00;
	s0 =	sshrl.u32 s0, $0xF;
	s2 =	sand.u32 $0xFF80, s2  }
0x231: {  	[sflag:s20] =	ssyncset.done $0x0;
	s0 =	sand.u32 $0x380, s0;
	s2 =	sadd.s32 s2, s29  }
0x232: {  	[sflag:s20] =	ssyncadd.s32 $0xFFFFC400;
	s0 =	sor.u32 s0, s2  }
0x233: {  	v8 =	vld [tilespmem:s0+$0x0]  }
0x234: {  	v10 =	vld [tilespmem:s0+$0x10]  }
0x235: {  	v11 =	vld [tilespmem:s0+$0x20]  }
0x236: {  	v12 =	vld [tilespmem:s0+$0x30]  }
0x237: {  	v13 =	vld [tilespmem:s0+$0x40]  }
0x238: {  	v14 =	vld [tilespmem:s0+$0xF000]  }
0x239: {  	v15 =	vld [tilespmem:s0+$0xF010]  }
0x23a: {  	v16 =	vld [tilespmem:s0+$0xF020]  }
0x23b: {  	v17 =	vld [tilespmem:s0+$0xF030]  }
0x23c: {  	v18 =	vld [tilespmem:s0+$0xF040]  }
0x23d: {  	v21 =	vld [tilespmem:s0+$0x60]  }
0x23e: {  	v19 =	vld [tilespmem:s0+$0x50]  }
0x23f: {  	v20 =	vsub.f32 v8, v14;
	v22 =	vsub.f32 v10, v15  }
0x240: {  	v24 =	vsub.f32 v11, v16;
	v25 =	vsub.f32 v12, v17  }
0x241: {  	v27 =	vadd.f32 v10, v8;
	v8 =	vmul.f32 $3.100000000e+01, v8;
	v30 =	vmul.f32 $3.100000000e+01, v10  }
0x242: {  	v26 =	vsub.f32 v13, v18;
	v31 =	vmul.f32 $3.100000000e+01, v13;
	v32 =	vmul.f32 $3.100000000e+01, v21  }
0x243: {  	s29 =	simm.s32 $0x8;
	v23 =	vld [tilespmem:s0+$0x70];
	v28 =	vadd.f32 v19, v13;
	v33 =	vmul.f32 $3.100000000e+01, v15;
	v34 =	vmul.f32 $3.100000000e+01, v16  }
0x244: {  	s2 =	smul.u32 $0x8889, s29;
	v35 =	vmul.f32 $3.100000000e+01, v17;
	v18 =	vmul.f32 $3.100000000e+01, v18;
	v20 =	vand.u32 $0x7FFFFFFF, v20  }
0x245: {  	v22 =	vand.u32 $0x7FFFFFFF, v22;
	v24 =	vand.u32 $0x7FFFFFFF, v24;
	v25 =	vand.u32 $0x7FFFFFFF, v25  }
0x246: {  	s30 =	sshrl.u32 s2, $0x16;
	v26 =	vand.u32 $0x7FFFFFFF, v26;
	v31 =	vtrunc.f32 v31;
	v32 =	vtrunc.f32 v32  }
0x247: {  	s30 =	smul.u32 $0x78, s30;
	v52 =	vtrunc.f32 v35;
	v20 =	vadd.f32 v22, v20;
	v22 =	vadd.f32 v12, v11  }
0x248: {  	v29 =	vld [tilespmem:s0+$0xF050];
	v53 =	vtrunc.f32 v18;
	v24 =	vadd.f32 v25, v24;
	v25 =	vadd.f32 v23, v21  }
0x249: {  	s31 =	ssub.s32 $0x8, s30;
	s30 =	sshrl.u32 s2, $0x19;
	v11 =	vmul.f32 $3.100000000e+01, v11;
	v12 =	vmul.f32 $3.100000000e+01, v12;
	v22 =	vadd.f32 v22, v27;
	v27 =	vld [tilespmem:s0+$0xF060]  }
0x24a: {  	s30 =	smul.u32 $0x7800, s30;
	v31 =	vcvt.f32.s32 v31;
	v56 =	vcvt.f32.s32 v53;
	v13 =	vadd.f32 v25, v28;
	v25 =	vld [tilespmem:s0+$0xF070];
	s0 =	sshll.u32 s31, $0x7  }
0x24b: {  	s2 =	sshrl.u32 s2, $0xF;
	v32 =	vcvt.f32.s32 v32;
	v10 =	vadd.f32 v24, v20;
	v20 =	vmul.f32 $3.100000000e+01, v23;
	s0 =	sand.u32 $0xFF80, s0  }
0x24c: {  	s2 =	sand.u32 $0x380, s2;
	v28 =	vmul.f32 $3.100000000e+01, v19;
	v24 =	vmul.f32 $3.100000000e+01, v14;
	v22 =	vadd.f32 v13, v22;
	s0 =	sadd.s32 s0, s30  }
0x24d: {  	v13 =	vsub.f32 v19, v29;
	v19 =	vmul.f32 $3.100000000e+01, v29;
	v36 =	vtrunc.f32 v20;
	s30 =	sor.u32 s2, s0  }
0x24e: {  	v31 =	vshll.u32 v31, $0x4;
	v20 =	vtrunc.f32 v24;
	v24 =	vtrunc.f32 v33;
	v15 =	vld [tilespmem:s30+$0x20]  }
0x24f: {  	v24 =	vcvt.f32.s32 v24;
	v16 =	vld [tilespmem:s30+$0x30];
	v29 =	vmul.f32 $3.100000000e+01, v27;
	v14 =	vsub.f32 v21, v27  }
0x250: {  	v17 =	vld [tilespmem:s30+$0x40];
	v21 =	vtrunc.f32 v8;
	v27 =	vmul.f32 $3.100000000e+01, v25;
	v8 =	vsub.f32 v23, v25  }
0x251: {  	v25 =	vtrunc.f32 v11;
	v11 =	vand.u32 $0x7FFFFFFF, v13;
	v13 =	vld [tilespmem:s30+$0x0];
	v24 =	vshll.u32 v24, $0x4  }
0x252: {  	v23 =	vtrunc.f32 v30;
	v30 =	vtrunc.f32 v12;
	v40 =	vor.u32 v0, v24;
	v24 =	vld [tilespmem:s30+$0xF040]  }
0x253: {  	v21 =	vcvt.f32.s32 v21;
	v12 =	vand.u32 $0x7FFFFFFF, v14;
	v14 =	vld [tilespmem:s30+$0x10];
	v8 =	vand.u32 $0x7FFFFFFF, v8  }
0x254: {  	v51 =	vadd.f32 v8, v12;
	v8 =	vadd.f32 v22, v9;
	v12 =	vld [tilespmem:s30+$0x50];
	v22 =	vcvt.f32.s32 v20  }
0x255: {  	v11 =	vadd.f32 v11, v26;
	v23 =	vcvt.f32.s32 v23;
	v9 =	vld [tilespmem:s30+$0x60];
	v21 =	vshll.u32 v21, $0x4  }
0x256: {  	v26 =	vtrunc.f32 v34;
	v20 =	vld [tilespmem:s30+$0xF000];
	v54 =	vor.u32 v0, v21;
	v22 =	vshll.u32 v22, $0x4  }
0x257: {  	v25 =	vcvt.f32.s32 v25;
	v23 =	vshll.u32 v23, $0x4;
	v21 =	vld [tilespmem:s30+$0xF010];
	v38 =	vor.u32 v0, v22  }
0x258: {  	v31 =	vor.u32 v0, v31;
	v26 =	vcvt.f32.s32 v26;
	v39 =	vor.u32 v0, v23;
	v23 =	vld [tilespmem:s30+$0xF030]  }
0x259: {  	v30 =	vcvt.f32.s32 v30;
	v25 =	vshll.u32 v25, $0x4;
	v18 =	vadd.f32 v51, v11;
	v11 =	vld [tilespmem:s30+$0x70]  }
0x25a: {  	v34 =	vcvt.f32.s32 v52;
	v26 =	vshll.u32 v26, $0x4;
	v25 =	vor.u32 v0, v25;
	v22 =	vld [tilespmem:s30+$0xF020]  }
0x25b: {  	v28 =	vtrunc.f32 v28;
	v30 =	vshll.u32 v30, $0x4;
	v26 =	vor.u32 v0, v26;
	[tilespmem:v54+s21+$0x0] =	vst.idx.add.f32.msk $0xffff, v2  }
0x25c: {  	v28 =	vcvt.f32.s32 v28;
	v55 =	vshll.u32 v34, $0x4;
	v30 =	vor.u32 v0, v30;
	[tilespmem:v38+s22+$0x0] =	vst.idx.add.f32.msk $0xffff, v2  }
0x25d: {  	v59 =	vcvt.f32.s32 v36;
	v37 =	vtrunc.f32 v19;
	v33 =	vor.u32 v0, v55;
	[tilespmem:v39+s21+$0x0] =	vst.idx.add.f32.msk $0xffff, v2  }
0x25e: {  	v57 =	vcvt.f32.s32 v37;
	v29 =	vtrunc.f32 v29;
	v34 =	vshll.u32 v56, $0x4;
	[tilespmem:v40+s22+$0x0] =	vst.idx.add.f32.msk $0xffff, v2  }
0x25f: {  	v28 =	vshll.u32 v28, $0x4;
	v29 =	vcvt.f32.s32 v29;
	[tilespmem:v25+s21+$0x0] =	vst.idx.add.f32.msk $0xffff, v2;
	v25 =	vor.u32 v0, v34  }
0x260: {  	v27 =	vtrunc.f32 v27;
	v58 =	vshll.u32 v57, $0x4;
	[tilespmem:v26+s22+$0x0] =	vst.idx.add.f32.msk $0xffff, v2;
	v26 =	vor.u32 v0, v28  }
0x261: {  	v29 =	vshll.u32 v29, $0x4;
	v28 =	vshll.u32 v32, $0x4;
	[tilespmem:v30+s21+$0x0] =	vst.idx.add.f32.msk $0xffff, v2;
	v30 =	vor.u32 v0, v58  }
0x262: {  	v27 =	vcvt.f32.s32 v27;
	v61 =	vor.u32 v0, v29;
	v60 =	vor.u32 v0, v28;
	[tilespmem:v33+s22+$0x0] =	vst.idx.add.f32.msk $0xffff, v2  }
0x263: {  	v63 =	vsub.f32 v17, v24;
	v32 =	vshll.u32 v59, $0x4;
	v28 =	vsub.f32 v13, v20;
	[tilespmem:v31+s21+$0x0] =	vst.idx.add.f32.msk $0xffff, v2  }
0x264: {  	v27 =	vshll.u32 v27, $0x4;
	v29 =	vor.u32 v0, v32;
	v31 =	vsub.f32 v14, v21;
	[tilespmem:v25+s22+$0x0] =	vst.idx.add.f32.msk $0xffff, v2  }
0x265: {  	v62 =	vsub.f32 v15, v22;
	v25 =	vand.u32 $0x7FFFFFFF, v28;
	v28 =	vor.u32 v0, v27;
	[tilespmem:v26+s21+$0x0] =	vst.idx.add.f32.msk $0xffff, v2  }
0x266: {  	v19 =	vadd.f32 v14, v13;
	v27 =	vsub.f32 v16, v23;
	v26 =	vand.u32 $0x7FFFFFFF, v31;
	[tilespmem:v30+s22+$0x0] =	vst.idx.add.f32.msk $0xffff, v2  }
0x267: {  	v31 =	vand.u32 $0x7FFFFFFF, v62;
	v26 =	vadd.f32 v26, v25;
	v30 =	vadd.f32 v16, v15;
	[tilespmem:v60+s21+$0x0] =	vst.idx.add.f32.msk $0xffff, v2  }
0x268: {  	v32 =	vand.u32 $0x7FFFFFFF, v27;
	v25 =	vand.u32 $0x7FFFFFFF, v63;
	v27 =	vadd.f32 v12, v17;
	[tilespmem:v61+s22+$0x0] =	vst.idx.add.f32.msk $0xffff, v2  }
.LBB2_10:
0x269: {  	s29 =	sadd.s32 $0x8, s29;
	v31 =	vadd.f32 v32, v31;
	v32 =	vadd.f32 v11, v9;
	[tilespmem:v29+s21+$0x0] =	vst.idx.add.f32.msk $0xffff, v2  }
0x26a: {  	v13 =	vmul.f32 $3.100000000e+01, v13;
	v19 =	vadd.f32 v30, v19;
	v18 =	vadd.f32 v18, v10;
	s0 =	smul.u32 $0x8889, s29;
	p1 =	slt.u32 s29, $0x3B8;
	[tilespmem:v28+s22+$0x0] =	vst.idx.add.f32.msk $0xffff, v2  }
0x26b: {  	v14 =	vmul.f32 $3.100000000e+01, v14;
	v15 =	vmul.f32 $3.100000000e+01, v15;
	v28 =	vld [tilespmem:s30+$0xF050];
	v10 =	vadd.f32 v31, v26  }
0x26c: {  	v16 =	vmul.f32 $3.100000000e+01, v16;
	v17 =	vmul.f32 $3.100000000e+01, v17;
	v27 =	vadd.f32 v32, v27;
	s2 =	sshrl.u32 s0, $0x16;
	v26 =	vld [tilespmem:s30+$0xF060]  }
0x26d: {  	v30 =	vmul.f32 $3.100000000e+01, v12;
	v31 =	vmul.f32 $3.100000000e+01, v9;
	v7 =	vadd.f32 v18, v7;
	s2 =	smul.u32 $0x78, s2;
	v29 =	vld [tilespmem:s30+$0xF070]  }
0x26e: {  	v20 =	vmul.f32 $3.100000000e+01, v20;
	v18 =	vmul.f32 $3.100000000e+01, v11;
	v19 =	vadd.f32 v27, v19  }
0x26f: {  	v21 =	vmul.f32 $3.100000000e+01, v21;
	v22 =	vmul.f32 $3.100000000e+01, v22;
	s30 =	sshrl.u32 s0, $0x19;
	s2 =	ssub.s32 s29, s2  }
0x270: {  	v23 =	vmul.f32 $3.100000000e+01, v23;
	v24 =	vmul.f32 $3.100000000e+01, v24;
	s30 =	smul.u32 $0x7800, s30;
	s2 =	sshll.u32 s2, $0x7;
	v12 =	vsub.f32 v12, v28  }
0x271: {  	s0 =	sshrl.u32 s0, $0xF;
	v27 =	vmul.f32 $3.100000000e+01, v28;
	s2 =	sand.u32 $0xFF80, s2;
	v28 =	vmul.f32 $3.100000000e+01, v26;
	v9 =	vsub.f32 v9, v26  }
0x272: {  	s0 =	sand.u32 $0x380, s0;
	v26 =	vtrunc.f32 v13;
	s2 =	sadd.s32 s2, s30;
	v32 =	vmul.f32 $3.100000000e+01, v29;
	v11 =	vsub.f32 v11, v29  }
0x273: {  	v33 =	vtrunc.f32 v15;
	v29 =	vtrunc.f32 v14;
	v12 =	vand.u32 $0x7FFFFFFF, v12;
	s30 =	sor.u32 s0, s2  }
0x274: {  	v34 =	vtrunc.f32 v16;
	v35 =	vtrunc.f32 v17;
	v9 =	vand.u32 $0x7FFFFFFF, v9;
	v13 =	vld [tilespmem:s30+$0x0]  }
0x275: {  	v30 =	vtrunc.f32 v30;
	v31 =	vtrunc.f32 v31;
	v11 =	vand.u32 $0x7FFFFFFF, v11;
	v14 =	vld [tilespmem:s30+$0x10]  }
0x276: {  	v20 =	vtrunc.f32 v20;
	v36 =	vtrunc.f32 v18;
	v18 =	vadd.f32 v12, v25;
	v15 =	vld [tilespmem:s30+$0x20]  }
0x277: {  	v21 =	vtrunc.f32 v21;
	v25 =	vtrunc.f32 v22;
	v9 =	vadd.f32 v11, v9;
	v16 =	vld [tilespmem:s30+$0x30]  }
0x278: {  	v37 =	vtrunc.f32 v23;
	v38 =	vtrunc.f32 v24;
	v8 =	vadd.f32 v19, v8;
	v17 =	vld [tilespmem:s30+$0x40]  }
0x279: {  	v22 =	vcvt.f32.s32 v26;
	v26 =	vtrunc.f32 v27;
	v18 =	vadd.f32 v9, v18;
	v12 =	vld [tilespmem:s30+$0x50]  }
0x27a: {  	v23 =	vcvt.f32.s32 v20;
	v27 =	vtrunc.f32 v28;
	v9 =	vld [tilespmem:s30+$0x60];
	v19 =	vadd.f32 v14, v13  }
0x27b: {  	v24 =	vcvt.f32.s32 v29;
	v28 =	vtrunc.f32 v32;
	v22 =	vshll.u32 v22, $0x4;
	v11 =	vld [tilespmem:s30+$0x70]  }
0x27c: {  	v23 =	vshll.u32 v23, $0x4;
	v29 =	vcvt.f32.s32 v21;
	v32 =	vor.u32 v0, v22;
	v20 =	vld [tilespmem:s30+$0xF000]  }
0x27d: {  	v33 =	vcvt.f32.s32 v33;
	v39 =	vor.u32 v0, v23;
	v24 =	vshll.u32 v24, $0x4;
	v21 =	vld [tilespmem:s30+$0xF010]  }
0x27e: {  	v25 =	vcvt.f32.s32 v25;
	v29 =	vshll.u32 v29, $0x4;
	v40 =	vor.u32 v0, v24;
	v22 =	vld [tilespmem:s30+$0xF020]  }
0x27f: {  	v34 =	vcvt.f32.s32 v34;
	v33 =	vshll.u32 v33, $0x4;
	v29 =	vor.u32 v0, v29;
	v23 =	vld [tilespmem:s30+$0xF030]  }
0x280: {  	v37 =	vcvt.f32.s32 v37;
	v33 =	vor.u32 v0, v33;
	v25 =	vshll.u32 v25, $0x4;
	v24 =	vld [tilespmem:s30+$0xF040]  }
0x281: {  	v35 =	vcvt.f32.s32 v35;
	v34 =	vshll.u32 v34, $0x4;
	v25 =	vor.u32 v0, v25;
	[tilespmem:v32+s21+$0x0] =	vst.idx.add.f32.msk $0xffff, v2  }
0x282: {  	v34 =	vor.u32 v0, v34;
	v32 =	vshll.u32 v37, $0x4;
	v37 =	vcvt.f32.s32 v38;
	[tilespmem:v39+s22+$0x0] =	vst.idx.add.f32.msk $0xffff, v2  }
0x283: {  	v30 =	vcvt.f32.s32 v30;
	v35 =	vshll.u32 v35, $0x4;
	v32 =	vor.u32 v0, v32;
	[tilespmem:v40+s21+$0x0] =	vst.idx.add.f32.msk $0xffff, v2  }
0x284: {  	v26 =	vcvt.f32.s32 v26;
	v37 =	vshll.u32 v37, $0x4;
	[tilespmem:v29+s22+$0x0] =	vst.idx.add.f32.msk $0xffff, v2;
	v29 =	vor.u32 v0, v35  }
0x285: {  	v30 =	vshll.u32 v30, $0x4;
	v31 =	vcvt.f32.s32 v31;
	[tilespmem:v33+s21+$0x0] =	vst.idx.add.f32.msk $0xffff, v2;
	v33 =	vor.u32 v0, v37  }
0x286: {  	v27 =	vcvt.f32.s32 v27;
	v26 =	vshll.u32 v26, $0x4;
	[tilespmem:v25+s22+$0x0] =	vst.idx.add.f32.msk $0xffff, v2;
	v25 =	vor.u32 v0, v30  }
0x287: {  	v26 =	vor.u32 v0, v26;
	v30 =	vshll.u32 v31, $0x4;
	v31 =	vcvt.f32.s32 v36;
	[tilespmem:v34+s21+$0x0] =	vst.idx.add.f32.msk $0xffff, v2  }
0x288: {  	v28 =	vcvt.f32.s32 v28;
	v27 =	vshll.u32 v27, $0x4;
	[tilespmem:v32+s22+$0x0] =	vst.idx.add.f32.msk $0xffff, v2;
	v32 =	vor.u32 v0, v30  }
0x289: {  	v34 =	vor.u32 v0, v27;
	v30 =	vsub.f32 v13, v20;
	v31 =	vshll.u32 v31, $0x4;
	[tilespmem:v29+s21+$0x0] =	vst.idx.add.f32.msk $0xffff, v2  }
.Ltmp7:
0x28a: {  	v28 =	vshll.u32 v28, $0x4;
	v27 =	vsub.f32 v14, v21;
	v29 =	vor.u32 v0, v31;
	[tilespmem:v33+s22+$0x0] =	vst.idx.add.f32.msk $0xffff, v2;
	(pc) =	sbr.rel @p1 .LBB2_10-.Ltmp7, $4  }
0x28b: {  	v28 =	vor.u32 v0, v28;
	v31 =	vsub.f32 v15, v22;
	v30 =	vand.u32 $0x7FFFFFFF, v30;
	[tilespmem:v25+s21+$0x0] =	vst.idx.add.f32.msk $0xffff, v2  }
0x28c: {  	v33 =	vsub.f32 v17, v24;
	v25 =	vand.u32 $0x7FFFFFFF, v27;
	v27 =	vsub.f32 v16, v23;
	[tilespmem:v26+s22+$0x0] =	vst.idx.add.f32.msk $0xffff, v2  }
0x28d: {  	v31 =	vand.u32 $0x7FFFFFFF, v31;
	v26 =	vadd.f32 v25, v30;
	v30 =	vadd.f32 v16, v15;
	[tilespmem:v32+s21+$0x0] =	vst.idx.add.f32.msk $0xffff, v2  }
0x28e: {  	v25 =	vand.u32 $0x7FFFFFFF, v33;
	v32 =	vand.u32 $0x7FFFFFFF, v27;
	v27 =	vadd.f32 v12, v17;
	[tilespmem:v34+s22+$0x0] =	vst.idx.add.f32.msk $0xffff, v2  }
0x28f: {  	v13 =	vmul.f32 $3.100000000e+01, v13;
	v14 =	vmul.f32 $3.100000000e+01, v14  }
0x290: {  	v15 =	vmul.f32 $3.100000000e+01, v15;
	v16 =	vmul.f32 $3.100000000e+01, v16  }
0x291: {  	v17 =	vmul.f32 $3.100000000e+01, v17;
	v36 =	vmul.f32 $3.100000000e+01, v12  }
0x292: {  	v37 =	vmul.f32 $3.100000000e+01, v9;
	v38 =	vmul.f32 $3.100000000e+01, v11  }
0x293: {  	v20 =	vmul.f32 $3.100000000e+01, v20;
	v21 =	vmul.f32 $3.100000000e+01, v21  }
0x294: {  	v22 =	vmul.f32 $3.100000000e+01, v22;
	v23 =	vmul.f32 $3.100000000e+01, v23  }
0x295: {  	v24 =	vmul.f32 $3.100000000e+01, v24;
	v13 =	vtrunc.f32 v13  }
0x296: {  	v14 =	vtrunc.f32 v14;
	v15 =	vtrunc.f32 v15  }
0x297: {  	v16 =	vtrunc.f32 v16;
	v17 =	vtrunc.f32 v17  }
0x298: {  	v60 =	vtrunc.f32 v36;
	v61 =	vtrunc.f32 v37  }
0x299: {  	v62 =	vtrunc.f32 v38;
	v20 =	vtrunc.f32 v20  }
0x29a: {  	v21 =	vtrunc.f32 v21;
	v22 =	vtrunc.f32 v22  }
0x29b: {  	v23 =	vtrunc.f32 v23;
	v24 =	vtrunc.f32 v24  }
0x29c: {  	v33 =	vld [tilespmem:s30+$0xF050];
	v13 =	vcvt.f32.s32 v13;
	v20 =	vcvt.f32.s32 v20  }
0x29d: {  	v34 =	vld [tilespmem:s30+$0xF060];
	v14 =	vcvt.f32.s32 v14;
	v21 =	vcvt.f32.s32 v21  }
0x29e: {  	v35 =	vld [tilespmem:s30+$0xF070];
	v15 =	vcvt.f32.s32 v15;
	v22 =	vcvt.f32.s32 v22  }
0x29f: {  	v16 =	vcvt.f32.s32 v16;
	v23 =	vcvt.f32.s32 v23  }
0x2a0: {  	v31 =	vadd.f32 v32, v31;
	v38 =	vcvt.f32.s32 v17;
	v41 =	vcvt.f32.s32 v24  }
0x2a1: {  	v19 =	vadd.f32 v30, v19;
	v42 =	vcvt.f32.s32 v60;
	v47 =	vcvt.f32.s32 v61  }
0x2a2: {  	v10 =	vadd.f32 v18, v10;
	v53 =	vcvt.f32.s32 v62;
	v56 =	vmul.f32 $3.100000000e+01, v33  }
0x2a3: {  	v39 =	vmul.f32 $3.100000000e+01, v34;
	v57 =	vmul.f32 $3.100000000e+01, v35;
	v13 =	vshll.u32 v13, $0x4  }
0x2a4: {  	v58 =	vsub.f32 v12, v33;
	v20 =	vshll.u32 v20, $0x4;
	v13 =	vor.u32 v0, v13  }
0x2a5: {  	v59 =	vsub.f32 v9, v34;
	v14 =	vshll.u32 v14, $0x4;
	v20 =	vor.u32 v0, v20  }
0x2a6: {  	v9 =	vadd.f32 v11, v9;
	v21 =	vshll.u32 v21, $0x4;
	v14 =	vor.u32 v0, v14  }
0x2a7: {  	[tilespmem:v29+s21+$0x0] =	vst.idx.add.f32.msk $0xffff, v2;
	v11 =	vsub.f32 v11, v35;
	v15 =	vshll.u32 v15, $0x4;
	v21 =	vor.u32 v0, v21  }
0x2a8: {  	[tilespmem:v28+s22+$0x0] =	vst.idx.add.f32.msk $0xffff, v2;
	v22 =	vshll.u32 v22, $0x4;
	v37 =	vshll.u32 v16, $0x4;
	v15 =	vor.u32 v0, v15  }
0x2a9: {  	v40 =	vshll.u32 v23, $0x4;
	v63 =	vtrunc.f32 v39;
	v39 =	vor.u32 v0, v22;
	[tilespmem:v13+s21+$0x0] =	vst.idx.add.f32.msk $0xffff, v2  }
0x2aa: {  	v16 =	vshll.u32 v38, $0x4;
	v44 =	vshll.u32 v41, $0x4;
	v13 =	vor.u32 v0, v37;
	[tilespmem:v20+s22+$0x0] =	vst.idx.add.f32.msk $0xffff, v2  }
0x2ab: {  	v46 =	vshll.u32 v42, $0x4;
	v43 =	vor.u32 v0, v40;
	v32 =	vtrunc.f32 v56;
	[tilespmem:v14+s21+$0x0] =	vst.idx.add.f32.msk $0xffff, v2  }
0x2ac: {  	v52 =	vshll.u32 v47, $0x4;
	v16 =	vor.u32 v0, v16;
	v45 =	vcvt.f32.s32 v32;
	[tilespmem:v21+s22+$0x0] =	vst.idx.add.f32.msk $0xffff, v2  }
0x2ad: {  	v48 =	vor.u32 v0, v44;
	v51 =	vor.u32 v0, v46;
	v12 =	vand.u32 $0x7FFFFFFF, v58;
	[tilespmem:v15+s21+$0x0] =	vst.idx.add.f32.msk $0xffff, v2  }
0x2ae: {  	v18 =	vand.u32 $0x7FFFFFFF, v59;
	v50 =	vcvt.f32.s32 v63;
	v49 =	vshll.u32 v45, $0x4;
	[tilespmem:v39+s22+$0x0] =	vst.idx.add.f32.msk $0xffff, v2  }
0x2af: {  	v11 =	vand.u32 $0x7FFFFFFF, v11;
	v30 =	vtrunc.f32 v57;
	v54 =	vor.u32 v0, v49;
	[tilespmem:v13+s21+$0x0] =	vst.idx.add.f32.msk $0xffff, v2  }
0x2b0: {  	v57 =	vor.u32 v0, v52;
	v56 =	vcvt.f32.s32 v30;
	v55 =	vshll.u32 v50, $0x4;
	[tilespmem:v43+s22+$0x0] =	vst.idx.add.f32.msk $0xffff, v2  }
0x2b1: {  	v58 =	vshll.u32 v53, $0x4;
	v12 =	vadd.f32 v12, v25;
	v59 =	vor.u32 v0, v55;
	[tilespmem:v16+s21+$0x0] =	vst.idx.add.f32.msk $0xffff, v2  }
0x2b2: {  	v11 =	vadd.f32 v11, v18;
	v61 =	vor.u32 v0, v58;
	v60 =	vshll.u32 v56, $0x4;
	[tilespmem:v48+s22+$0x0] =	vst.idx.add.f32.msk $0xffff, v2  }
0x2b3: {  	v62 =	vadd.f32 v31, v26;
	v63 =	vor.u32 v0, v60;
	[tilespmem:v51+s21+$0x0] =	vst.idx.add.f32.msk $0xffff, v2  }
.Ltmp8:
0x2b4: {  	v9 =	vadd.f32 v9, v27;
	v11 =	vadd.f32 v11, v12;
	[tilespmem:v54+s22+$0x0] =	vst.idx.add.f32.msk $0xffff, v2;
	(pc) =	sbr.rel .LBB2_12-.Ltmp8, $4  }
0x2b5: {  	v7 =	vadd.f32 v10, v7;
	[tilespmem:v57+s21+$0x0] =	vst.idx.add.f32.msk $0xffff, v2  }
0x2b6: {  	v9 =	vadd.f32 v9, v19;
	v10 =	vadd.f32 v11, v62;
	[tilespmem:v59+s22+$0x0] =	vst.idx.add.f32.msk $0xffff, v2  }
0x2b7: {  	[tilespmem:v61+s21+$0x0] =	vst.idx.add.f32.msk $0xffff, v2  }
0x2b8: {  	v9 =	vadd.f32 v9, v8;
	v7 =	vadd.f32 v10, v7;
	[tilespmem:v63+s22+$0x0] =	vst.idx.add.f32.msk $0xffff, v2  }
.LBB2_13:
0x2b9: {  	_ =	sfence.sel $0x180000  }
0x2ba: {  	[bflag:$0x0] =	sbarrier.arrive $0xFFFF  }
0x2bb: {  	_ =	strace $0x90000047  }
0x2bc: {  	s0 =	stileid.u32;
	[bflag:$0x2] =	sbarrier.arrive $0xFFFF  }
0x2bd: {  	p0 =	sne.s32 s0, $0x0;
	s0 =	rddreg [dreg:$0x3]  }
0x2be: {  	s0 =	sadd.s32 @!p0 $0x100000, s0  }
0x2bf: {  	[sflag:s0] =	ssyncadd.tile.s32 @!p0 $0x1;
	_ =	shalt  }
.Lfunc_end2:
_tile_overlayer_lowered:
.L_overlay_start_2:
0x2c0: {  	(tag) =	ssettag $0x2  }
0x2c1: {  	s0 =	rddreg [dreg:$0x0];
	s2 =	stileid.u32  }
0x2c2: {  	s1 =	rddreg [dreg:$0x1];
	p0 =	sne.s32 s2, $0x0  }
0x2c3: {  	s3 =	rddreg [dreg:$0x2];
	[bflag:$0x3] =	sbarrier.arrive $0xFFFF;
	s2 =	simm.s32 @!p0 $0x1C05  }
0x2c4: {  	[timem:s3], [sflag:s2] =	dma.local @!p0 [hbm:s0], s1  }
0x2c5: {  	s0 =	simm.s32 @!p0 $0x5  }
0x2c6: {  	_ =	swait.ge @!p0 [sflag:s0], s1  }
0x2c7: {  	s1 =	ssub.s32 @!p0 $0x0, s1;
	[sflag:s0] =	ssyncset.done @!p0 $0x0  }
0x2c8: {  	[sflag:s0] =	ssyncadd.s32 @!p0 s1  }
0x2c9: {  	[bflag:$0x3] =	sbarrier.arrive $0xFFFF  }
0x2ca: {  	_ =	shalt  }

</sc_bundles>
